<compile_context>
chip_gen: v7x
topology: tpu7x:2x2x1
jax: 0.10.2.dev20260603
libtpu: 0.0.44.dev20260713+nightly
codegen_flags: <defaults>
</compile_context>

<pallas_src>
import functools

import jax
import jax.numpy as jnp
from jax import lax
from jax.experimental import pallas as pl
from jax.experimental.pallas import tpu as pltpu
from jax.experimental.pallas import tpu_sc as plsc

N = 10000
D = 128
H = 128
DEC = 64

NSC = 2
NTILE = 16
LANE = 128

NP = 10240
ROWS_PER_TILE = NP // NTILE

EP = 327680
ECH = EP // (NSC * NTILE) // LANE
MP = 8192
MCH = MP // (NSC * NTILE) // LANE

_mesh = plsc.VectorSubcoreMesh(core_axis_name="c", subcore_axis_name="s",
                              num_cores=NSC, num_subcores=NTILE)



@functools.partial(
    pl.kernel,
    out_type=(jax.ShapeDtypeStruct((NSC, NP), jnp.float32),
              jax.ShapeDtypeStruct((NSC, NP), jnp.float32)),
    mesh=_mesh,
    scratch_types=[
        pltpu.VMEM((ECH, LANE), jnp.int32),
        pltpu.VMEM((MCH, LANE), jnp.int32),
        pltpu.VMEM((LANE,), jnp.float32),
        pltpu.VMEM_SHARED((NP,), jnp.float32),
        pltpu.VMEM_SHARED((NP,), jnp.float32),
        pltpu.SemaphoreType.DMA,
        pltpu.SemaphoreType.DMA,
    ],
)
def _sc_hist(ei_hbm, midx_hbm, z1_hbm, deg_out, msk_out,
             didx_v, midx_v, ones_v, deg_sh, msk_sh, sem0, sem1):
    c = lax.axis_index("c")
    s = lax.axis_index("s")
    t = c * NTILE + s
    r0 = s * ROWS_PER_TILE
    stage = [
        pltpu.async_copy(ei_hbm.at[1, pl.ds(t * ECH, ECH)], didx_v, sem0),
        pltpu.async_copy(midx_hbm.at[pl.ds(t * MCH, MCH)], midx_v, sem1),
        pltpu.async_copy(z1_hbm.at[pl.ds(r0, ROWS_PER_TILE)],
                         deg_sh.at[pl.ds(r0, ROWS_PER_TILE)], sem0),
        pltpu.async_copy(z1_hbm.at[pl.ds(r0, ROWS_PER_TILE)],
                         msk_sh.at[pl.ds(r0, ROWS_PER_TILE)], sem1),
    ]
    for i in range(LANE // 16):
        ones_v[pl.ds(i * 16, 16)] = jnp.ones((16,), jnp.float32)
    for dsc in stage:
        dsc.wait()
    plsc.subcore_barrier()

    @pl.loop(0, ECH)
    def _(j):
        pltpu.sync_copy(ones_v, deg_sh.at[didx_v.at[j]], add=True)

    for j in range(MCH):
        pltpu.sync_copy(ones_v, msk_sh.at[midx_v.at[j]], add=True)
    plsc.subcore_barrier()
    pltpu.sync_copy(deg_sh.at[pl.ds(r0, ROWS_PER_TILE)],
                    deg_out.at[c, pl.ds(r0, ROWS_PER_TILE)])
    pltpu.sync_copy(msk_sh.at[pl.ds(r0, ROWS_PER_TILE)],
                    msk_out.at[c, pl.ds(r0, ROWS_PER_TILE)])



W64 = 64
NBUF = 3
NOUT = ECH // NBUF
NREM = ECH - NOUT * NBUF


@functools.partial(
    pl.kernel,
    out_type=jax.ShapeDtypeStruct((NSC, NP, W64), jnp.float32),
    mesh=_mesh,
    scratch_types=[
        pltpu.VMEM((ECH, LANE), jnp.int32),
        pltpu.VMEM((ECH, LANE), jnp.int32),
        pltpu.VMEM_SHARED((NP, W64), jnp.float32),
        pltpu.VMEM_SHARED((NP, W64), jnp.float32),
    ] + [pltpu.VMEM((LANE, W64), jnp.float32)] * NBUF
      + [pltpu.SemaphoreType.DMA] * NBUF,
    compiler_params=pltpu.CompilerParams(use_tc_tiling_on_sc=False),
)
def _sc_edge64(tbl_hbm, ei_hbm, z2_hbm, out_hbm,
               sidx_v, didx_v, tbl_sh, acc_sh, *rest):
    rows = rest[:NBUF]
    sems = rest[NBUF:]
    c = lax.axis_index("c")
    s = lax.axis_index("s")
    t = c * NTILE + s
    r0 = s * ROWS_PER_TILE
    stage = [
        pltpu.async_copy(ei_hbm.at[0, pl.ds(t * ECH, ECH)], sidx_v, sems[0]),
        pltpu.async_copy(ei_hbm.at[1, pl.ds(t * ECH, ECH)], didx_v, sems[1]),
        pltpu.async_copy(tbl_hbm.at[pl.ds(r0, ROWS_PER_TILE)],
                         tbl_sh.at[pl.ds(r0, ROWS_PER_TILE)], sems[2]),
        pltpu.async_copy(z2_hbm.at[pl.ds(r0, ROWS_PER_TILE)],
                         acc_sh.at[pl.ds(r0, ROWS_PER_TILE)], sems[0]),
    ]
    for dsc in stage:
        dsc.wait()
    plsc.subcore_barrier()

    for b in range(NBUF):
        pltpu.async_copy(tbl_sh.at[sidx_v.at[b]], rows[b], sems[b])

    @pl.loop(0, NOUT)
    def _(o):
        for b in range(NBUF):
            j = o * NBUF + b
            pltpu.make_async_copy(
                tbl_sh.at[sidx_v.at[j]], rows[b], sems[b]).wait()
            pltpu.sync_copy(rows[b], acc_sh.at[didx_v.at[j]], add=True)

            @pl.when(o < NOUT - 1 + (1 if b < NREM else 0))
            def _():
                pltpu.async_copy(
                    tbl_sh.at[sidx_v.at[j + NBUF]], rows[b], sems[b])

    for b in range(NREM):
        j = NOUT * NBUF + b
        pltpu.make_async_copy(
            tbl_sh.at[sidx_v.at[j]], rows[b], sems[b]).wait()
        pltpu.sync_copy(rows[b], acc_sh.at[didx_v.at[j]], add=True)

    plsc.subcore_barrier()
    pltpu.sync_copy(acc_sh.at[pl.ds(r0, ROWS_PER_TILE)],
                    out_hbm.at[c, pl.ds(r0, ROWS_PER_TILE)])



BR = 1000
GRID = N // BR


def _tc1a_body(x_ref, w_ref, mtok_ref, o_ref, m1_ref):
    o_ref[...] = jnp.dot(x_ref[...], w_ref[...],
                         preferred_element_type=jnp.float32)

    @pl.when(pl.program_id(0) == 0)
    def _():
        m1_ref[...] = jnp.dot(mtok_ref[...], w_ref[...],
                              preferred_element_type=jnp.float32)


def _tc1a(x, W_enc, mask_token):
    return pl.pallas_call(
        _tc1a_body,
        grid=(GRID,),
        in_specs=[
            pl.BlockSpec((BR, D), lambda i: (i, 0)),
            pl.BlockSpec((D, H), lambda i: (0, 0)),
            pl.BlockSpec((1, D), lambda i: (0, 0)),
        ],
        out_specs=[pl.BlockSpec((BR, H), lambda i: (i, 0)),
                   pl.BlockSpec((1, H), lambda i: (0, 0))],
        out_shape=[jax.ShapeDtypeStruct((N, H), jnp.float32),
                   jax.ShapeDtypeStruct((1, H), jnp.float32)],
    )(x, W_enc, mask_token)


def _tc1b_body(xw_ref, m1_ref, deg_ref, msk_ref, oL_ref, oR_ref):
    deg = deg_ref[0] + deg_ref[1] + 1.0
    dinv = lax.rsqrt(jnp.maximum(deg, 1.0))
    msk = msk_ref[0] + msk_ref[1]
    p1 = jnp.where(msk > 0.5, m1_ref[...], xw_ref[...]) * dinv
    oL_ref[...] = p1[:, :DEC]
    oR_ref[...] = p1[:, DEC:]


def _tc1b(XW, M1, deg2, msk2):
    return pl.pallas_call(
        _tc1b_body,
        grid=(GRID,),
        in_specs=[
            pl.BlockSpec((BR, H), lambda i: (i, 0)),
            pl.BlockSpec((1, H), lambda i: (0, 0)),
            pl.BlockSpec((NSC, BR, 1), lambda i: (0, i, 0)),
            pl.BlockSpec((NSC, BR, 1), lambda i: (0, i, 0)),
        ],
        out_specs=[pl.BlockSpec((BR, DEC), lambda i: (i, 0)),
                   pl.BlockSpec((BR, DEC), lambda i: (i, 0))],
        out_shape=[jax.ShapeDtypeStruct((NP, DEC), jnp.float32),
                   jax.ShapeDtypeStruct((NP, DEC), jnp.float32)],
    )(XW, M1, deg2, msk2)


def _tc2a_body(s1L_ref, p1L_ref, deg_ref, b_ref, w_ref, o_ref):
    deg = deg_ref[0] + deg_ref[1] + 1.0
    dinv = lax.rsqrt(jnp.maximum(deg, 1.0))
    zL = (s1L_ref[0] + s1L_ref[1] + p1L_ref[...]) * dinv + b_ref[:, :DEC]
    o_ref[...] = jnp.dot(zL, w_ref[:DEC], preferred_element_type=jnp.float32)


def _tc2a(S1L, P1L, deg2, b_enc, W_dec):
    return pl.pallas_call(
        _tc2a_body,
        grid=(GRID,),
        in_specs=[
            pl.BlockSpec((NSC, BR, DEC), lambda i: (0, i, 0)),
            pl.BlockSpec((BR, DEC), lambda i: (i, 0)),
            pl.BlockSpec((NSC, BR, 1), lambda i: (0, i, 0)),
            pl.BlockSpec((1, H), lambda i: (0, 0)),
            pl.BlockSpec((H, DEC), lambda i: (0, 0)),
        ],
        out_specs=pl.BlockSpec((BR, DEC), lambda i: (i, 0)),
        out_shape=jax.ShapeDtypeStruct((N, DEC), jnp.float32),
    )(S1L, P1L, deg2, b_enc, W_dec)


def _tc2b_body(a_ref, s1R_ref, p1R_ref, deg_ref, b_ref, w_ref, o_ref):
    deg = deg_ref[0] + deg_ref[1] + 1.0
    dinv = lax.rsqrt(jnp.maximum(deg, 1.0))
    zR = (s1R_ref[0] + s1R_ref[1] + p1R_ref[...]) * dinv + b_ref[:, DEC:]
    p2 = a_ref[...] + jnp.dot(zR, w_ref[DEC:],
                              preferred_element_type=jnp.float32)
    o_ref[...] = p2 * dinv


def _tc2b(A, S1R, P1R, deg2, b_enc, W_dec):
    return pl.pallas_call(
        _tc2b_body,
        grid=(GRID,),
        in_specs=[
            pl.BlockSpec((BR, DEC), lambda i: (i, 0)),
            pl.BlockSpec((NSC, BR, DEC), lambda i: (0, i, 0)),
            pl.BlockSpec((BR, DEC), lambda i: (i, 0)),
            pl.BlockSpec((NSC, BR, 1), lambda i: (0, i, 0)),
            pl.BlockSpec((1, H), lambda i: (0, 0)),
            pl.BlockSpec((H, DEC), lambda i: (0, 0)),
        ],
        out_specs=pl.BlockSpec((BR, DEC), lambda i: (i, 0)),
        out_shape=jax.ShapeDtypeStruct((NP, DEC), jnp.float32),
    )(A, S1R, P1R, deg2, b_enc, W_dec)


def _tc3_body(s2_ref, p2_ref, deg_ref, b_ref, w_ref, bm_ref, o_ref):
    deg = deg_ref[0] + deg_ref[1] + 1.0
    dinv = lax.rsqrt(jnp.maximum(deg, 1.0))
    h = (s2_ref[0] + s2_ref[1] + p2_ref[...]) * dinv + b_ref[...]
    h = jnp.maximum(h, 0.0)
    o_ref[...] = (jnp.dot(h, w_ref[...], preferred_element_type=jnp.float32)
                  + bm_ref[...])


def _tc3(S2, P2, deg2, b_dec, W_mlp, b_mlp):
    return pl.pallas_call(
        _tc3_body,
        grid=(GRID,),
        in_specs=[
            pl.BlockSpec((NSC, BR, DEC), lambda i: (0, i, 0)),
            pl.BlockSpec((BR, DEC), lambda i: (i, 0)),
            pl.BlockSpec((NSC, BR, 1), lambda i: (0, i, 0)),
            pl.BlockSpec((1, DEC), lambda i: (0, 0)),
            pl.BlockSpec((DEC, D), lambda i: (0, 0)),
            pl.BlockSpec((1, D), lambda i: (0, 0)),
        ],
        out_specs=pl.BlockSpec((BR, D), lambda i: (i, 0)),
        out_shape=jax.ShapeDtypeStruct((N, D), jnp.float32),
    )(S2, P2, deg2, b_dec, W_mlp, b_mlp)



def kernel(x, edge_index, mask_indices, mask_token,
           W_enc, b_enc, W_dec, b_dec, W_mlp, b_mlp):
    E = edge_index.shape[1]
    NM = mask_indices.shape[0]
    pad_id = N

    ei_p = jnp.pad(edge_index, ((0, 0), (0, EP - E)),
                   constant_values=pad_id).reshape(2, EP // LANE, LANE)
    midx_p = jnp.pad(mask_indices.astype(jnp.int32), (0, MP - NM),
                     constant_values=pad_id).reshape(MP // LANE, LANE)

    z1 = jnp.zeros((NP,), jnp.float32)
    z64 = jnp.zeros((NP, DEC), jnp.float32)

    XW, M1 = _tc1a(x, W_enc, mask_token)
    deg2, msk2 = _sc_hist(ei_p, midx_p, z1)
    deg2 = deg2.reshape(NSC, NP, 1)
    msk2 = msk2.reshape(NSC, NP, 1)

    P1L, P1R = _tc1b(XW, M1, deg2, msk2)
    S1L = _sc_edge64(P1L, ei_p, z64)
    S1R = _sc_edge64(P1R, ei_p, z64)
    A = _tc2a(S1L, P1L, deg2, b_enc.reshape(1, H), W_dec)
    P2 = _tc2b(A, S1R, P1R, deg2, b_enc.reshape(1, H), W_dec)
    S2 = _sc_edge64(P2, ei_p, z64)
    xrec = _tc3(S2, P2, deg2, b_dec.reshape(1, DEC), W_mlp,
                b_mlp.reshape(1, D))

    return (xrec, x, mask_indices)

# --- scband reference (transcript-rebuilt; emitter-appended) ---
"""Pipeline reference for scband-graph-mae-17093969838150 (READ-ONLY COPY).

The authoritative reference and input builder live on the scoring server;
editing this copy changes nothing except your own understanding.
"""

import jax, jax.numpy as jnp
import numpy as np

N = 10000
E = 320000
D = 128   # in_channels
H = 128   # out_channels (encoder output)
DEC = 64  # decoder_dim
MASK_RATE = 0.5


def gcn_conv(x, edge_index, W, b):
    # GCNConv with added self-loops and symmetric normalization D^-1/2 A D^-1/2
    n = x.shape[0]
    h = x @ W
    src = edge_index[0]
    dst = edge_index[1]
    loops = jnp.arange(n, dtype=src.dtype)
    src = jnp.concatenate([src, loops])
    dst = jnp.concatenate([dst, loops])
    ones = jnp.ones(src.shape[0], dtype=h.dtype)
    deg = jax.ops.segment_sum(ones, dst, num_segments=n)
    dinv = jax.lax.rsqrt(jnp.maximum(deg, 1.0))
    norm = dinv[src] * dinv[dst]
    msgs = h[src] * norm[:, None]
    out = jax.ops.segment_sum(msgs, dst, num_segments=n)
    return out + b


def setup_inputs(seed: int = 0) -> dict:
    key = jax.random.key(seed)
    ks = jax.random.split(key, 10)
    x = jax.random.normal(ks[0], (N, D), dtype=jnp.float32)
    edge_index = jax.random.randint(ks[1], (2, E), 0, N, dtype=jnp.int32)
    num_mask = int(N * MASK_RATE)
    mask_indices = jax.random.permutation(ks[2], N)[:num_mask]
    mask_token = jax.random.normal(ks[3], (1, D), dtype=jnp.float32)
    W_enc = jax.random.normal(ks[4], (D, H), dtype=jnp.float32) * (1.0 / np.sqrt(D))
    b_enc = jnp.zeros((H,), dtype=jnp.float32)
    W_dec = jax.random.normal(ks[5], (H, DEC), dtype=jnp.float32) * (1.0 / np.sqrt(H))
    b_dec = jnp.zeros((DEC,), dtype=jnp.float32)
    W_mlp = jax.random.normal(ks[6], (DEC, D), dtype=jnp.float32) * (1.0 / np.sqrt(DEC))
    b_mlp = jnp.zeros((D,), dtype=jnp.float32)
    return {
        'x': x, 'edge_index': edge_index, 'mask_indices': mask_indices,
        'mask_token': mask_token, 'W_enc': W_enc, 'b_enc': b_enc,
        'W_dec': W_dec, 'b_dec': b_dec, 'W_mlp': W_mlp, 'b_mlp': b_mlp,
    }


def reference(x, edge_index, mask_indices, mask_token, W_enc, b_enc, W_dec, b_dec, W_mlp, b_mlp):
    # mask: scatter-overwrite mask_token into masked node rows
    x_masked = x.at[mask_indices].set(mask_token)
    # encoder: GCNConv(in_channels, out_channels)
    z = gcn_conv(x_masked, edge_index, W_enc, b_enc)
    # decoder GNN + relu
    h_decode = jax.nn.relu(gcn_conv(z, edge_index, W_dec, b_dec))
    # decoder MLP
    x_reconstructed = h_decode @ W_mlp + b_mlp
    return (x_reconstructed, x, mask_indices)

if __name__ == "__main__":
    import jax
    _d = setup_inputs()
    print(jax.jit(kernel)(*tuple(_d.values())))

</pallas_src>

<mosaic_0001>
#map = affine_map<(d0, d1) -> (0, 0, 0)>
#map1 = affine_map<(d0, d1) -> (0, 0)>
#map2 = affine_map<(d0, d1) -> (0)>
module attributes {stable_mosaic.version = 14 : i64} {
  func.func @_sc_hist(%arg0: i32, %arg1: i32, %arg2: memref<2x2560x128xi32, #tpu.memory_space<hbm>>, %arg3: memref<64x128xi32, #tpu.memory_space<hbm>>, %arg4: memref<10240xf32, #tpu.memory_space<hbm>>, %arg5: memref<2x10240xf32, #tpu.memory_space<hbm>>, %arg6: memref<2x10240xf32, #tpu.memory_space<hbm>>, %arg7: memref<80x128xi32, #tpu.memory_space<vmem>>, %arg8: memref<2x128xi32, #tpu.memory_space<vmem>>, %arg9: memref<128xf32, #tpu.memory_space<vmem>>, %arg10: memref<10240xf32, #tpu.memory_space<vmem_shared>>, %arg11: memref<10240xf32, #tpu.memory_space<vmem_shared>>, %arg12: memref<!tpu.dma_semaphore, #tpu.memory_space<semaphore_mem>>, %arg13: memref<!tpu.dma_semaphore, #tpu.memory_space<semaphore_mem>>) attributes {dimension_semantics = [#tpu.dimension_semantics<core_parallel>, #tpu.dimension_semantics<subcore_parallel>], iteration_bounds = array<i64: 2, 16>, scalar_prefetch = 0 : i64, scratch_operands = 7 : i64, tpu.core_type = #tpu.core_type<sc_vector_subcore>, window_params = [{transform_indices = #map}, {transform_indices = #map1}, {transform_indices = #map2}, {transform_indices = #map1}, {transform_indices = #map1}]} {
    %mul3A = arith.constant 16 : i32
    %mul3A_0 = arith.muli %arg0, %mul3A : i32
    %add3A = arith.addi %mul3A_0, %arg1 : i32
    %mul3A_1 = arith.constant 640 : i32
    %mul3A_2 = arith.muli %arg1, %mul3A_1 : i32
    %mul3A_3 = arith.constant 80 : i32
    %mul3A_4 = arith.muli %add3A, %mul3A_3 : i32
    %dma_start3A = arith.constant 1 : i32
    %dma_start3A_5 = arith.constant 0 : i32
    %dma_start3A_6 = tpu.memref_slice %arg2[%dma_start3A, %mul3A_4, %dma_start3A_5] : memref<2x2560x128xi32, #tpu.memory_space<hbm>> -> memref<1x80x128xi32, #tpu.memory_space<hbm>>
    %dma_start3A_7 = tpu.memref_squeeze %dma_start3A_6 : memref<1x80x128xi32, #tpu.memory_space<hbm>> -> memref<80x128xi32, #tpu.memory_space<hbm>>
    %dma_start3A_8 = arith.constant 0 : i32
    %dma_start3A_9 = tpu.memref_slice %arg2[%dma_start3A, %mul3A_4, %dma_start3A_8] : memref<2x2560x128xi32, #tpu.memory_space<hbm>> -> memref<1x80x128xi32, #tpu.memory_space<hbm>>
    %dma_start3A_10 = tpu.memref_squeeze %dma_start3A_9 : memref<1x80x128xi32, #tpu.memory_space<hbm>> -> memref<80x128xi32, #tpu.memory_space<hbm>>
    tpu.enqueue_dma source(%dma_start3A_10 : memref<80x128xi32, #tpu.memory_space<hbm>>) target(%arg7 : memref<80x128xi32, #tpu.memory_space<vmem>>) target_semaphore(%arg12 : memref<!tpu.dma_semaphore, #tpu.memory_space<semaphore_mem>>)
    %mul3A_11 = arith.constant 2 : i32
    %mul3A_12 = arith.muli %add3A, %mul3A_11 : i32
    %dma_start3A_13 = arith.constant 0 : i32
    %dma_start3A_14 = tpu.memref_slice %arg3[%mul3A_12, %dma_start3A_13] : memref<64x128xi32, #tpu.memory_space<hbm>> -> memref<2x128xi32, #tpu.memory_space<hbm>>
    %dma_start3A_15 = arith.constant 0 : i32
    %dma_start3A_16 = tpu.memref_slice %arg3[%mul3A_12, %dma_start3A_15] : memref<64x128xi32, #tpu.memory_space<hbm>> -> memref<2x128xi32, #tpu.memory_space<hbm>>
    tpu.enqueue_dma source(%dma_start3A_16 : memref<2x128xi32, #tpu.memory_space<hbm>>) target(%arg8 : memref<2x128xi32, #tpu.memory_space<vmem>>) target_semaphore(%arg13 : memref<!tpu.dma_semaphore, #tpu.memory_space<semaphore_mem>>)
    %dma_start3A_17 = tpu.memref_slice %arg10[%mul3A_2] : memref<10240xf32, #tpu.memory_space<vmem_shared>> -> memref<640xf32, #tpu.memory_space<vmem_shared>>
    %dma_start3A_18 = tpu.memref_slice %arg4[%mul3A_2] : memref<10240xf32, #tpu.memory_space<hbm>> -> memref<640xf32, #tpu.memory_space<hbm>>
    tpu.enqueue_dma source(%dma_start3A_18 : memref<640xf32, #tpu.memory_space<hbm>>) target(%dma_start3A_17 : memref<640xf32, #tpu.memory_space<vmem_shared>>) target_semaphore(%arg12 : memref<!tpu.dma_semaphore, #tpu.memory_space<semaphore_mem>>)
    %dma_start3A_19 = tpu.memref_slice %arg11[%mul3A_2] : memref<10240xf32, #tpu.memory_space<vmem_shared>> -> memref<640xf32, #tpu.memory_space<vmem_shared>>
    %dma_start3A_20 = tpu.memref_slice %arg4[%mul3A_2] : memref<10240xf32, #tpu.memory_space<hbm>> -> memref<640xf32, #tpu.memory_space<hbm>>
    tpu.enqueue_dma source(%dma_start3A_20 : memref<640xf32, #tpu.memory_space<hbm>>) target(%dma_start3A_19 : memref<640xf32, #tpu.memory_space<vmem_shared>>) target_semaphore(%arg13 : memref<!tpu.dma_semaphore, #tpu.memory_space<semaphore_mem>>)
    %broadcast_in_dim3A = arith.constant 1.000000e+00 : f32
    %broadcast_in_dim3A_21 = vector.broadcast %broadcast_in_dim3A : f32 to vector<16xf32>
    %swap3A = arith.constant 0 : index
    %swap3A_22 = tpu.vector_load %arg9[%swap3A] {strides = array<i32>} : memref<128xf32, #tpu.memory_space<vmem>>, vector<16xf32>,
    %swap3A_23 = vector.shape_cast %swap3A_22 : vector<16xf32> to vector<16xf32>
    %swap3A_24 = vector.shape_cast %broadcast_in_dim3A_21 : vector<16xf32> to vector<16xf32>
    tpu.vector_store %arg9[%swap3A], %swap3A_24 {strides = array<i32>} : memref<128xf32, #tpu.memory_space<vmem>>, vector<16xf32>,
    %broadcast_in_dim3A_25 = arith.constant 1.000000e+00 : f32
    %broadcast_in_dim3A_26 = vector.broadcast %broadcast_in_dim3A_25 : f32 to vector<16xf32>
    %swap3A_27 = arith.constant 16 : index
    %swap3A_28 = tpu.vector_load %arg9[%swap3A_27] {strides = array<i32>} : memref<128xf32, #tpu.memory_space<vmem>>, vector<16xf32>,
    %swap3A_29 = vector.shape_cast %swap3A_28 : vector<16xf32> to vector<16xf32>
    %swap3A_30 = vector.shape_cast %broadcast_in_dim3A_26 : vector<16xf32> to vector<16xf32>
    tpu.vector_store %arg9[%swap3A_27], %swap3A_30 {strides = array<i32>} : memref<128xf32, #tpu.memory_space<vmem>>, vector<16xf32>,
    %broadcast_in_dim3A_31 = arith.constant 1.000000e+00 : f32
    %broadcast_in_dim3A_32 = vector.broadcast %broadcast_in_dim3A_31 : f32 to vector<16xf32>
    %swap3A_33 = arith.constant 32 : index
    %swap3A_34 = tpu.vector_load %arg9[%swap3A_33] {strides = array<i32>} : memref<128xf32, #tpu.memory_space<vmem>>, vector<16xf32>,
    %swap3A_35 = vector.shape_cast %swap3A_34 : vector<16xf32> to vector<16xf32>
    %swap3A_36 = vector.shape_cast %broadcast_in_dim3A_32 : vector<16xf32> to vector<16xf32>
    tpu.vector_store %arg9[%swap3A_33], %swap3A_36 {strides = array<i32>} : memref<128xf32, #tpu.memory_space<vmem>>, vector<16xf32>,
    %broadcast_in_dim3A_37 = arith.constant 1.000000e+00 : f32
    %broadcast_in_dim3A_38 = vector.broadcast %broadcast_in_dim3A_37 : f32 to vector<16xf32>
    %swap3A_39 = arith.constant 48 : index
    %swap3A_40 = tpu.vector_load %arg9[%swap3A_39] {strides = array<i32>} : memref<128xf32, #tpu.memory_space<vmem>>, vector<16xf32>,
    %swap3A_41 = vector.shape_cast %swap3A_40 : vector<16xf32> to vector<16xf32>
    %swap3A_42 = vector.shape_cast %broadcast_in_dim3A_38 : vector<16xf32> to vector<16xf32>
    tpu.vector_store %arg9[%swap3A_39], %swap3A_42 {strides = array<i32>} : memref<128xf32, #tpu.memory_space<vmem>>, vector<16xf32>,
    %broadcast_in_dim3A_43 = arith.constant 1.000000e+00 : f32
    %broadcast_in_dim3A_44 = vector.broadcast %broadcast_in_dim3A_43 : f32 to vector<16xf32>
    %swap3A_45 = arith.constant 64 : index
    %swap3A_46 = tpu.vector_load %arg9[%swap3A_45] {strides = array<i32>} : memref<128xf32, #tpu.memory_space<vmem>>, vector<16xf32>,
    %swap3A_47 = vector.shape_cast %swap3A_46 : vector<16xf32> to vector<16xf32>
    %swap3A_48 = vector.shape_cast %broadcast_in_dim3A_44 : vector<16xf32> to vector<16xf32>
    tpu.vector_store %arg9[%swap3A_45], %swap3A_48 {strides = array<i32>} : memref<128xf32, #tpu.memory_space<vmem>>, vector<16xf32>,
    %broadcast_in_dim3A_49 = arith.constant 1.000000e+00 : f32
    %broadcast_in_dim3A_50 = vector.broadcast %broadcast_in_dim3A_49 : f32 to vector<16xf32>
    %swap3A_51 = arith.constant 80 : index
    %swap3A_52 = tpu.vector_load %arg9[%swap3A_51] {strides = array<i32>} : memref<128xf32, #tpu.memory_space<vmem>>, vector<16xf32>,
    %swap3A_53 = vector.shape_cast %swap3A_52 : vector<16xf32> to vector<16xf32>
    %swap3A_54 = vector.shape_cast %broadcast_in_dim3A_50 : vector<16xf32> to vector<16xf32>
    tpu.vector_store %arg9[%swap3A_51], %swap3A_54 {strides = array<i32>} : memref<128xf32, #tpu.memory_space<vmem>>, vector<16xf32>,
    %broadcast_in_dim3A_55 = arith.constant 1.000000e+00 : f32
    %broadcast_in_dim3A_56 = vector.broadcast %broadcast_in_dim3A_55 : f32 to vector<16xf32>
    %swap3A_57 = arith.constant 96 : index
    %swap3A_58 = tpu.vector_load %arg9[%swap3A_57] {strides = array<i32>} : memref<128xf32, #tpu.memory_space<vmem>>, vector<16xf32>,
    %swap3A_59 = vector.shape_cast %swap3A_58 : vector<16xf32> to vector<16xf32>
    %swap3A_60 = vector.shape_cast %broadcast_in_dim3A_56 : vector<16xf32> to vector<16xf32>
    tpu.vector_store %arg9[%swap3A_57], %swap3A_60 {strides = array<i32>} : memref<128xf32, #tpu.memory_space<vmem>>, vector<16xf32>,
    %broadcast_in_dim3A_61 = arith.constant 1.000000e+00 : f32
    %broadcast_in_dim3A_62 = vector.broadcast %broadcast_in_dim3A_61 : f32 to vector<16xf32>
    %swap3A_63 = arith.constant 112 : index
    %swap3A_64 = tpu.vector_load %arg9[%swap3A_63] {strides = array<i32>} : memref<128xf32, #tpu.memory_space<vmem>>, vector<16xf32>,
    %swap3A_65 = vector.shape_cast %swap3A_64 : vector<16xf32> to vector<16xf32>
    %swap3A_66 = vector.shape_cast %broadcast_in_dim3A_62 : vector<16xf32> to vector<16xf32>
    tpu.vector_store %arg9[%swap3A_63], %swap3A_66 {strides = array<i32>} : memref<128xf32, #tpu.memory_space<vmem>>, vector<16xf32>,
    %dma_wait3A = arith.constant 1 : i32
    %dma_wait3A_67 = arith.constant 0 : i32
    %dma_wait3A_68 = tpu.memref_slice %arg2[%dma_wait3A, %mul3A_4, %dma_wait3A_67] : memref<2x2560x128xi32, #tpu.memory_space<hbm>> -> memref<1x80x128xi32, #tpu.memory_space<hbm>>
    %dma_wait3A_69 = tpu.memref_squeeze %dma_wait3A_68 : memref<1x80x128xi32, #tpu.memory_space<hbm>> -> memref<80x128xi32, #tpu.memory_space<hbm>>
    %dma_wait3A_70 = arith.constant 0 : i32
    %dma_wait3A_71 = tpu.memref_slice %arg2[%dma_wait3A, %mul3A_4, %dma_wait3A_70] : memref<2x2560x128xi32, #tpu.memory_space<hbm>> -> memref<1x80x128xi32, #tpu.memory_space<hbm>>
    %dma_wait3A_72 = tpu.memref_squeeze %dma_wait3A_71 : memref<1x80x128xi32, #tpu.memory_space<hbm>> -> memref<80x128xi32, #tpu.memory_space<hbm>>
    tpu.wait_dma2 semaphore(%arg12 : memref<!tpu.dma_semaphore, #tpu.memory_space<semaphore_mem>>) src(%dma_wait3A_72 : memref<80x128xi32, #tpu.memory_space<hbm>>) dst(%arg7 : memref<80x128xi32, #tpu.memory_space<vmem>>)
    %dma_wait3A_73 = arith.constant 0 : i32
    %dma_wait3A_74 = tpu.memref_slice %arg3[%mul3A_12, %dma_wait3A_73] : memref<64x128xi32, #tpu.memory_space<hbm>> -> memref<2x128xi32, #tpu.memory_space<hbm>>
    %dma_wait3A_75 = arith.constant 0 : i32
    %dma_wait3A_76 = tpu.memref_slice %arg3[%mul3A_12, %dma_wait3A_75] : memref<64x128xi32, #tpu.memory_space<hbm>> -> memref<2x128xi32, #tpu.memory_space<hbm>>
    tpu.wait_dma2 semaphore(%arg13 : memref<!tpu.dma_semaphore, #tpu.memory_space<semaphore_mem>>) src(%dma_wait3A_76 : memref<2x128xi32, #tpu.memory_space<hbm>>) dst(%arg8 : memref<2x128xi32, #tpu.memory_space<vmem>>)
    %dma_wait3A_77 = tpu.memref_slice %arg10[%mul3A_2] : memref<10240xf32, #tpu.memory_space<vmem_shared>> -> memref<640xf32, #tpu.memory_space<vmem_shared>>
    %dma_wait3A_78 = tpu.memref_slice %arg4[%mul3A_2] : memref<10240xf32, #tpu.memory_space<hbm>> -> memref<640xf32, #tpu.memory_space<hbm>>
    tpu.wait_dma2 semaphore(%arg12 : memref<!tpu.dma_semaphore, #tpu.memory_space<semaphore_mem>>) src(%dma_wait3A_78 : memref<640xf32, #tpu.memory_space<hbm>>) dst(%dma_wait3A_77 : memref<640xf32, #tpu.memory_space<vmem_shared>>)
    %dma_wait3A_79 = tpu.memref_slice %arg11[%mul3A_2] : memref<10240xf32, #tpu.memory_space<vmem_shared>> -> memref<640xf32, #tpu.memory_space<vmem_shared>>
    %dma_wait3A_80 = tpu.memref_slice %arg4[%mul3A_2] : memref<10240xf32, #tpu.memory_space<hbm>> -> memref<640xf32, #tpu.memory_space<hbm>>
    tpu.wait_dma2 semaphore(%arg13 : memref<!tpu.dma_semaphore, #tpu.memory_space<semaphore_mem>>) src(%dma_wait3A_80 : memref<640xf32, #tpu.memory_space<hbm>>) dst(%dma_wait3A_79 : memref<640xf32, #tpu.memory_space<vmem_shared>>)
    %barrier3A = arith.constant 0 : index
    tpu.barrier barrier_id(%barrier3A)
    %scan3A = arith.constant 0 : i32
    %scan3A_81 = arith.constant 80 : i32
    %scan3A_82 = arith.addi %scan3A, %scan3A_81 : i32
    %scan3A_83 = arith.constant 1 : i32
    scf.for %scan3A_87 = %scan3A to %scan3A_82 step %scan3A_83  : i32 {
      %mul3A_88 = arith.constant 1 : i32
      %mul3A_89 = arith.muli %scan3A_87, %mul3A_88 : i32
      %add3A_90 = arith.constant 0 : i32
      %add3A_91 = arith.addi %add3A_90, %mul3A_89 : i32
      "tpu.region"() ({
        %run_scoped3A_92 = tpu.sem_alloc : memref<!tpu.dma_semaphore, #tpu.memory_space<semaphore_mem>>
        %dma_start3A_93 = arith.constant 0 : i32
        %dma_start3A_94 = tpu.memref_slice %arg7[%add3A_91, %dma_start3A_93] : memref<80x128xi32, #tpu.memory_space<vmem>> -> memref<1x128xi32, #tpu.memory_space<vmem>>
        %dma_start3A_95 = tpu.memref_squeeze %dma_start3A_94 : memref<1x128xi32, #tpu.memory_space<vmem>> -> memref<128xi32, #tpu.memory_space<vmem>>
        %dma_start3A_96 = arith.constant 0 : i32
        %dma_start3A_97 = tpu.memref_slice %arg10[%dma_start3A_96] : memref<10240xf32, #tpu.memory_space<vmem_shared>> -> memref<10240xf32, #tpu.memory_space<vmem_shared>>
        tpu.enqueue_indirect_dma source(%arg9 : memref<128xf32, #tpu.memory_space<vmem>>) target(%dma_start3A_97 : memref<10240xf32, #tpu.memory_space<vmem_shared>>) offsets(%dma_start3A_95 : memref<128xi32, #tpu.memory_space<vmem>>) semaphore(%run_scoped3A_92 : memref<!tpu.dma_semaphore, #tpu.memory_space<semaphore_mem>>) {add = true}
        %dma_wait3A_98 = arith.constant 0 : i32
        %dma_wait3A_99 = tpu.memref_slice %arg7[%add3A_91, %dma_wait3A_98] : memref<80x128xi32, #tpu.memory_space<vmem>> -> memref<1x128xi32, #tpu.memory_space<vmem>>
        %dma_wait3A_100 = tpu.memref_squeeze %dma_wait3A_99 : memref<1x128xi32, #tpu.memory_space<vmem>> -> memref<128xi32, #tpu.memory_space<vmem>>
        %dma_wait3A_101 = arith.constant 0 : i32
        %dma_wait3A_102 = tpu.memref_slice %arg10[%dma_wait3A_101] : memref<10240xf32, #tpu.memory_space<vmem_shared>> -> memref<10240xf32, #tpu.memory_space<vmem_shared>>
        tpu.wait_indirect_dma semaphore(%run_scoped3A_92 : memref<!tpu.dma_semaphore, #tpu.memory_space<semaphore_mem>>) src(%arg9 : memref<128xf32, #tpu.memory_space<vmem>>) dst(%dma_wait3A_102 : memref<10240xf32, #tpu.memory_space<vmem_shared>>)
        tpu.yield
      }) : () -> ()
    }
    %scan3A_84 = arith.constant 80 : i32
    %run_scoped3A = arith.constant 0 : i32
    "tpu.region"() ({
      %run_scoped3A_87 = tpu.sem_alloc : memref<!tpu.dma_semaphore, #tpu.memory_space<semaphore_mem>>
      %dma_start3A_88 = arith.constant 0 : i32
      %dma_start3A_89 = tpu.memref_slice %arg8[%run_scoped3A, %dma_start3A_88] : memref<2x128xi32, #tpu.memory_space<vmem>> -> memref<1x128xi32, #tpu.memory_space<vmem>>
      %dma_start3A_90 = tpu.memref_squeeze %dma_start3A_89 : memref<1x128xi32, #tpu.memory_space<vmem>> -> memref<128xi32, #tpu.memory_space<vmem>>
      %dma_start3A_91 = arith.constant 0 : i32
      %dma_start3A_92 = tpu.memref_slice %arg11[%dma_start3A_91] : memref<10240xf32, #tpu.memory_space<vmem_shared>> -> memref<10240xf32, #tpu.memory_space<vmem_shared>>
      tpu.enqueue_indirect_dma source(%arg9 : memref<128xf32, #tpu.memory_space<vmem>>) target(%dma_start3A_92 : memref<10240xf32, #tpu.memory_space<vmem_shared>>) offsets(%dma_start3A_90 : memref<128xi32, #tpu.memory_space<vmem>>) semaphore(%run_scoped3A_87 : memref<!tpu.dma_semaphore, #tpu.memory_space<semaphore_mem>>) {add = true}
      %dma_wait3A_93 = arith.constant 0 : i32
      %dma_wait3A_94 = tpu.memref_slice %arg8[%run_scoped3A, %dma_wait3A_93] : memref<2x128xi32, #tpu.memory_space<vmem>> -> memref<1x128xi32, #tpu.memory_space<vmem>>
      %dma_wait3A_95 = tpu.memref_squeeze %dma_wait3A_94 : memref<1x128xi32, #tpu.memory_space<vmem>> -> memref<128xi32, #tpu.memory_space<vmem>>
      %dma_wait3A_96 = arith.constant 0 : i32
      %dma_wait3A_97 = tpu.memref_slice %arg11[%dma_wait3A_96] : memref<10240xf32, #tpu.memory_space<vmem_shared>> -> memref<10240xf32, #tpu.memory_space<vmem_shared>>
      tpu.wait_indirect_dma semaphore(%run_scoped3A_87 : memref<!tpu.dma_semaphore, #tpu.memory_space<semaphore_mem>>) src(%arg9 : memref<128xf32, #tpu.memory_space<vmem>>) dst(%dma_wait3A_97 : memref<10240xf32, #tpu.memory_space<vmem_shared>>)
      tpu.yield
    }) : () -> ()
    %run_scoped3A_85 = arith.constant 1 : i32
    "tpu.region"() ({
      %run_scoped3A_87 = tpu.sem_alloc : memref<!tpu.dma_semaphore, #tpu.memory_space<semaphore_mem>>
      %dma_start3A_88 = arith.constant 0 : i32
      %dma_start3A_89 = tpu.memref_slice %arg8[%run_scoped3A_85, %dma_start3A_88] : memref<2x128xi32, #tpu.memory_space<vmem>> -> memref<1x128xi32, #tpu.memory_space<vmem>>
      %dma_start3A_90 = tpu.memref_squeeze %dma_start3A_89 : memref<1x128xi32, #tpu.memory_space<vmem>> -> memref<128xi32, #tpu.memory_space<vmem>>
      %dma_start3A_91 = arith.constant 0 : i32
      %dma_start3A_92 = tpu.memref_slice %arg11[%dma_start3A_91] : memref<10240xf32, #tpu.memory_space<vmem_shared>> -> memref<10240xf32, #tpu.memory_space<vmem_shared>>
      tpu.enqueue_indirect_dma source(%arg9 : memref<128xf32, #tpu.memory_space<vmem>>) target(%dma_start3A_92 : memref<10240xf32, #tpu.memory_space<vmem_shared>>) offsets(%dma_start3A_90 : memref<128xi32, #tpu.memory_space<vmem>>) semaphore(%run_scoped3A_87 : memref<!tpu.dma_semaphore, #tpu.memory_space<semaphore_mem>>) {add = true}
      %dma_wait3A_93 = arith.constant 0 : i32
      %dma_wait3A_94 = tpu.memref_slice %arg8[%run_scoped3A_85, %dma_wait3A_93] : memref<2x128xi32, #tpu.memory_space<vmem>> -> memref<1x128xi32, #tpu.memory_space<vmem>>
      %dma_wait3A_95 = tpu.memref_squeeze %dma_wait3A_94 : memref<1x128xi32, #tpu.memory_space<vmem>> -> memref<128xi32, #tpu.memory_space<vmem>>
      %dma_wait3A_96 = arith.constant 0 : i32
      %dma_wait3A_97 = tpu.memref_slice %arg11[%dma_wait3A_96] : memref<10240xf32, #tpu.memory_space<vmem_shared>> -> memref<10240xf32, #tpu.memory_space<vmem_shared>>
      tpu.wait_indirect_dma semaphore(%run_scoped3A_87 : memref<!tpu.dma_semaphore, #tpu.memory_space<semaphore_mem>>) src(%arg9 : memref<128xf32, #tpu.memory_space<vmem>>) dst(%dma_wait3A_97 : memref<10240xf32, #tpu.memory_space<vmem_shared>>)
      tpu.yield
    }) : () -> ()
    %barrier3A_86 = arith.constant 0 : index
    tpu.barrier barrier_id(%barrier3A_86)
    "tpu.region"() ({
      %run_scoped3A_87 = tpu.sem_alloc : memref<!tpu.dma_semaphore, #tpu.memory_space<semaphore_mem>>
      %dma_start3A_88 = tpu.memref_slice %arg5[%arg0, %mul3A_2] : memref<2x10240xf32, #tpu.memory_space<hbm>> -> memref<1x640xf32, #tpu.memory_space<hbm>>
      %dma_start3A_89 = tpu.memref_squeeze %dma_start3A_88 : memref<1x640xf32, #tpu.memory_space<hbm>> -> memref<640xf32, #tpu.memory_space<hbm>>
      %dma_start3A_90 = tpu.memref_slice %arg10[%mul3A_2] : memref<10240xf32, #tpu.memory_space<vmem_shared>> -> memref<640xf32, #tpu.memory_space<vmem_shared>>
      tpu.enqueue_dma source(%dma_start3A_90 : memref<640xf32, #tpu.memory_space<vmem_shared>>) target(%dma_start3A_89 : memref<640xf32, #tpu.memory_space<hbm>>) target_semaphore(%run_scoped3A_87 : memref<!tpu.dma_semaphore, #tpu.memory_space<semaphore_mem>>)
      %dma_wait3A_91 = tpu.memref_slice %arg5[%arg0, %mul3A_2] : memref<2x10240xf32, #tpu.memory_space<hbm>> -> memref<1x640xf32, #tpu.memory_space<hbm>>
      %dma_wait3A_92 = tpu.memref_squeeze %dma_wait3A_91 : memref<1x640xf32, #tpu.memory_space<hbm>> -> memref<640xf32, #tpu.memory_space<hbm>>
      %dma_wait3A_93 = tpu.memref_slice %arg10[%mul3A_2] : memref<10240xf32, #tpu.memory_space<vmem_shared>> -> memref<640xf32, #tpu.memory_space<vmem_shared>>
      tpu.wait_dma2 semaphore(%run_scoped3A_87 : memref<!tpu.dma_semaphore, #tpu.memory_space<semaphore_mem>>) src(%dma_wait3A_93 : memref<640xf32, #tpu.memory_space<vmem_shared>>) dst(%dma_wait3A_92 : memref<640xf32, #tpu.memory_space<hbm>>)
      tpu.yield
    }) : () -> ()
    "tpu.region"() ({
      %run_scoped3A_87 = tpu.sem_alloc : memref<!tpu.dma_semaphore, #tpu.memory_space<semaphore_mem>>
      %dma_start3A_88 = tpu.memref_slice %arg6[%arg0, %mul3A_2] : memref<2x10240xf32, #tpu.memory_space<hbm>> -> memref<1x640xf32, #tpu.memory_space<hbm>>
      %dma_start3A_89 = tpu.memref_squeeze %dma_start3A_88 : memref<1x640xf32, #tpu.memory_space<hbm>> -> memref<640xf32, #tpu.memory_space<hbm>>
      %dma_start3A_90 = tpu.memref_slice %arg11[%mul3A_2] : memref<10240xf32, #tpu.memory_space<vmem_shared>> -> memref<640xf32, #tpu.memory_space<vmem_shared>>
      tpu.enqueue_dma source(%dma_start3A_90 : memref<640xf32, #tpu.memory_space<vmem_shared>>) target(%dma_start3A_89 : memref<640xf32, #tpu.memory_space<hbm>>) target_semaphore(%run_scoped3A_87 : memref<!tpu.dma_semaphore, #tpu.memory_space<semaphore_mem>>)
      %dma_wait3A_91 = tpu.memref_slice %arg6[%arg0, %mul3A_2] : memref<2x10240xf32, #tpu.memory_space<hbm>> -> memref<1x640xf32, #tpu.memory_space<hbm>>
      %dma_wait3A_92 = tpu.memref_squeeze %dma_wait3A_91 : memref<1x640xf32, #tpu.memory_space<hbm>> -> memref<640xf32, #tpu.memory_space<hbm>>
      %dma_wait3A_93 = tpu.memref_slice %arg11[%mul3A_2] : memref<10240xf32, #tpu.memory_space<vmem_shared>> -> memref<640xf32, #tpu.memory_space<vmem_shared>>
      tpu.wait_dma2 semaphore(%run_scoped3A_87 : memref<!tpu.dma_semaphore, #tpu.memory_space<semaphore_mem>>) src(%dma_wait3A_93 : memref<640xf32, #tpu.memory_space<vmem_shared>>) dst(%dma_wait3A_92 : memref<640xf32, #tpu.memory_space<hbm>>)
      tpu.yield
    }) : () -> ()
    return
  }
}

#map = affine_map<(d0, d1) -> (0, 0)>
#map1 = affine_map<(d0, d1) -> (0, 0, 0)>
module attributes {stable_mosaic.version = 14 : i64} {
  func.func @_sc_edge64(%arg0: i32, %arg1: i32, %arg2: memref<10240x64xf32, #tpu.memory_space<hbm>>, %arg3: memref<2x2560x128xi32, #tpu.memory_space<hbm>>, %arg4: memref<10240x64xf32, #tpu.memory_space<hbm>>, %arg5: memref<2x10240x64xf32, #tpu.memory_space<hbm>>, %arg6: memref<80x128xi32, #tpu.memory_space<vmem>>, %arg7: memref<80x128xi32, #tpu.memory_space<vmem>>, %arg8: memref<10240x64xf32, #tpu.memory_space<vmem_shared>>, %arg9: memref<10240x64xf32, #tpu.memory_space<vmem_shared>>, %arg10: memref<128x64xf32, #tpu.memory_space<vmem>>, %arg11: memref<128x64xf32, #tpu.memory_space<vmem>>, %arg12: memref<128x64xf32, #tpu.memory_space<vmem>>, %arg13: memref<!tpu.dma_semaphore, #tpu.memory_space<semaphore_mem>>, %arg14: memref<!tpu.dma_semaphore, #tpu.memory_space<semaphore_mem>>, %arg15: memref<!tpu.dma_semaphore, #tpu.memory_space<semaphore_mem>>) attributes {dimension_semantics = [#tpu.dimension_semantics<core_parallel>, #tpu.dimension_semantics<subcore_parallel>], iteration_bounds = array<i64: 2, 16>, scalar_prefetch = 0 : i64, scratch_operands = 10 : i64, tpu.core_type = #tpu.core_type<sc_vector_subcore>, window_params = [{transform_indices = #map}, {transform_indices = #map1}, {transform_indices = #map}, {transform_indices = #map1}]} {
    %mul3A = arith.constant 16 : i32
    %mul3A_0 = arith.muli %arg0, %mul3A : i32
    %add3A = arith.addi %mul3A_0, %arg1 : i32
    %mul3A_1 = arith.constant 640 : i32
    %mul3A_2 = arith.muli %arg1, %mul3A_1 : i32
    %mul3A_3 = arith.constant 80 : i32
    %mul3A_4 = arith.muli %add3A, %mul3A_3 : i32
    %dma_start3A = arith.constant 0 : i32
    %dma_start3A_5 = arith.constant 0 : i32
    %dma_start3A_6 = tpu.memref_slice %arg3[%dma_start3A, %mul3A_4, %dma_start3A_5] : memref<2x2560x128xi32, #tpu.memory_space<hbm>> -> memref<1x80x128xi32, #tpu.memory_space<hbm>>
    %dma_start3A_7 = tpu.memref_squeeze %dma_start3A_6 : memref<1x80x128xi32, #tpu.memory_space<hbm>> -> memref<80x128xi32, #tpu.memory_space<hbm>>
    %dma_start3A_8 = arith.constant 0 : i32
    %dma_start3A_9 = tpu.memref_slice %arg3[%dma_start3A, %mul3A_4, %dma_start3A_8] : memref<2x2560x128xi32, #tpu.memory_space<hbm>> -> memref<1x80x128xi32, #tpu.memory_space<hbm>>
    %dma_start3A_10 = tpu.memref_squeeze %dma_start3A_9 : memref<1x80x128xi32, #tpu.memory_space<hbm>> -> memref<80x128xi32, #tpu.memory_space<hbm>>
    tpu.enqueue_dma source(%dma_start3A_10 : memref<80x128xi32, #tpu.memory_space<hbm>>) target(%arg6 : memref<80x128xi32, #tpu.memory_space<vmem>>) target_semaphore(%arg13 : memref<!tpu.dma_semaphore, #tpu.memory_space<semaphore_mem>>)
    %mul3A_11 = arith.constant 80 : i32
    %mul3A_12 = arith.muli %add3A, %mul3A_11 : i32
    %dma_start3A_13 = arith.constant 1 : i32
    %dma_start3A_14 = arith.constant 0 : i32
    %dma_start3A_15 = tpu.memref_slice %arg3[%dma_start3A_13, %mul3A_12, %dma_start3A_14] : memref<2x2560x128xi32, #tpu.memory_space<hbm>> -> memref<1x80x128xi32, #tpu.memory_space<hbm>>
    %dma_start3A_16 = tpu.memref_squeeze %dma_start3A_15 : memref<1x80x128xi32, #tpu.memory_space<hbm>> -> memref<80x128xi32, #tpu.memory_space<hbm>>
    %dma_start3A_17 = arith.constant 0 : i32
    %dma_start3A_18 = tpu.memref_slice %arg3[%dma_start3A_13, %mul3A_12, %dma_start3A_17] : memref<2x2560x128xi32, #tpu.memory_space<hbm>> -> memref<1x80x128xi32, #tpu.memory_space<hbm>>
    %dma_start3A_19 = tpu.memref_squeeze %dma_start3A_18 : memref<1x80x128xi32, #tpu.memory_space<hbm>> -> memref<80x128xi32, #tpu.memory_space<hbm>>
    tpu.enqueue_dma source(%dma_start3A_19 : memref<80x128xi32, #tpu.memory_space<hbm>>) target(%arg7 : memref<80x128xi32, #tpu.memory_space<vmem>>) target_semaphore(%arg14 : memref<!tpu.dma_semaphore, #tpu.memory_space<semaphore_mem>>)
    %dma_start3A_20 = arith.constant 0 : i32
    %dma_start3A_21 = tpu.memref_slice %arg8[%mul3A_2, %dma_start3A_20] : memref<10240x64xf32, #tpu.memory_space<vmem_shared>> -> memref<640x64xf32, #tpu.memory_space<vmem_shared>>
    %dma_start3A_22 = arith.constant 0 : i32
    %dma_start3A_23 = tpu.memref_slice %arg2[%mul3A_2, %dma_start3A_22] : memref<10240x64xf32, #tpu.memory_space<hbm>> -> memref<640x64xf32, #tpu.memory_space<hbm>>
    tpu.enqueue_dma source(%dma_start3A_23 : memref<640x64xf32, #tpu.memory_space<hbm>>) target(%dma_start3A_21 : memref<640x64xf32, #tpu.memory_space<vmem_shared>>) target_semaphore(%arg15 : memref<!tpu.dma_semaphore, #tpu.memory_space<semaphore_mem>>)
    %dma_start3A_24 = arith.constant 0 : i32
    %dma_start3A_25 = tpu.memref_slice %arg9[%mul3A_2, %dma_start3A_24] : memref<10240x64xf32, #tpu.memory_space<vmem_shared>> -> memref<640x64xf32, #tpu.memory_space<vmem_shared>>
    %dma_start3A_26 = arith.constant 0 : i32
    %dma_start3A_27 = tpu.memref_slice %arg4[%mul3A_2, %dma_start3A_26] : memref<10240x64xf32, #tpu.memory_space<hbm>> -> memref<640x64xf32, #tpu.memory_space<hbm>>
    tpu.enqueue_dma source(%dma_start3A_27 : memref<640x64xf32, #tpu.memory_space<hbm>>) target(%dma_start3A_25 : memref<640x64xf32, #tpu.memory_space<vmem_shared>>) target_semaphore(%arg13 : memref<!tpu.dma_semaphore, #tpu.memory_space<semaphore_mem>>)
    %dma_wait3A = arith.constant 0 : i32
    %dma_wait3A_28 = arith.constant 0 : i32
    %dma_wait3A_29 = tpu.memref_slice %arg3[%dma_wait3A, %mul3A_4, %dma_wait3A_28] : memref<2x2560x128xi32, #tpu.memory_space<hbm>> -> memref<1x80x128xi32, #tpu.memory_space<hbm>>
    %dma_wait3A_30 = tpu.memref_squeeze %dma_wait3A_29 : memref<1x80x128xi32, #tpu.memory_space<hbm>> -> memref<80x128xi32, #tpu.memory_space<hbm>>
    %dma_wait3A_31 = arith.constant 0 : i32
    %dma_wait3A_32 = tpu.memref_slice %arg3[%dma_wait3A, %mul3A_4, %dma_wait3A_31] : memref<2x2560x128xi32, #tpu.memory_space<hbm>> -> memref<1x80x128xi32, #tpu.memory_space<hbm>>
    %dma_wait3A_33 = tpu.memref_squeeze %dma_wait3A_32 : memref<1x80x128xi32, #tpu.memory_space<hbm>> -> memref<80x128xi32, #tpu.memory_space<hbm>>
    tpu.wait_dma2 semaphore(%arg13 : memref<!tpu.dma_semaphore, #tpu.memory_space<semaphore_mem>>) src(%dma_wait3A_33 : memref<80x128xi32, #tpu.memory_space<hbm>>) dst(%arg6 : memref<80x128xi32, #tpu.memory_space<vmem>>)
    %dma_wait3A_34 = arith.constant 1 : i32
    %dma_wait3A_35 = arith.constant 0 : i32
    %dma_wait3A_36 = tpu.memref_slice %arg3[%dma_wait3A_34, %mul3A_12, %dma_wait3A_35] : memref<2x2560x128xi32, #tpu.memory_space<hbm>> -> memref<1x80x128xi32, #tpu.memory_space<hbm>>
    %dma_wait3A_37 = tpu.memref_squeeze %dma_wait3A_36 : memref<1x80x128xi32, #tpu.memory_space<hbm>> -> memref<80x128xi32, #tpu.memory_space<hbm>>
    %dma_wait3A_38 = arith.constant 0 : i32
    %dma_wait3A_39 = tpu.memref_slice %arg3[%dma_wait3A_34, %mul3A_12, %dma_wait3A_38] : memref<2x2560x128xi32, #tpu.memory_space<hbm>> -> memref<1x80x128xi32, #tpu.memory_space<hbm>>
    %dma_wait3A_40 = tpu.memref_squeeze %dma_wait3A_39 : memref<1x80x128xi32, #tpu.memory_space<hbm>> -> memref<80x128xi32, #tpu.memory_space<hbm>>
    tpu.wait_dma2 semaphore(%arg14 : memref<!tpu.dma_semaphore, #tpu.memory_space<semaphore_mem>>) src(%dma_wait3A_40 : memref<80x128xi32, #tpu.memory_space<hbm>>) dst(%arg7 : memref<80x128xi32, #tpu.memory_space<vmem>>)
    %dma_wait3A_41 = arith.constant 0 : i32
    %dma_wait3A_42 = tpu.memref_slice %arg8[%mul3A_2, %dma_wait3A_41] : memref<10240x64xf32, #tpu.memory_space<vmem_shared>> -> memref<640x64xf32, #tpu.memory_space<vmem_shared>>
    %dma_wait3A_43 = arith.constant 0 : i32
    %dma_wait3A_44 = tpu.memref_slice %arg2[%mul3A_2, %dma_wait3A_43] : memref<10240x64xf32, #tpu.memory_space<hbm>> -> memref<640x64xf32, #tpu.memory_space<hbm>>
    tpu.wait_dma2 semaphore(%arg15 : memref<!tpu.dma_semaphore, #tpu.memory_space<semaphore_mem>>) src(%dma_wait3A_44 : memref<640x64xf32, #tpu.memory_space<hbm>>) dst(%dma_wait3A_42 : memref<640x64xf32, #tpu.memory_space<vmem_shared>>)
    %dma_wait3A_45 = arith.constant 0 : i32
    %dma_wait3A_46 = tpu.memref_slice %arg9[%mul3A_2, %dma_wait3A_45] : memref<10240x64xf32, #tpu.memory_space<vmem_shared>> -> memref<640x64xf32, #tpu.memory_space<vmem_shared>>
    %dma_wait3A_47 = arith.constant 0 : i32
    %dma_wait3A_48 = tpu.memref_slice %arg4[%mul3A_2, %dma_wait3A_47] : memref<10240x64xf32, #tpu.memory_space<hbm>> -> memref<640x64xf32, #tpu.memory_space<hbm>>
    tpu.wait_dma2 semaphore(%arg13 : memref<!tpu.dma_semaphore, #tpu.memory_space<semaphore_mem>>) src(%dma_wait3A_48 : memref<640x64xf32, #tpu.memory_space<hbm>>) dst(%dma_wait3A_46 : memref<640x64xf32, #tpu.memory_space<vmem_shared>>)
    %barrier3A = arith.constant 0 : index
    tpu.barrier barrier_id(%barrier3A)
    %dma_start3A_49 = arith.constant 0 : i32
    %dma_start3A_50 = arith.constant 0 : i32
    %dma_start3A_51 = tpu.memref_slice %arg6[%dma_start3A_49, %dma_start3A_50] : memref<80x128xi32, #tpu.memory_space<vmem>> -> memref<1x128xi32, #tpu.memory_space<vmem>>
    %dma_start3A_52 = tpu.memref_squeeze %dma_start3A_51 : memref<1x128xi32, #tpu.memory_space<vmem>> -> memref<128xi32, #tpu.memory_space<vmem>>
    %dma_start3A_53 = arith.constant 0 : i32
    %dma_start3A_54 = arith.constant 0 : i32
    %dma_start3A_55 = tpu.memref_slice %arg8[%dma_start3A_53, %dma_start3A_54] : memref<10240x64xf32, #tpu.memory_space<vmem_shared>> -> memref<10240x64xf32, #tpu.memory_space<vmem_shared>>
    tpu.enqueue_indirect_dma source(%dma_start3A_55 : memref<10240x64xf32, #tpu.memory_space<vmem_shared>>) target(%arg10 : memref<128x64xf32, #tpu.memory_space<vmem>>) offsets(%dma_start3A_52 : memref<128xi32, #tpu.memory_space<vmem>>) semaphore(%arg13 : memref<!tpu.dma_semaphore, #tpu.memory_space<semaphore_mem>>)
    %dma_start3A_56 = arith.constant 1 : i32
    %dma_start3A_57 = arith.constant 0 : i32
    %dma_start3A_58 = tpu.memref_slice %arg6[%dma_start3A_56, %dma_start3A_57] : memref<80x128xi32, #tpu.memory_space<vmem>> -> memref<1x128xi32, #tpu.memory_space<vmem>>
    %dma_start3A_59 = tpu.memref_squeeze %dma_start3A_58 : memref<1x128xi32, #tpu.memory_space<vmem>> -> memref<128xi32, #tpu.memory_space<vmem>>
    %dma_start3A_60 = arith.constant 0 : i32
    %dma_start3A_61 = arith.constant 0 : i32
    %dma_start3A_62 = tpu.memref_slice %arg8[%dma_start3A_60, %dma_start3A_61] : memref<10240x64xf32, #tpu.memory_space<vmem_shared>> -> memref<10240x64xf32, #tpu.memory_space<vmem_shared>>
    tpu.enqueue_indirect_dma source(%dma_start3A_62 : memref<10240x64xf32, #tpu.memory_space<vmem_shared>>) target(%arg11 : memref<128x64xf32, #tpu.memory_space<vmem>>) offsets(%dma_start3A_59 : memref<128xi32, #tpu.memory_space<vmem>>) semaphore(%arg14 : memref<!tpu.dma_semaphore, #tpu.memory_space<semaphore_mem>>)
    %dma_start3A_63 = arith.constant 2 : i32
    %dma_start3A_64 = arith.constant 0 : i32
    %dma_start3A_65 = tpu.memref_slice %arg6[%dma_start3A_63, %dma_start3A_64] : memref<80x128xi32, #tpu.memory_space<vmem>> -> memref<1x128xi32, #tpu.memory_space<vmem>>
    %dma_start3A_66 = tpu.memref_squeeze %dma_start3A_65 : memref<1x128xi32, #tpu.memory_space<vmem>> -> memref<128xi32, #tpu.memory_space<vmem>>
    %dma_start3A_67 = arith.constant 0 : i32
    %dma_start3A_68 = arith.constant 0 : i32
    %dma_start3A_69 = tpu.memref_slice %arg8[%dma_start3A_67, %dma_start3A_68] : memref<10240x64xf32, #tpu.memory_space<vmem_shared>> -> memref<10240x64xf32, #tpu.memory_space<vmem_shared>>
    tpu.enqueue_indirect_dma source(%dma_start3A_69 : memref<10240x64xf32, #tpu.memory_space<vmem_shared>>) target(%arg12 : memref<128x64xf32, #tpu.memory_space<vmem>>) offsets(%dma_start3A_66 : memref<128xi32, #tpu.memory_space<vmem>>) semaphore(%arg15 : memref<!tpu.dma_semaphore, #tpu.memory_space<semaphore_mem>>)
    %scan3A = arith.constant 0 : i32
    %scan3A_70 = arith.constant 26 : i32
    %scan3A_71 = arith.addi %scan3A, %scan3A_70 : i32
    %scan3A_72 = arith.constant 1 : i32
    scf.for %scan3A_90 = %scan3A to %scan3A_71 step %scan3A_72  : i32 {
      %mul3A_91 = arith.constant 1 : i32
      %mul3A_92 = arith.muli %scan3A_90, %mul3A_91 : i32
      %add3A_93 = arith.constant 0 : i32
      %add3A_94 = arith.addi %add3A_93, %mul3A_92 : i32
      %mul3A_95 = arith.constant 3 : i32
      %mul3A_96 = arith.muli %add3A_94, %mul3A_95 : i32
      %add3A_97 = arith.constant 0 : i32
      %add3A_98 = arith.addi %mul3A_96, %add3A_97 : i32
      %dma_wait3A_99 = arith.constant 0 : i32
      %dma_wait3A_100 = tpu.memref_slice %arg6[%add3A_98, %dma_wait3A_99] : memref<80x128xi32, #tpu.memory_space<vmem>> -> memref<1x128xi32, #tpu.memory_space<vmem>>
      %dma_wait3A_101 = tpu.memref_squeeze %dma_wait3A_100 : memref<1x128xi32, #tpu.memory_space<vmem>> -> memref<128xi32, #tpu.memory_space<vmem>>
      %dma_wait3A_102 = arith.constant 0 : i32
      %dma_wait3A_103 = arith.constant 0 : i32
      %dma_wait3A_104 = tpu.memref_slice %arg8[%dma_wait3A_102, %dma_wait3A_103] : memref<10240x64xf32, #tpu.memory_space<vmem_shared>> -> memref<10240x64xf32, #tpu.memory_space<vmem_shared>>
      tpu.wait_indirect_dma semaphore(%arg13 : memref<!tpu.dma_semaphore, #tpu.memory_space<semaphore_mem>>) src(%dma_wait3A_104 : memref<10240x64xf32, #tpu.memory_space<vmem_shared>>) dst(%arg10 : memref<128x64xf32, #tpu.memory_space<vmem>>)
      "tpu.region"() ({
        %run_scoped3A_137 = tpu.sem_alloc : memref<!tpu.dma_semaphore, #tpu.memory_space<semaphore_mem>>
        %dma_start3A_138 = arith.constant 0 : i32
        %dma_start3A_139 = tpu.memref_slice %arg7[%add3A_98, %dma_start3A_138] : memref<80x128xi32, #tpu.memory_space<vmem>> -> memref<1x128xi32, #tpu.memory_space<vmem>>
        %dma_start3A_140 = tpu.memref_squeeze %dma_start3A_139 : memref<1x128xi32, #tpu.memory_space<vmem>> -> memref<128xi32, #tpu.memory_space<vmem>>
        %dma_start3A_141 = arith.constant 0 : i32
        %dma_start3A_142 = arith.constant 0 : i32
        %dma_start3A_143 = tpu.memref_slice %arg9[%dma_start3A_141, %dma_start3A_142] : memref<10240x64xf32, #tpu.memory_space<vmem_shared>> -> memref<10240x64xf32, #tpu.memory_space<vmem_shared>>
        tpu.enqueue_indirect_dma source(%arg10 : memref<128x64xf32, #tpu.memory_space<vmem>>) target(%dma_start3A_143 : memref<10240x64xf32, #tpu.memory_space<vmem_shared>>) offsets(%dma_start3A_140 : memref<128xi32, #tpu.memory_space<vmem>>) semaphore(%run_scoped3A_137 : memref<!tpu.dma_semaphore, #tpu.memory_space<semaphore_mem>>) {add = true}
        %dma_wait3A_144 = arith.constant 0 : i32
        %dma_wait3A_145 = tpu.memref_slice %arg7[%add3A_98, %dma_wait3A_144] : memref<80x128xi32, #tpu.memory_space<vmem>> -> memref<1x128xi32, #tpu.memory_space<vmem>>
        %dma_wait3A_146 = tpu.memref_squeeze %dma_wait3A_145 : memref<1x128xi32, #tpu.memory_space<vmem>> -> memref<128xi32, #tpu.memory_space<vmem>>
        %dma_wait3A_147 = arith.constant 0 : i32
        %dma_wait3A_148 = arith.constant 0 : i32
        %dma_wait3A_149 = tpu.memref_slice %arg9[%dma_wait3A_147, %dma_wait3A_148] : memref<10240x64xf32, #tpu.memory_space<vmem_shared>> -> memref<10240x64xf32, #tpu.memory_space<vmem_shared>>
        tpu.wait_indirect_dma semaphore(%run_scoped3A_137 : memref<!tpu.dma_semaphore, #tpu.memory_space<semaphore_mem>>) src(%arg10 : memref<128x64xf32, #tpu.memory_space<vmem>>) dst(%dma_wait3A_149 : memref<10240x64xf32, #tpu.memory_space<vmem_shared>>)
        tpu.yield
      }) : () -> ()
      %lt3A = arith.constant 26 : i32
      %lt3A_105 = arith.cmpi slt, %add3A_94, %lt3A : i32
      %convert_element_type3A = arith.extui %lt3A_105 : i1 to i32
      %cond3A = arith.constant 0 : i32
      %cond3A_106 = arith.cmpi ne, %convert_element_type3A, %cond3A : i32
      scf.if %cond3A_106 {
        %add3A_137 = arith.constant 3 : i32
        %add3A_138 = arith.addi %add3A_98, %add3A_137 : i32
        %dma_start3A_139 = arith.constant 0 : i32
        %dma_start3A_140 = tpu.memref_slice %arg6[%add3A_138, %dma_start3A_139] : memref<80x128xi32, #tpu.memory_space<vmem>> -> memref<1x128xi32, #tpu.memory_space<vmem>>
        %dma_start3A_141 = tpu.memref_squeeze %dma_start3A_140 : memref<1x128xi32, #tpu.memory_space<vmem>> -> memref<128xi32, #tpu.memory_space<vmem>>
        %dma_start3A_142 = arith.constant 0 : i32
        %dma_start3A_143 = arith.constant 0 : i32
        %dma_start3A_144 = tpu.memref_slice %arg8[%dma_start3A_142, %dma_start3A_143] : memref<10240x64xf32, #tpu.memory_space<vmem_shared>> -> memref<10240x64xf32, #tpu.memory_space<vmem_shared>>
        tpu.enqueue_indirect_dma source(%dma_start3A_144 : memref<10240x64xf32, #tpu.memory_space<vmem_shared>>) target(%arg10 : memref<128x64xf32, #tpu.memory_space<vmem>>) offsets(%dma_start3A_141 : memref<128xi32, #tpu.memory_space<vmem>>) semaphore(%arg13 : memref<!tpu.dma_semaphore, #tpu.memory_space<semaphore_mem>>)
      } else {
      }
      %mul3A_107 = arith.constant 3 : i32
      %mul3A_108 = arith.muli %add3A_94, %mul3A_107 : i32
      %add3A_109 = arith.constant 1 : i32
      %add3A_110 = arith.addi %mul3A_108, %add3A_109 : i32
      %dma_wait3A_111 = arith.constant 0 : i32
      %dma_wait3A_112 = tpu.memref_slice %arg6[%add3A_110, %dma_wait3A_111] : memref<80x128xi32, #tpu.memory_space<vmem>> -> memref<1x128xi32, #tpu.memory_space<vmem>>
      %dma_wait3A_113 = tpu.memref_squeeze %dma_wait3A_112 : memref<1x128xi32, #tpu.memory_space<vmem>> -> memref<128xi32, #tpu.memory_space<vmem>>
      %dma_wait3A_114 = arith.constant 0 : i32
      %dma_wait3A_115 = arith.constant 0 : i32
      %dma_wait3A_116 = tpu.memref_slice %arg8[%dma_wait3A_114, %dma_wait3A_115] : memref<10240x64xf32, #tpu.memory_space<vmem_shared>> -> memref<10240x64xf32, #tpu.memory_space<vmem_shared>>
      tpu.wait_indirect_dma semaphore(%arg14 : memref<!tpu.dma_semaphore, #tpu.memory_space<semaphore_mem>>) src(%dma_wait3A_116 : memref<10240x64xf32, #tpu.memory_space<vmem_shared>>) dst(%arg11 : memref<128x64xf32, #tpu.memory_space<vmem>>)
      "tpu.region"() ({
        %run_scoped3A_137 = tpu.sem_alloc : memref<!tpu.dma_semaphore, #tpu.memory_space<semaphore_mem>>
        %dma_start3A_138 = arith.constant 0 : i32
        %dma_start3A_139 = tpu.memref_slice %arg7[%add3A_110, %dma_start3A_138] : memref<80x128xi32, #tpu.memory_space<vmem>> -> memref<1x128xi32, #tpu.memory_space<vmem>>
        %dma_start3A_140 = tpu.memref_squeeze %dma_start3A_139 : memref<1x128xi32, #tpu.memory_space<vmem>> -> memref<128xi32, #tpu.memory_space<vmem>>
        %dma_start3A_141 = arith.constant 0 : i32
        %dma_start3A_142 = arith.constant 0 : i32
        %dma_start3A_143 = tpu.memref_slice %arg9[%dma_start3A_141, %dma_start3A_142] : memref<10240x64xf32, #tpu.memory_space<vmem_shared>> -> memref<10240x64xf32, #tpu.memory_space<vmem_shared>>
        tpu.enqueue_indirect_dma source(%arg11 : memref<128x64xf32, #tpu.memory_space<vmem>>) target(%dma_start3A_143 : memref<10240x64xf32, #tpu.memory_space<vmem_shared>>) offsets(%dma_start3A_140 : memref<128xi32, #tpu.memory_space<vmem>>) semaphore(%run_scoped3A_137 : memref<!tpu.dma_semaphore, #tpu.memory_space<semaphore_mem>>) {add = true}
        %dma_wait3A_144 = arith.constant 0 : i32
        %dma_wait3A_145 = tpu.memref_slice %arg7[%add3A_110, %dma_wait3A_144] : memref<80x128xi32, #tpu.memory_space<vmem>> -> memref<1x128xi32, #tpu.memory_space<vmem>>
        %dma_wait3A_146 = tpu.memref_squeeze %dma_wait3A_145 : memref<1x128xi32, #tpu.memory_space<vmem>> -> memref<128xi32, #tpu.memory_space<vmem>>
        %dma_wait3A_147 = arith.constant 0 : i32
        %dma_wait3A_148 = arith.constant 0 : i32
        %dma_wait3A_149 = tpu.memref_slice %arg9[%dma_wait3A_147, %dma_wait3A_148] : memref<10240x64xf32, #tpu.memory_space<vmem_shared>> -> memref<10240x64xf32, #tpu.memory_space<vmem_shared>>
        tpu.wait_indirect_dma semaphore(%run_scoped3A_137 : memref<!tpu.dma_semaphore, #tpu.memory_space<semaphore_mem>>) src(%arg11 : memref<128x64xf32, #tpu.memory_space<vmem>>) dst(%dma_wait3A_149 : memref<10240x64xf32, #tpu.memory_space<vmem_shared>>)
        tpu.yield
      }) : () -> ()
      %lt3A_117 = arith.constant 26 : i32
      %lt3A_118 = arith.cmpi slt, %add3A_94, %lt3A_117 : i32
      %convert_element_type3A_119 = arith.extui %lt3A_118 : i1 to i32
      %cond3A_120 = arith.constant 0 : i32
      %cond3A_121 = arith.cmpi ne, %convert_element_type3A_119, %cond3A_120 : i32
      scf.if %cond3A_121 {
        %add3A_137 = arith.constant 3 : i32
        %add3A_138 = arith.addi %add3A_110, %add3A_137 : i32
        %dma_start3A_139 = arith.constant 0 : i32
        %dma_start3A_140 = tpu.memref_slice %arg6[%add3A_138, %dma_start3A_139] : memref<80x128xi32, #tpu.memory_space<vmem>> -> memref<1x128xi32, #tpu.memory_space<vmem>>
        %dma_start3A_141 = tpu.memref_squeeze %dma_start3A_140 : memref<1x128xi32, #tpu.memory_space<vmem>> -> memref<128xi32, #tpu.memory_space<vmem>>
        %dma_start3A_142 = arith.constant 0 : i32
        %dma_start3A_143 = arith.constant 0 : i32
        %dma_start3A_144 = tpu.memref_slice %arg8[%dma_start3A_142, %dma_start3A_143] : memref<10240x64xf32, #tpu.memory_space<vmem_shared>> -> memref<10240x64xf32, #tpu.memory_space<vmem_shared>>
        tpu.enqueue_indirect_dma source(%dma_start3A_144 : memref<10240x64xf32, #tpu.memory_space<vmem_shared>>) target(%arg11 : memref<128x64xf32, #tpu.memory_space<vmem>>) offsets(%dma_start3A_141 : memref<128xi32, #tpu.memory_space<vmem>>) semaphore(%arg14 : memref<!tpu.dma_semaphore, #tpu.memory_space<semaphore_mem>>)
      } else {
      }
      %mul3A_122 = arith.constant 3 : i32
      %mul3A_123 = arith.muli %add3A_94, %mul3A_122 : i32
      %add3A_124 = arith.constant 2 : i32
      %add3A_125 = arith.addi %mul3A_123, %add3A_124 : i32
      %dma_wait3A_126 = arith.constant 0 : i32
      %dma_wait3A_127 = tpu.memref_slice %arg6[%add3A_125, %dma_wait3A_126] : memref<80x128xi32, #tpu.memory_space<vmem>> -> memref<1x128xi32, #tpu.memory_space<vmem>>
      %dma_wait3A_128 = tpu.memref_squeeze %dma_wait3A_127 : memref<1x128xi32, #tpu.memory_space<vmem>> -> memref<128xi32, #tpu.memory_space<vmem>>
      %dma_wait3A_129 = arith.constant 0 : i32
      %dma_wait3A_130 = arith.constant 0 : i32
      %dma_wait3A_131 = tpu.memref_slice %arg8[%dma_wait3A_129, %dma_wait3A_130] : memref<10240x64xf32, #tpu.memory_space<vmem_shared>> -> memref<10240x64xf32, #tpu.memory_space<vmem_shared>>
      tpu.wait_indirect_dma semaphore(%arg15 : memref<!tpu.dma_semaphore, #tpu.memory_space<semaphore_mem>>) src(%dma_wait3A_131 : memref<10240x64xf32, #tpu.memory_space<vmem_shared>>) dst(%arg12 : memref<128x64xf32, #tpu.memory_space<vmem>>)
      "tpu.region"() ({
        %run_scoped3A_137 = tpu.sem_alloc : memref<!tpu.dma_semaphore, #tpu.memory_space<semaphore_mem>>
        %dma_start3A_138 = arith.constant 0 : i32
        %dma_start3A_139 = tpu.memref_slice %arg7[%add3A_125, %dma_start3A_138] : memref<80x128xi32, #tpu.memory_space<vmem>> -> memref<1x128xi32, #tpu.memory_space<vmem>>
        %dma_start3A_140 = tpu.memref_squeeze %dma_start3A_139 : memref<1x128xi32, #tpu.memory_space<vmem>> -> memref<128xi32, #tpu.memory_space<vmem>>
        %dma_start3A_141 = arith.constant 0 : i32
        %dma_start3A_142 = arith.constant 0 : i32
        %dma_start3A_143 = tpu.memref_slice %arg9[%dma_start3A_141, %dma_start3A_142] : memref<10240x64xf32, #tpu.memory_space<vmem_shared>> -> memref<10240x64xf32, #tpu.memory_space<vmem_shared>>
        tpu.enqueue_indirect_dma source(%arg12 : memref<128x64xf32, #tpu.memory_space<vmem>>) target(%dma_start3A_143 : memref<10240x64xf32, #tpu.memory_space<vmem_shared>>) offsets(%dma_start3A_140 : memref<128xi32, #tpu.memory_space<vmem>>) semaphore(%run_scoped3A_137 : memref<!tpu.dma_semaphore, #tpu.memory_space<semaphore_mem>>) {add = true}
        %dma_wait3A_144 = arith.constant 0 : i32
        %dma_wait3A_145 = tpu.memref_slice %arg7[%add3A_125, %dma_wait3A_144] : memref<80x128xi32, #tpu.memory_space<vmem>> -> memref<1x128xi32, #tpu.memory_space<vmem>>
        %dma_wait3A_146 = tpu.memref_squeeze %dma_wait3A_145 : memref<1x128xi32, #tpu.memory_space<vmem>> -> memref<128xi32, #tpu.memory_space<vmem>>
        %dma_wait3A_147 = arith.constant 0 : i32
        %dma_wait3A_148 = arith.constant 0 : i32
        %dma_wait3A_149 = tpu.memref_slice %arg9[%dma_wait3A_147, %dma_wait3A_148] : memref<10240x64xf32, #tpu.memory_space<vmem_shared>> -> memref<10240x64xf32, #tpu.memory_space<vmem_shared>>
        tpu.wait_indirect_dma semaphore(%run_scoped3A_137 : memref<!tpu.dma_semaphore, #tpu.memory_space<semaphore_mem>>) src(%arg12 : memref<128x64xf32, #tpu.memory_space<vmem>>) dst(%dma_wait3A_149 : memref<10240x64xf32, #tpu.memory_space<vmem_shared>>)
        tpu.yield
      }) : () -> ()
      %lt3A_132 = arith.constant 25 : i32
      %lt3A_133 = arith.cmpi slt, %add3A_94, %lt3A_132 : i32
      %convert_element_type3A_134 = arith.extui %lt3A_133 : i1 to i32
      %cond3A_135 = arith.constant 0 : i32
      %cond3A_136 = arith.cmpi ne, %convert_element_type3A_134, %cond3A_135 : i32
      scf.if %cond3A_136 {
        %add3A_137 = arith.constant 3 : i32
        %add3A_138 = arith.addi %add3A_125, %add3A_137 : i32
        %dma_start3A_139 = arith.constant 0 : i32
        %dma_start3A_140 = tpu.memref_slice %arg6[%add3A_138, %dma_start3A_139] : memref<80x128xi32, #tpu.memory_space<vmem>> -> memref<1x128xi32, #tpu.memory_space<vmem>>
        %dma_start3A_141 = tpu.memref_squeeze %dma_start3A_140 : memref<1x128xi32, #tpu.memory_space<vmem>> -> memref<128xi32, #tpu.memory_space<vmem>>
        %dma_start3A_142 = arith.constant 0 : i32
        %dma_start3A_143 = arith.constant 0 : i32
        %dma_start3A_144 = tpu.memref_slice %arg8[%dma_start3A_142, %dma_start3A_143] : memref<10240x64xf32, #tpu.memory_space<vmem_shared>> -> memref<10240x64xf32, #tpu.memory_space<vmem_shared>>
        tpu.enqueue_indirect_dma source(%dma_start3A_144 : memref<10240x64xf32, #tpu.memory_space<vmem_shared>>) target(%arg12 : memref<128x64xf32, #tpu.memory_space<vmem>>) offsets(%dma_start3A_141 : memref<128xi32, #tpu.memory_space<vmem>>) semaphore(%arg15 : memref<!tpu.dma_semaphore, #tpu.memory_space<semaphore_mem>>)
      } else {
      }
    }
    %scan3A_73 = arith.constant 26 : i32
    %dma_wait3A_74 = arith.constant 78 : i32
    %dma_wait3A_75 = arith.constant 0 : i32
    %dma_wait3A_76 = tpu.memref_slice %arg6[%dma_wait3A_74, %dma_wait3A_75] : memref<80x128xi32, #tpu.memory_space<vmem>> -> memref<1x128xi32, #tpu.memory_space<vmem>>
    %dma_wait3A_77 = tpu.memref_squeeze %dma_wait3A_76 : memref<1x128xi32, #tpu.memory_space<vmem>> -> memref<128xi32, #tpu.memory_space<vmem>>
    %dma_wait3A_78 = arith.constant 0 : i32
    %dma_wait3A_79 = arith.constant 0 : i32
    %dma_wait3A_80 = tpu.memref_slice %arg8[%dma_wait3A_78, %dma_wait3A_79] : memref<10240x64xf32, #tpu.memory_space<vmem_shared>> -> memref<10240x64xf32, #tpu.memory_space<vmem_shared>>
    tpu.wait_indirect_dma semaphore(%arg13 : memref<!tpu.dma_semaphore, #tpu.memory_space<semaphore_mem>>) src(%dma_wait3A_80 : memref<10240x64xf32, #tpu.memory_space<vmem_shared>>) dst(%arg10 : memref<128x64xf32, #tpu.memory_space<vmem>>)
    %run_scoped3A = arith.constant 78 : i32
    "tpu.region"() ({
      %run_scoped3A_90 = tpu.sem_alloc : memref<!tpu.dma_semaphore, #tpu.memory_space<semaphore_mem>>
      %dma_start3A_91 = arith.constant 0 : i32
      %dma_start3A_92 = tpu.memref_slice %arg7[%run_scoped3A, %dma_start3A_91] : memref<80x128xi32, #tpu.memory_space<vmem>> -> memref<1x128xi32, #tpu.memory_space<vmem>>
      %dma_start3A_93 = tpu.memref_squeeze %dma_start3A_92 : memref<1x128xi32, #tpu.memory_space<vmem>> -> memref<128xi32, #tpu.memory_space<vmem>>
      %dma_start3A_94 = arith.constant 0 : i32
      %dma_start3A_95 = arith.constant 0 : i32
      %dma_start3A_96 = tpu.memref_slice %arg9[%dma_start3A_94, %dma_start3A_95] : memref<10240x64xf32, #tpu.memory_space<vmem_shared>> -> memref<10240x64xf32, #tpu.memory_space<vmem_shared>>
      tpu.enqueue_indirect_dma source(%arg10 : memref<128x64xf32, #tpu.memory_space<vmem>>) target(%dma_start3A_96 : memref<10240x64xf32, #tpu.memory_space<vmem_shared>>) offsets(%dma_start3A_93 : memref<128xi32, #tpu.memory_space<vmem>>) semaphore(%run_scoped3A_90 : memref<!tpu.dma_semaphore, #tpu.memory_space<semaphore_mem>>) {add = true}
      %dma_wait3A_97 = arith.constant 0 : i32
      %dma_wait3A_98 = tpu.memref_slice %arg7[%run_scoped3A, %dma_wait3A_97] : memref<80x128xi32, #tpu.memory_space<vmem>> -> memref<1x128xi32, #tpu.memory_space<vmem>>
      %dma_wait3A_99 = tpu.memref_squeeze %dma_wait3A_98 : memref<1x128xi32, #tpu.memory_space<vmem>> -> memref<128xi32, #tpu.memory_space<vmem>>
      %dma_wait3A_100 = arith.constant 0 : i32
      %dma_wait3A_101 = arith.constant 0 : i32
      %dma_wait3A_102 = tpu.memref_slice %arg9[%dma_wait3A_100, %dma_wait3A_101] : memref<10240x64xf32, #tpu.memory_space<vmem_shared>> -> memref<10240x64xf32, #tpu.memory_space<vmem_shared>>
      tpu.wait_indirect_dma semaphore(%run_scoped3A_90 : memref<!tpu.dma_semaphore, #tpu.memory_space<semaphore_mem>>) src(%arg10 : memref<128x64xf32, #tpu.memory_space<vmem>>) dst(%dma_wait3A_102 : memref<10240x64xf32, #tpu.memory_space<vmem_shared>>)
      tpu.yield
    }) : () -> ()
    %dma_wait3A_81 = arith.constant 79 : i32
    %dma_wait3A_82 = arith.constant 0 : i32
    %dma_wait3A_83 = tpu.memref_slice %arg6[%dma_wait3A_81, %dma_wait3A_82] : memref<80x128xi32, #tpu.memory_space<vmem>> -> memref<1x128xi32, #tpu.memory_space<vmem>>
    %dma_wait3A_84 = tpu.memref_squeeze %dma_wait3A_83 : memref<1x128xi32, #tpu.memory_space<vmem>> -> memref<128xi32, #tpu.memory_space<vmem>>
    %dma_wait3A_85 = arith.constant 0 : i32
    %dma_wait3A_86 = arith.constant 0 : i32
    %dma_wait3A_87 = tpu.memref_slice %arg8[%dma_wait3A_85, %dma_wait3A_86] : memref<10240x64xf32, #tpu.memory_space<vmem_shared>> -> memref<10240x64xf32, #tpu.memory_space<vmem_shared>>
    tpu.wait_indirect_dma semaphore(%arg14 : memref<!tpu.dma_semaphore, #tpu.memory_space<semaphore_mem>>) src(%dma_wait3A_87 : memref<10240x64xf32, #tpu.memory_space<vmem_shared>>) dst(%arg11 : memref<128x64xf32, #tpu.memory_space<vmem>>)
    %run_scoped3A_88 = arith.constant 79 : i32
    "tpu.region"() ({
      %run_scoped3A_90 = tpu.sem_alloc : memref<!tpu.dma_semaphore, #tpu.memory_space<semaphore_mem>>
      %dma_start3A_91 = arith.constant 0 : i32
      %dma_start3A_92 = tpu.memref_slice %arg7[%run_scoped3A_88, %dma_start3A_91] : memref<80x128xi32, #tpu.memory_space<vmem>> -> memref<1x128xi32, #tpu.memory_space<vmem>>
      %dma_start3A_93 = tpu.memref_squeeze %dma_start3A_92 : memref<1x128xi32, #tpu.memory_space<vmem>> -> memref<128xi32, #tpu.memory_space<vmem>>
      %dma_start3A_94 = arith.constant 0 : i32
      %dma_start3A_95 = arith.constant 0 : i32
      %dma_start3A_96 = tpu.memref_slice %arg9[%dma_start3A_94, %dma_start3A_95] : memref<10240x64xf32, #tpu.memory_space<vmem_shared>> -> memref<10240x64xf32, #tpu.memory_space<vmem_shared>>
      tpu.enqueue_indirect_dma source(%arg11 : memref<128x64xf32, #tpu.memory_space<vmem>>) target(%dma_start3A_96 : memref<10240x64xf32, #tpu.memory_space<vmem_shared>>) offsets(%dma_start3A_93 : memref<128xi32, #tpu.memory_space<vmem>>) semaphore(%run_scoped3A_90 : memref<!tpu.dma_semaphore, #tpu.memory_space<semaphore_mem>>) {add = true}
      %dma_wait3A_97 = arith.constant 0 : i32
      %dma_wait3A_98 = tpu.memref_slice %arg7[%run_scoped3A_88, %dma_wait3A_97] : memref<80x128xi32, #tpu.memory_space<vmem>> -> memref<1x128xi32, #tpu.memory_space<vmem>>
      %dma_wait3A_99 = tpu.memref_squeeze %dma_wait3A_98 : memref<1x128xi32, #tpu.memory_space<vmem>> -> memref<128xi32, #tpu.memory_space<vmem>>
      %dma_wait3A_100 = arith.constant 0 : i32
      %dma_wait3A_101 = arith.constant 0 : i32
      %dma_wait3A_102 = tpu.memref_slice %arg9[%dma_wait3A_100, %dma_wait3A_101] : memref<10240x64xf32, #tpu.memory_space<vmem_shared>> -> memref<10240x64xf32, #tpu.memory_space<vmem_shared>>
      tpu.wait_indirect_dma semaphore(%run_scoped3A_90 : memref<!tpu.dma_semaphore, #tpu.memory_space<semaphore_mem>>) src(%arg11 : memref<128x64xf32, #tpu.memory_space<vmem>>) dst(%dma_wait3A_102 : memref<10240x64xf32, #tpu.memory_space<vmem_shared>>)
      tpu.yield
    }) : () -> ()
    %barrier3A_89 = arith.constant 0 : index
    tpu.barrier barrier_id(%barrier3A_89)
    "tpu.region"() ({
      %run_scoped3A_90 = tpu.sem_alloc : memref<!tpu.dma_semaphore, #tpu.memory_space<semaphore_mem>>
      %dma_start3A_91 = arith.constant 0 : i32
      %dma_start3A_92 = tpu.memref_slice %arg5[%arg0, %mul3A_2, %dma_start3A_91] : memref<2x10240x64xf32, #tpu.memory_space<hbm>> -> memref<1x640x64xf32, #tpu.memory_space<hbm>>
      %dma_start3A_93 = tpu.memref_squeeze %dma_start3A_92 : memref<1x640x64xf32, #tpu.memory_space<hbm>> -> memref<640x64xf32, #tpu.memory_space<hbm>>
      %dma_start3A_94 = arith.constant 0 : i32
      %dma_start3A_95 = tpu.memref_slice %arg9[%mul3A_2, %dma_start3A_94] : memref<10240x64xf32, #tpu.memory_space<vmem_shared>> -> memref<640x64xf32, #tpu.memory_space<vmem_shared>>
      tpu.enqueue_dma source(%dma_start3A_95 : memref<640x64xf32, #tpu.memory_space<vmem_shared>>) target(%dma_start3A_93 : memref<640x64xf32, #tpu.memory_space<hbm>>) target_semaphore(%run_scoped3A_90 : memref<!tpu.dma_semaphore, #tpu.memory_space<semaphore_mem>>)
      %dma_wait3A_96 = arith.constant 0 : i32
      %dma_wait3A_97 = tpu.memref_slice %arg5[%arg0, %mul3A_2, %dma_wait3A_96] : memref<2x10240x64xf32, #tpu.memory_space<hbm>> -> memref<1x640x64xf32, #tpu.memory_space<hbm>>
      %dma_wait3A_98 = tpu.memref_squeeze %dma_wait3A_97 : memref<1x640x64xf32, #tpu.memory_space<hbm>> -> memref<640x64xf32, #tpu.memory_space<hbm>>
      %dma_wait3A_99 = arith.constant 0 : i32
      %dma_wait3A_100 = tpu.memref_slice %arg9[%mul3A_2, %dma_wait3A_99] : memref<10240x64xf32, #tpu.memory_space<vmem_shared>> -> memref<640x64xf32, #tpu.memory_space<vmem_shared>>
      tpu.wait_dma2 semaphore(%run_scoped3A_90 : memref<!tpu.dma_semaphore, #tpu.memory_space<semaphore_mem>>) src(%dma_wait3A_100 : memref<640x64xf32, #tpu.memory_space<vmem_shared>>) dst(%dma_wait3A_98 : memref<640x64xf32, #tpu.memory_space<hbm>>)
      tpu.yield
    }) : () -> ()
    return
  }
}

#map = affine_map<(d0, d1) -> (0, 0)>
#map1 = affine_map<(d0, d1) -> (0, 0, 0)>
module attributes {stable_mosaic.version = 14 : i64} {
  func.func @_sc_edge64(%arg0: i32, %arg1: i32, %arg2: memref<10240x64xf32, #tpu.memory_space<hbm>>, %arg3: memref<2x2560x128xi32, #tpu.memory_space<hbm>>, %arg4: memref<10240x64xf32, #tpu.memory_space<hbm>>, %arg5: memref<2x10240x64xf32, #tpu.memory_space<hbm>>, %arg6: memref<80x128xi32, #tpu.memory_space<vmem>>, %arg7: memref<80x128xi32, #tpu.memory_space<vmem>>, %arg8: memref<10240x64xf32, #tpu.memory_space<vmem_shared>>, %arg9: memref<10240x64xf32, #tpu.memory_space<vmem_shared>>, %arg10: memref<128x64xf32, #tpu.memory_space<vmem>>, %arg11: memref<128x64xf32, #tpu.memory_space<vmem>>, %arg12: memref<128x64xf32, #tpu.memory_space<vmem>>, %arg13: memref<!tpu.dma_semaphore, #tpu.memory_space<semaphore_mem>>, %arg14: memref<!tpu.dma_semaphore, #tpu.memory_space<semaphore_mem>>, %arg15: memref<!tpu.dma_semaphore, #tpu.memory_space<semaphore_mem>>) attributes {dimension_semantics = [#tpu.dimension_semantics<core_parallel>, #tpu.dimension_semantics<subcore_parallel>], iteration_bounds = array<i64: 2, 16>, scalar_prefetch = 0 : i64, scratch_operands = 10 : i64, tpu.core_type = #tpu.core_type<sc_vector_subcore>, window_params = [{transform_indices = #map}, {transform_indices = #map1}, {transform_indices = #map}, {transform_indices = #map1}]} {
    %mul3A = arith.constant 16 : i32
    %mul3A_0 = arith.muli %arg0, %mul3A : i32
    %add3A = arith.addi %mul3A_0, %arg1 : i32
    %mul3A_1 = arith.constant 640 : i32
    %mul3A_2 = arith.muli %arg1, %mul3A_1 : i32
    %mul3A_3 = arith.constant 80 : i32
    %mul3A_4 = arith.muli %add3A, %mul3A_3 : i32
    %dma_start3A = arith.constant 0 : i32
    %dma_start3A_5 = arith.constant 0 : i32
    %dma_start3A_6 = tpu.memref_slice %arg3[%dma_start3A, %mul3A_4, %dma_start3A_5] : memref<2x2560x128xi32, #tpu.memory_space<hbm>> -> memref<1x80x128xi32, #tpu.memory_space<hbm>>
    %dma_start3A_7 = tpu.memref_squeeze %dma_start3A_6 : memref<1x80x128xi32, #tpu.memory_space<hbm>> -> memref<80x128xi32, #tpu.memory_space<hbm>>
    %dma_start3A_8 = arith.constant 0 : i32
    %dma_start3A_9 = tpu.memref_slice %arg3[%dma_start3A, %mul3A_4, %dma_start3A_8] : memref<2x2560x128xi32, #tpu.memory_space<hbm>> -> memref<1x80x128xi32, #tpu.memory_space<hbm>>
    %dma_start3A_10 = tpu.memref_squeeze %dma_start3A_9 : memref<1x80x128xi32, #tpu.memory_space<hbm>> -> memref<80x128xi32, #tpu.memory_space<hbm>>
    tpu.enqueue_dma source(%dma_start3A_10 : memref<80x128xi32, #tpu.memory_space<hbm>>) target(%arg6 : memref<80x128xi32, #tpu.memory_space<vmem>>) target_semaphore(%arg13 : memref<!tpu.dma_semaphore, #tpu.memory_space<semaphore_mem>>)
    %mul3A_11 = arith.constant 80 : i32
    %mul3A_12 = arith.muli %add3A, %mul3A_11 : i32
    %dma_start3A_13 = arith.constant 1 : i32
    %dma_start3A_14 = arith.constant 0 : i32
    %dma_start3A_15 = tpu.memref_slice %arg3[%dma_start3A_13, %mul3A_12, %dma_start3A_14] : memref<2x2560x128xi32, #tpu.memory_space<hbm>> -> memref<1x80x128xi32, #tpu.memory_space<hbm>>
    %dma_start3A_16 = tpu.memref_squeeze %dma_start3A_15 : memref<1x80x128xi32, #tpu.memory_space<hbm>> -> memref<80x128xi32, #tpu.memory_space<hbm>>
    %dma_start3A_17 = arith.constant 0 : i32
    %dma_start3A_18 = tpu.memref_slice %arg3[%dma_start3A_13, %mul3A_12, %dma_start3A_17] : memref<2x2560x128xi32, #tpu.memory_space<hbm>> -> memref<1x80x128xi32, #tpu.memory_space<hbm>>
    %dma_start3A_19 = tpu.memref_squeeze %dma_start3A_18 : memref<1x80x128xi32, #tpu.memory_space<hbm>> -> memref<80x128xi32, #tpu.memory_space<hbm>>
    tpu.enqueue_dma source(%dma_start3A_19 : memref<80x128xi32, #tpu.memory_space<hbm>>) target(%arg7 : memref<80x128xi32, #tpu.memory_space<vmem>>) target_semaphore(%arg14 : memref<!tpu.dma_semaphore, #tpu.memory_space<semaphore_mem>>)
    %dma_start3A_20 = arith.constant 0 : i32
    %dma_start3A_21 = tpu.memref_slice %arg8[%mul3A_2, %dma_start3A_20] : memref<10240x64xf32, #tpu.memory_space<vmem_shared>> -> memref<640x64xf32, #tpu.memory_space<vmem_shared>>
    %dma_start3A_22 = arith.constant 0 : i32
    %dma_start3A_23 = tpu.memref_slice %arg2[%mul3A_2, %dma_start3A_22] : memref<10240x64xf32, #tpu.memory_space<hbm>> -> memref<640x64xf32, #tpu.memory_space<hbm>>
    tpu.enqueue_dma source(%dma_start3A_23 : memref<640x64xf32, #tpu.memory_space<hbm>>) target(%dma_start3A_21 : memref<640x64xf32, #tpu.memory_space<vmem_shared>>) target_semaphore(%arg15 : memref<!tpu.dma_semaphore, #tpu.memory_space<semaphore_mem>>)
    %dma_start3A_24 = arith.constant 0 : i32
    %dma_start3A_25 = tpu.memref_slice %arg9[%mul3A_2, %dma_start3A_24] : memref<10240x64xf32, #tpu.memory_space<vmem_shared>> -> memref<640x64xf32, #tpu.memory_space<vmem_shared>>
    %dma_start3A_26 = arith.constant 0 : i32
    %dma_start3A_27 = tpu.memref_slice %arg4[%mul3A_2, %dma_start3A_26] : memref<10240x64xf32, #tpu.memory_space<hbm>> -> memref<640x64xf32, #tpu.memory_space<hbm>>
    tpu.enqueue_dma source(%dma_start3A_27 : memref<640x64xf32, #tpu.memory_space<hbm>>) target(%dma_start3A_25 : memref<640x64xf32, #tpu.memory_space<vmem_shared>>) target_semaphore(%arg13 : memref<!tpu.dma_semaphore, #tpu.memory_space<semaphore_mem>>)
    %dma_wait3A = arith.constant 0 : i32
    %dma_wait3A_28 = arith.constant 0 : i32
    %dma_wait3A_29 = tpu.memref_slice %arg3[%dma_wait3A, %mul3A_4, %dma_wait3A_28] : memref<2x2560x128xi32, #tpu.memory_space<hbm>> -> memref<1x80x128xi32, #tpu.memory_space<hbm>>
    %dma_wait3A_30 = tpu.memref_squeeze %dma_wait3A_29 : memref<1x80x128xi32, #tpu.memory_space<hbm>> -> memref<80x128xi32, #tpu.memory_space<hbm>>
    %dma_wait3A_31 = arith.constant 0 : i32
    %dma_wait3A_32 = tpu.memref_slice %arg3[%dma_wait3A, %mul3A_4, %dma_wait3A_31] : memref<2x2560x128xi32, #tpu.memory_space<hbm>> -> memref<1x80x128xi32, #tpu.memory_space<hbm>>
    %dma_wait3A_33 = tpu.memref_squeeze %dma_wait3A_32 : memref<1x80x128xi32, #tpu.memory_space<hbm>> -> memref<80x128xi32, #tpu.memory_space<hbm>>
    tpu.wait_dma2 semaphore(%arg13 : memref<!tpu.dma_semaphore, #tpu.memory_space<semaphore_mem>>) src(%dma_wait3A_33 : memref<80x128xi32, #tpu.memory_space<hbm>>) dst(%arg6 : memref<80x128xi32, #tpu.memory_space<vmem>>)
    %dma_wait3A_34 = arith.constant 1 : i32
    %dma_wait3A_35 = arith.constant 0 : i32
    %dma_wait3A_36 = tpu.memref_slice %arg3[%dma_wait3A_34, %mul3A_12, %dma_wait3A_35] : memref<2x2560x128xi32, #tpu.memory_space<hbm>> -> memref<1x80x128xi32, #tpu.memory_space<hbm>>
    %dma_wait3A_37 = tpu.memref_squeeze %dma_wait3A_36 : memref<1x80x128xi32, #tpu.memory_space<hbm>> -> memref<80x128xi32, #tpu.memory_space<hbm>>
    %dma_wait3A_38 = arith.constant 0 : i32
    %dma_wait3A_39 = tpu.memref_slice %arg3[%dma_wait3A_34, %mul3A_12, %dma_wait3A_38] : memref<2x2560x128xi32, #tpu.memory_space<hbm>> -> memref<1x80x128xi32, #tpu.memory_space<hbm>>
    %dma_wait3A_40 = tpu.memref_squeeze %dma_wait3A_39 : memref<1x80x128xi32, #tpu.memory_space<hbm>> -> memref<80x128xi32, #tpu.memory_space<hbm>>
    tpu.wait_dma2 semaphore(%arg14 : memref<!tpu.dma_semaphore, #tpu.memory_space<semaphore_mem>>) src(%dma_wait3A_40 : memref<80x128xi32, #tpu.memory_space<hbm>>) dst(%arg7 : memref<80x128xi32, #tpu.memory_space<vmem>>)
    %dma_wait3A_41 = arith.constant 0 : i32
    %dma_wait3A_42 = tpu.memref_slice %arg8[%mul3A_2, %dma_wait3A_41] : memref<10240x64xf32, #tpu.memory_space<vmem_shared>> -> memref<640x64xf32, #tpu.memory_space<vmem_shared>>
    %dma_wait3A_43 = arith.constant 0 : i32
    %dma_wait3A_44 = tpu.memref_slice %arg2[%mul3A_2, %dma_wait3A_43] : memref<10240x64xf32, #tpu.memory_space<hbm>> -> memref<640x64xf32, #tpu.memory_space<hbm>>
    tpu.wait_dma2 semaphore(%arg15 : memref<!tpu.dma_semaphore, #tpu.memory_space<semaphore_mem>>) src(%dma_wait3A_44 : memref<640x64xf32, #tpu.memory_space<hbm>>) dst(%dma_wait3A_42 : memref<640x64xf32, #tpu.memory_space<vmem_shared>>)
    %dma_wait3A_45 = arith.constant 0 : i32
    %dma_wait3A_46 = tpu.memref_slice %arg9[%mul3A_2, %dma_wait3A_45] : memref<10240x64xf32, #tpu.memory_space<vmem_shared>> -> memref<640x64xf32, #tpu.memory_space<vmem_shared>>
    %dma_wait3A_47 = arith.constant 0 : i32
    %dma_wait3A_48 = tpu.memref_slice %arg4[%mul3A_2, %dma_wait3A_47] : memref<10240x64xf32, #tpu.memory_space<hbm>> -> memref<640x64xf32, #tpu.memory_space<hbm>>
    tpu.wait_dma2 semaphore(%arg13 : memref<!tpu.dma_semaphore, #tpu.memory_space<semaphore_mem>>) src(%dma_wait3A_48 : memref<640x64xf32, #tpu.memory_space<hbm>>) dst(%dma_wait3A_46 : memref<640x64xf32, #tpu.memory_space<vmem_shared>>)
    %barrier3A = arith.constant 0 : index
    tpu.barrier barrier_id(%barrier3A)
    %dma_start3A_49 = arith.constant 0 : i32
    %dma_start3A_50 = arith.constant 0 : i32
    %dma_start3A_51 = tpu.memref_slice %arg6[%dma_start3A_49, %dma_start3A_50] : memref<80x128xi32, #tpu.memory_space<vmem>> -> memref<1x128xi32, #tpu.memory_space<vmem>>
    %dma_start3A_52 = tpu.memref_squeeze %dma_start3A_51 : memref<1x128xi32, #tpu.memory_space<vmem>> -> memref<128xi32, #tpu.memory_space<vmem>>
    %dma_start3A_53 = arith.constant 0 : i32
    %dma_start3A_54 = arith.constant 0 : i32
    %dma_start3A_55 = tpu.memref_slice %arg8[%dma_start3A_53, %dma_start3A_54] : memref<10240x64xf32, #tpu.memory_space<vmem_shared>> -> memref<10240x64xf32, #tpu.memory_space<vmem_shared>>
    tpu.enqueue_indirect_dma source(%dma_start3A_55 : memref<10240x64xf32, #tpu.memory_space<vmem_shared>>) target(%arg10 : memref<128x64xf32, #tpu.memory_space<vmem>>) offsets(%dma_start3A_52 : memref<128xi32, #tpu.memory_space<vmem>>) semaphore(%arg13 : memref<!tpu.dma_semaphore, #tpu.memory_space<semaphore_mem>>)
    %dma_start3A_56 = arith.constant 1 : i32
    %dma_start3A_57 = arith.constant 0 : i32
    %dma_start3A_58 = tpu.memref_slice %arg6[%dma_start3A_56, %dma_start3A_57] : memref<80x128xi32, #tpu.memory_space<vmem>> -> memref<1x128xi32, #tpu.memory_space<vmem>>
    %dma_start3A_59 = tpu.memref_squeeze %dma_start3A_58 : memref<1x128xi32, #tpu.memory_space<vmem>> -> memref<128xi32, #tpu.memory_space<vmem>>
    %dma_start3A_60 = arith.constant 0 : i32
    %dma_start3A_61 = arith.constant 0 : i32
    %dma_start3A_62 = tpu.memref_slice %arg8[%dma_start3A_60, %dma_start3A_61] : memref<10240x64xf32, #tpu.memory_space<vmem_shared>> -> memref<10240x64xf32, #tpu.memory_space<vmem_shared>>
    tpu.enqueue_indirect_dma source(%dma_start3A_62 : memref<10240x64xf32, #tpu.memory_space<vmem_shared>>) target(%arg11 : memref<128x64xf32, #tpu.memory_space<vmem>>) offsets(%dma_start3A_59 : memref<128xi32, #tpu.memory_space<vmem>>) semaphore(%arg14 : memref<!tpu.dma_semaphore, #tpu.memory_space<semaphore_mem>>)
    %dma_start3A_63 = arith.constant 2 : i32
    %dma_start3A_64 = arith.constant 0 : i32
    %dma_start3A_65 = tpu.memref_slice %arg6[%dma_start3A_63, %dma_start3A_64] : memref<80x128xi32, #tpu.memory_space<vmem>> -> memref<1x128xi32, #tpu.memory_space<vmem>>
    %dma_start3A_66 = tpu.memref_squeeze %dma_start3A_65 : memref<1x128xi32, #tpu.memory_space<vmem>> -> memref<128xi32, #tpu.memory_space<vmem>>
    %dma_start3A_67 = arith.constant 0 : i32
    %dma_start3A_68 = arith.constant 0 : i32
    %dma_start3A_69 = tpu.memref_slice %arg8[%dma_start3A_67, %dma_start3A_68] : memref<10240x64xf32, #tpu.memory_space<vmem_shared>> -> memref<10240x64xf32, #tpu.memory_space<vmem_shared>>
    tpu.enqueue_indirect_dma source(%dma_start3A_69 : memref<10240x64xf32, #tpu.memory_space<vmem_shared>>) target(%arg12 : memref<128x64xf32, #tpu.memory_space<vmem>>) offsets(%dma_start3A_66 : memref<128xi32, #tpu.memory_space<vmem>>) semaphore(%arg15 : memref<!tpu.dma_semaphore, #tpu.memory_space<semaphore_mem>>)
    %scan3A = arith.constant 0 : i32
    %scan3A_70 = arith.constant 26 : i32
    %scan3A_71 = arith.addi %scan3A, %scan3A_70 : i32
    %scan3A_72 = arith.constant 1 : i32
    scf.for %scan3A_90 = %scan3A to %scan3A_71 step %scan3A_72  : i32 {
      %mul3A_91 = arith.constant 1 : i32
      %mul3A_92 = arith.muli %scan3A_90, %mul3A_91 : i32
      %add3A_93 = arith.constant 0 : i32
      %add3A_94 = arith.addi %add3A_93, %mul3A_92 : i32
      %mul3A_95 = arith.constant 3 : i32
      %mul3A_96 = arith.muli %add3A_94, %mul3A_95 : i32
      %add3A_97 = arith.constant 0 : i32
      %add3A_98 = arith.addi %mul3A_96, %add3A_97 : i32
      %dma_wait3A_99 = arith.constant 0 : i32
      %dma_wait3A_100 = tpu.memref_slice %arg6[%add3A_98, %dma_wait3A_99] : memref<80x128xi32, #tpu.memory_space<vmem>> -> memref<1x128xi32, #tpu.memory_space<vmem>>
      %dma_wait3A_101 = tpu.memref_squeeze %dma_wait3A_100 : memref<1x128xi32, #tpu.memory_space<vmem>> -> memref<128xi32, #tpu.memory_space<vmem>>
      %dma_wait3A_102 = arith.constant 0 : i32
      %dma_wait3A_103 = arith.constant 0 : i32
      %dma_wait3A_104 = tpu.memref_slice %arg8[%dma_wait3A_102, %dma_wait3A_103] : memref<10240x64xf32, #tpu.memory_space<vmem_shared>> -> memref<10240x64xf32, #tpu.memory_space<vmem_shared>>
      tpu.wait_indirect_dma semaphore(%arg13 : memref<!tpu.dma_semaphore, #tpu.memory_space<semaphore_mem>>) src(%dma_wait3A_104 : memref<10240x64xf32, #tpu.memory_space<vmem_shared>>) dst(%arg10 : memref<128x64xf32, #tpu.memory_space<vmem>>)
      "tpu.region"() ({
        %run_scoped3A_137 = tpu.sem_alloc : memref<!tpu.dma_semaphore, #tpu.memory_space<semaphore_mem>>
        %dma_start3A_138 = arith.constant 0 : i32
        %dma_start3A_139 = tpu.memref_slice %arg7[%add3A_98, %dma_start3A_138] : memref<80x128xi32, #tpu.memory_space<vmem>> -> memref<1x128xi32, #tpu.memory_space<vmem>>
        %dma_start3A_140 = tpu.memref_squeeze %dma_start3A_139 : memref<1x128xi32, #tpu.memory_space<vmem>> -> memref<128xi32, #tpu.memory_space<vmem>>
        %dma_start3A_141 = arith.constant 0 : i32
        %dma_start3A_142 = arith.constant 0 : i32
        %dma_start3A_143 = tpu.memref_slice %arg9[%dma_start3A_141, %dma_start3A_142] : memref<10240x64xf32, #tpu.memory_space<vmem_shared>> -> memref<10240x64xf32, #tpu.memory_space<vmem_shared>>
        tpu.enqueue_indirect_dma source(%arg10 : memref<128x64xf32, #tpu.memory_space<vmem>>) target(%dma_start3A_143 : memref<10240x64xf32, #tpu.memory_space<vmem_shared>>) offsets(%dma_start3A_140 : memref<128xi32, #tpu.memory_space<vmem>>) semaphore(%run_scoped3A_137 : memref<!tpu.dma_semaphore, #tpu.memory_space<semaphore_mem>>) {add = true}
        %dma_wait3A_144 = arith.constant 0 : i32
        %dma_wait3A_145 = tpu.memref_slice %arg7[%add3A_98, %dma_wait3A_144] : memref<80x128xi32, #tpu.memory_space<vmem>> -> memref<1x128xi32, #tpu.memory_space<vmem>>
        %dma_wait3A_146 = tpu.memref_squeeze %dma_wait3A_145 : memref<1x128xi32, #tpu.memory_space<vmem>> -> memref<128xi32, #tpu.memory_space<vmem>>
        %dma_wait3A_147 = arith.constant 0 : i32
        %dma_wait3A_148 = arith.constant 0 : i32
        %dma_wait3A_149 = tpu.memref_slice %arg9[%dma_wait3A_147, %dma_wait3A_148] : memref<10240x64xf32, #tpu.memory_space<vmem_shared>> -> memref<10240x64xf32, #tpu.memory_space<vmem_shared>>
        tpu.wait_indirect_dma semaphore(%run_scoped3A_137 : memref<!tpu.dma_semaphore, #tpu.memory_space<semaphore_mem>>) src(%arg10 : memref<128x64xf32, #tpu.memory_space<vmem>>) dst(%dma_wait3A_149 : memref<10240x64xf32, #tpu.memory_space<vmem_shared>>)
        tpu.yield
      }) : () -> ()
      %lt3A = arith.constant 26 : i32
      %lt3A_105 = arith.cmpi slt, %add3A_94, %lt3A : i32
      %convert_element_type3A = arith.extui %lt3A_105 : i1 to i32
      %cond3A = arith.constant 0 : i32
      %cond3A_106 = arith.cmpi ne, %convert_element_type3A, %cond3A : i32
      scf.if %cond3A_106 {
        %add3A_137 = arith.constant 3 : i32
        %add3A_138 = arith.addi %add3A_98, %add3A_137 : i32
        %dma_start3A_139 = arith.constant 0 : i32
        %dma_start3A_140 = tpu.memref_slice %arg6[%add3A_138, %dma_start3A_139] : memref<80x128xi32, #tpu.memory_space<vmem>> -> memref<1x128xi32, #tpu.memory_space<vmem>>
        %dma_start3A_141 = tpu.memref_squeeze %dma_start3A_140 : memref<1x128xi32, #tpu.memory_space<vmem>> -> memref<128xi32, #tpu.memory_space<vmem>>
        %dma_start3A_142 = arith.constant 0 : i32
        %dma_start3A_143 = arith.constant 0 : i32
        %dma_start3A_144 = tpu.memref_slice %arg8[%dma_start3A_142, %dma_start3A_143] : memref<10240x64xf32, #tpu.memory_space<vmem_shared>> -> memref<10240x64xf32, #tpu.memory_space<vmem_shared>>
        tpu.enqueue_indirect_dma source(%dma_start3A_144 : memref<10240x64xf32, #tpu.memory_space<vmem_shared>>) target(%arg10 : memref<128x64xf32, #tpu.memory_space<vmem>>) offsets(%dma_start3A_141 : memref<128xi32, #tpu.memory_space<vmem>>) semaphore(%arg13 : memref<!tpu.dma_semaphore, #tpu.memory_space<semaphore_mem>>)
      } else {
      }
      %mul3A_107 = arith.constant 3 : i32
      %mul3A_108 = arith.muli %add3A_94, %mul3A_107 : i32
      %add3A_109 = arith.constant 1 : i32
      %add3A_110 = arith.addi %mul3A_108, %add3A_109 : i32
      %dma_wait3A_111 = arith.constant 0 : i32
      %dma_wait3A_112 = tpu.memref_slice %arg6[%add3A_110, %dma_wait3A_111] : memref<80x128xi32, #tpu.memory_space<vmem>> -> memref<1x128xi32, #tpu.memory_space<vmem>>
      %dma_wait3A_113 = tpu.memref_squeeze %dma_wait3A_112 : memref<1x128xi32, #tpu.memory_space<vmem>> -> memref<128xi32, #tpu.memory_space<vmem>>
      %dma_wait3A_114 = arith.constant 0 : i32
      %dma_wait3A_115 = arith.constant 0 : i32
      %dma_wait3A_116 = tpu.memref_slice %arg8[%dma_wait3A_114, %dma_wait3A_115] : memref<10240x64xf32, #tpu.memory_space<vmem_shared>> -> memref<10240x64xf32, #tpu.memory_space<vmem_shared>>
      tpu.wait_indirect_dma semaphore(%arg14 : memref<!tpu.dma_semaphore, #tpu.memory_space<semaphore_mem>>) src(%dma_wait3A_116 : memref<10240x64xf32, #tpu.memory_space<vmem_shared>>) dst(%arg11 : memref<128x64xf32, #tpu.memory_space<vmem>>)
      "tpu.region"() ({
        %run_scoped3A_137 = tpu.sem_alloc : memref<!tpu.dma_semaphore, #tpu.memory_space<semaphore_mem>>
        %dma_start3A_138 = arith.constant 0 : i32
        %dma_start3A_139 = tpu.memref_slice %arg7[%add3A_110, %dma_start3A_138] : memref<80x128xi32, #tpu.memory_space<vmem>> -> memref<1x128xi32, #tpu.memory_space<vmem>>
        %dma_start3A_140 = tpu.memref_squeeze %dma_start3A_139 : memref<1x128xi32, #tpu.memory_space<vmem>> -> memref<128xi32, #tpu.memory_space<vmem>>
        %dma_start3A_141 = arith.constant 0 : i32
        %dma_start3A_142 = arith.constant 0 : i32
        %dma_start3A_143 = tpu.memref_slice %arg9[%dma_start3A_141, %dma_start3A_142] : memref<10240x64xf32, #tpu.memory_space<vmem_shared>> -> memref<10240x64xf32, #tpu.memory_space<vmem_shared>>
        tpu.enqueue_indirect_dma source(%arg11 : memref<128x64xf32, #tpu.memory_space<vmem>>) target(%dma_start3A_143 : memref<10240x64xf32, #tpu.memory_space<vmem_shared>>) offsets(%dma_start3A_140 : memref<128xi32, #tpu.memory_space<vmem>>) semaphore(%run_scoped3A_137 : memref<!tpu.dma_semaphore, #tpu.memory_space<semaphore_mem>>) {add = true}
        %dma_wait3A_144 = arith.constant 0 : i32
        %dma_wait3A_145 = tpu.memref_slice %arg7[%add3A_110, %dma_wait3A_144] : memref<80x128xi32, #tpu.memory_space<vmem>> -> memref<1x128xi32, #tpu.memory_space<vmem>>
        %dma_wait3A_146 = tpu.memref_squeeze %dma_wait3A_145 : memref<1x128xi32, #tpu.memory_space<vmem>> -> memref<128xi32, #tpu.memory_space<vmem>>
        %dma_wait3A_147 = arith.constant 0 : i32
        %dma_wait3A_148 = arith.constant 0 : i32
        %dma_wait3A_149 = tpu.memref_slice %arg9[%dma_wait3A_147, %dma_wait3A_148] : memref<10240x64xf32, #tpu.memory_space<vmem_shared>> -> memref<10240x64xf32, #tpu.memory_space<vmem_shared>>
        tpu.wait_indirect_dma semaphore(%run_scoped3A_137 : memref<!tpu.dma_semaphore, #tpu.memory_space<semaphore_mem>>) src(%arg11 : memref<128x64xf32, #tpu.memory_space<vmem>>) dst(%dma_wait3A_149 : memref<10240x64xf32, #tpu.memory_space<vmem_shared>>)
        tpu.yield
      }) : () -> ()
      %lt3A_117 = arith.constant 26 : i32
      %lt3A_118 = arith.cmpi slt, %add3A_94, %lt3A_117 : i32
      %convert_element_type3A_119 = arith.extui %lt3A_118 : i1 to i32
      %cond3A_120 = arith.constant 0 : i32
      %cond3A_121 = arith.cmpi ne, %convert_element_type3A_119, %cond3A_120 : i32
      scf.if %cond3A_121 {
        %add3A_137 = arith.constant 3 : i32
        %add3A_138 = arith.addi %add3A_110, %add3A_137 : i32
        %dma_start3A_139 = arith.constant 0 : i32
        %dma_start3A_140 = tpu.memref_slice %arg6[%add3A_138, %dma_start3A_139] : memref<80x128xi32, #tpu.memory_space<vmem>> -> memref<1x128xi32, #tpu.memory_space<vmem>>
        %dma_start3A_141 = tpu.memref_squeeze %dma_start3A_140 : memref<1x128xi32, #tpu.memory_space<vmem>> -> memref<128xi32, #tpu.memory_space<vmem>>
        %dma_start3A_142 = arith.constant 0 : i32
        %dma_start3A_143 = arith.constant 0 : i32
        %dma_start3A_144 = tpu.memref_slice %arg8[%dma_start3A_142, %dma_start3A_143] : memref<10240x64xf32, #tpu.memory_space<vmem_shared>> -> memref<10240x64xf32, #tpu.memory_space<vmem_shared>>
        tpu.enqueue_indirect_dma source(%dma_start3A_144 : memref<10240x64xf32, #tpu.memory_space<vmem_shared>>) target(%arg11 : memref<128x64xf32, #tpu.memory_space<vmem>>) offsets(%dma_start3A_141 : memref<128xi32, #tpu.memory_space<vmem>>) semaphore(%arg14 : memref<!tpu.dma_semaphore, #tpu.memory_space<semaphore_mem>>)
      } else {
      }
      %mul3A_122 = arith.constant 3 : i32
      %mul3A_123 = arith.muli %add3A_94, %mul3A_122 : i32
      %add3A_124 = arith.constant 2 : i32
      %add3A_125 = arith.addi %mul3A_123, %add3A_124 : i32
      %dma_wait3A_126 = arith.constant 0 : i32
      %dma_wait3A_127 = tpu.memref_slice %arg6[%add3A_125, %dma_wait3A_126] : memref<80x128xi32, #tpu.memory_space<vmem>> -> memref<1x128xi32, #tpu.memory_space<vmem>>
      %dma_wait3A_128 = tpu.memref_squeeze %dma_wait3A_127 : memref<1x128xi32, #tpu.memory_space<vmem>> -> memref<128xi32, #tpu.memory_space<vmem>>
      %dma_wait3A_129 = arith.constant 0 : i32
      %dma_wait3A_130 = arith.constant 0 : i32
      %dma_wait3A_131 = tpu.memref_slice %arg8[%dma_wait3A_129, %dma_wait3A_130] : memref<10240x64xf32, #tpu.memory_space<vmem_shared>> -> memref<10240x64xf32, #tpu.memory_space<vmem_shared>>
      tpu.wait_indirect_dma semaphore(%arg15 : memref<!tpu.dma_semaphore, #tpu.memory_space<semaphore_mem>>) src(%dma_wait3A_131 : memref<10240x64xf32, #tpu.memory_space<vmem_shared>>) dst(%arg12 : memref<128x64xf32, #tpu.memory_space<vmem>>)
      "tpu.region"() ({
        %run_scoped3A_137 = tpu.sem_alloc : memref<!tpu.dma_semaphore, #tpu.memory_space<semaphore_mem>>
        %dma_start3A_138 = arith.constant 0 : i32
        %dma_start3A_139 = tpu.memref_slice %arg7[%add3A_125, %dma_start3A_138] : memref<80x128xi32, #tpu.memory_space<vmem>> -> memref<1x128xi32, #tpu.memory_space<vmem>>
        %dma_start3A_140 = tpu.memref_squeeze %dma_start3A_139 : memref<1x128xi32, #tpu.memory_space<vmem>> -> memref<128xi32, #tpu.memory_space<vmem>>
        %dma_start3A_141 = arith.constant 0 : i32
        %dma_start3A_142 = arith.constant 0 : i32
        %dma_start3A_143 = tpu.memref_slice %arg9[%dma_start3A_141, %dma_start3A_142] : memref<10240x64xf32, #tpu.memory_space<vmem_shared>> -> memref<10240x64xf32, #tpu.memory_space<vmem_shared>>
        tpu.enqueue_indirect_dma source(%arg12 : memref<128x64xf32, #tpu.memory_space<vmem>>) target(%dma_start3A_143 : memref<10240x64xf32, #tpu.memory_space<vmem_shared>>) offsets(%dma_start3A_140 : memref<128xi32, #tpu.memory_space<vmem>>) semaphore(%run_scoped3A_137 : memref<!tpu.dma_semaphore, #tpu.memory_space<semaphore_mem>>) {add = true}
        %dma_wait3A_144 = arith.constant 0 : i32
        %dma_wait3A_145 = tpu.memref_slice %arg7[%add3A_125, %dma_wait3A_144] : memref<80x128xi32, #tpu.memory_space<vmem>> -> memref<1x128xi32, #tpu.memory_space<vmem>>
        %dma_wait3A_146 = tpu.memref_squeeze %dma_wait3A_145 : memref<1x128xi32, #tpu.memory_space<vmem>> -> memref<128xi32, #tpu.memory_space<vmem>>
        %dma_wait3A_147 = arith.constant 0 : i32
        %dma_wait3A_148 = arith.constant 0 : i32
        %dma_wait3A_149 = tpu.memref_slice %arg9[%dma_wait3A_147, %dma_wait3A_148] : memref<10240x64xf32, #tpu.memory_space<vmem_shared>> -> memref<10240x64xf32, #tpu.memory_space<vmem_shared>>
        tpu.wait_indirect_dma semaphore(%run_scoped3A_137 : memref<!tpu.dma_semaphore, #tpu.memory_space<semaphore_mem>>) src(%arg12 : memref<128x64xf32, #tpu.memory_space<vmem>>) dst(%dma_wait3A_149 : memref<10240x64xf32, #tpu.memory_space<vmem_shared>>)
        tpu.yield
      }) : () -> ()
      %lt3A_132 = arith.constant 25 : i32
      %lt3A_133 = arith.cmpi slt, %add3A_94, %lt3A_132 : i32
      %convert_element_type3A_134 = arith.extui %lt3A_133 : i1 to i32
      %cond3A_135 = arith.constant 0 : i32
      %cond3A_136 = arith.cmpi ne, %convert_element_type3A_134, %cond3A_135 : i32
      scf.if %cond3A_136 {
        %add3A_137 = arith.constant 3 : i32
        %add3A_138 = arith.addi %add3A_125, %add3A_137 : i32
        %dma_start3A_139 = arith.constant 0 : i32
        %dma_start3A_140 = tpu.memref_slice %arg6[%add3A_138, %dma_start3A_139] : memref<80x128xi32, #tpu.memory_space<vmem>> -> memref<1x128xi32, #tpu.memory_space<vmem>>
        %dma_start3A_141 = tpu.memref_squeeze %dma_start3A_140 : memref<1x128xi32, #tpu.memory_space<vmem>> -> memref<128xi32, #tpu.memory_space<vmem>>
        %dma_start3A_142 = arith.constant 0 : i32
        %dma_start3A_143 = arith.constant 0 : i32
        %dma_start3A_144 = tpu.memref_slice %arg8[%dma_start3A_142, %dma_start3A_143] : memref<10240x64xf32, #tpu.memory_space<vmem_shared>> -> memref<10240x64xf32, #tpu.memory_space<vmem_shared>>
        tpu.enqueue_indirect_dma source(%dma_start3A_144 : memref<10240x64xf32, #tpu.memory_space<vmem_shared>>) target(%arg12 : memref<128x64xf32, #tpu.memory_space<vmem>>) offsets(%dma_start3A_141 : memref<128xi32, #tpu.memory_space<vmem>>) semaphore(%arg15 : memref<!tpu.dma_semaphore, #tpu.memory_space<semaphore_mem>>)
      } else {
      }
    }
    %scan3A_73 = arith.constant 26 : i32
    %dma_wait3A_74 = arith.constant 78 : i32
    %dma_wait3A_75 = arith.constant 0 : i32
    %dma_wait3A_76 = tpu.memref_slice %arg6[%dma_wait3A_74, %dma_wait3A_75] : memref<80x128xi32, #tpu.memory_space<vmem>> -> memref<1x128xi32, #tpu.memory_space<vmem>>
    %dma_wait3A_77 = tpu.memref_squeeze %dma_wait3A_76 : memref<1x128xi32, #tpu.memory_space<vmem>> -> memref<128xi32, #tpu.memory_space<vmem>>
    %dma_wait3A_78 = arith.constant 0 : i32
    %dma_wait3A_79 = arith.constant 0 : i32
    %dma_wait3A_80 = tpu.memref_slice %arg8[%dma_wait3A_78, %dma_wait3A_79] : memref<10240x64xf32, #tpu.memory_space<vmem_shared>> -> memref<10240x64xf32, #tpu.memory_space<vmem_shared>>
    tpu.wait_indirect_dma semaphore(%arg13 : memref<!tpu.dma_semaphore, #tpu.memory_space<semaphore_mem>>) src(%dma_wait3A_80 : memref<10240x64xf32, #tpu.memory_space<vmem_shared>>) dst(%arg10 : memref<128x64xf32, #tpu.memory_space<vmem>>)
    %run_scoped3A = arith.constant 78 : i32
    "tpu.region"() ({
      %run_scoped3A_90 = tpu.sem_alloc : memref<!tpu.dma_semaphore, #tpu.memory_space<semaphore_mem>>
      %dma_start3A_91 = arith.constant 0 : i32
      %dma_start3A_92 = tpu.memref_slice %arg7[%run_scoped3A, %dma_start3A_91] : memref<80x128xi32, #tpu.memory_space<vmem>> -> memref<1x128xi32, #tpu.memory_space<vmem>>
      %dma_start3A_93 = tpu.memref_squeeze %dma_start3A_92 : memref<1x128xi32, #tpu.memory_space<vmem>> -> memref<128xi32, #tpu.memory_space<vmem>>
      %dma_start3A_94 = arith.constant 0 : i32
      %dma_start3A_95 = arith.constant 0 : i32
      %dma_start3A_96 = tpu.memref_slice %arg9[%dma_start3A_94, %dma_start3A_95] : memref<10240x64xf32, #tpu.memory_space<vmem_shared>> -> memref<10240x64xf32, #tpu.memory_space<vmem_shared>>
      tpu.enqueue_indirect_dma source(%arg10 : memref<128x64xf32, #tpu.memory_space<vmem>>) target(%dma_start3A_96 : memref<10240x64xf32, #tpu.memory_space<vmem_shared>>) offsets(%dma_start3A_93 : memref<128xi32, #tpu.memory_space<vmem>>) semaphore(%run_scoped3A_90 : memref<!tpu.dma_semaphore, #tpu.memory_space<semaphore_mem>>) {add = true}
      %dma_wait3A_97 = arith.constant 0 : i32
      %dma_wait3A_98 = tpu.memref_slice %arg7[%run_scoped3A, %dma_wait3A_97] : memref<80x128xi32, #tpu.memory_space<vmem>> -> memref<1x128xi32, #tpu.memory_space<vmem>>
      %dma_wait3A_99 = tpu.memref_squeeze %dma_wait3A_98 : memref<1x128xi32, #tpu.memory_space<vmem>> -> memref<128xi32, #tpu.memory_space<vmem>>
      %dma_wait3A_100 = arith.constant 0 : i32
      %dma_wait3A_101 = arith.constant 0 : i32
      %dma_wait3A_102 = tpu.memref_slice %arg9[%dma_wait3A_100, %dma_wait3A_101] : memref<10240x64xf32, #tpu.memory_space<vmem_shared>> -> memref<10240x64xf32, #tpu.memory_space<vmem_shared>>
      tpu.wait_indirect_dma semaphore(%run_scoped3A_90 : memref<!tpu.dma_semaphore, #tpu.memory_space<semaphore_mem>>) src(%arg10 : memref<128x64xf32, #tpu.memory_space<vmem>>) dst(%dma_wait3A_102 : memref<10240x64xf32, #tpu.memory_space<vmem_shared>>)
      tpu.yield
    }) : () -> ()
    %dma_wait3A_81 = arith.constant 79 : i32
    %dma_wait3A_82 = arith.constant 0 : i32
    %dma_wait3A_83 = tpu.memref_slice %arg6[%dma_wait3A_81, %dma_wait3A_82] : memref<80x128xi32, #tpu.memory_space<vmem>> -> memref<1x128xi32, #tpu.memory_space<vmem>>
    %dma_wait3A_84 = tpu.memref_squeeze %dma_wait3A_83 : memref<1x128xi32, #tpu.memory_space<vmem>> -> memref<128xi32, #tpu.memory_space<vmem>>
    %dma_wait3A_85 = arith.constant 0 : i32
    %dma_wait3A_86 = arith.constant 0 : i32
    %dma_wait3A_87 = tpu.memref_slice %arg8[%dma_wait3A_85, %dma_wait3A_86] : memref<10240x64xf32, #tpu.memory_space<vmem_shared>> -> memref<10240x64xf32, #tpu.memory_space<vmem_shared>>
    tpu.wait_indirect_dma semaphore(%arg14 : memref<!tpu.dma_semaphore, #tpu.memory_space<semaphore_mem>>) src(%dma_wait3A_87 : memref<10240x64xf32, #tpu.memory_space<vmem_shared>>) dst(%arg11 : memref<128x64xf32, #tpu.memory_space<vmem>>)
    %run_scoped3A_88 = arith.constant 79 : i32
    "tpu.region"() ({
      %run_scoped3A_90 = tpu.sem_alloc : memref<!tpu.dma_semaphore, #tpu.memory_space<semaphore_mem>>
      %dma_start3A_91 = arith.constant 0 : i32
      %dma_start3A_92 = tpu.memref_slice %arg7[%run_scoped3A_88, %dma_start3A_91] : memref<80x128xi32, #tpu.memory_space<vmem>> -> memref<1x128xi32, #tpu.memory_space<vmem>>
      %dma_start3A_93 = tpu.memref_squeeze %dma_start3A_92 : memref<1x128xi32, #tpu.memory_space<vmem>> -> memref<128xi32, #tpu.memory_space<vmem>>
      %dma_start3A_94 = arith.constant 0 : i32
      %dma_start3A_95 = arith.constant 0 : i32
      %dma_start3A_96 = tpu.memref_slice %arg9[%dma_start3A_94, %dma_start3A_95] : memref<10240x64xf32, #tpu.memory_space<vmem_shared>> -> memref<10240x64xf32, #tpu.memory_space<vmem_shared>>
      tpu.enqueue_indirect_dma source(%arg11 : memref<128x64xf32, #tpu.memory_space<vmem>>) target(%dma_start3A_96 : memref<10240x64xf32, #tpu.memory_space<vmem_shared>>) offsets(%dma_start3A_93 : memref<128xi32, #tpu.memory_space<vmem>>) semaphore(%run_scoped3A_90 : memref<!tpu.dma_semaphore, #tpu.memory_space<semaphore_mem>>) {add = true}
      %dma_wait3A_97 = arith.constant 0 : i32
      %dma_wait3A_98 = tpu.memref_slice %arg7[%run_scoped3A_88, %dma_wait3A_97] : memref<80x128xi32, #tpu.memory_space<vmem>> -> memref<1x128xi32, #tpu.memory_space<vmem>>
      %dma_wait3A_99 = tpu.memref_squeeze %dma_wait3A_98 : memref<1x128xi32, #tpu.memory_space<vmem>> -> memref<128xi32, #tpu.memory_space<vmem>>
      %dma_wait3A_100 = arith.constant 0 : i32
      %dma_wait3A_101 = arith.constant 0 : i32
      %dma_wait3A_102 = tpu.memref_slice %arg9[%dma_wait3A_100, %dma_wait3A_101] : memref<10240x64xf32, #tpu.memory_space<vmem_shared>> -> memref<10240x64xf32, #tpu.memory_space<vmem_shared>>
      tpu.wait_indirect_dma semaphore(%run_scoped3A_90 : memref<!tpu.dma_semaphore, #tpu.memory_space<semaphore_mem>>) src(%arg11 : memref<128x64xf32, #tpu.memory_space<vmem>>) dst(%dma_wait3A_102 : memref<10240x64xf32, #tpu.memory_space<vmem_shared>>)
      tpu.yield
    }) : () -> ()
    %barrier3A_89 = arith.constant 0 : index
    tpu.barrier barrier_id(%barrier3A_89)
    "tpu.region"() ({
      %run_scoped3A_90 = tpu.sem_alloc : memref<!tpu.dma_semaphore, #tpu.memory_space<semaphore_mem>>
      %dma_start3A_91 = arith.constant 0 : i32
      %dma_start3A_92 = tpu.memref_slice %arg5[%arg0, %mul3A_2, %dma_start3A_91] : memref<2x10240x64xf32, #tpu.memory_space<hbm>> -> memref<1x640x64xf32, #tpu.memory_space<hbm>>
      %dma_start3A_93 = tpu.memref_squeeze %dma_start3A_92 : memref<1x640x64xf32, #tpu.memory_space<hbm>> -> memref<640x64xf32, #tpu.memory_space<hbm>>
      %dma_start3A_94 = arith.constant 0 : i32
      %dma_start3A_95 = tpu.memref_slice %arg9[%mul3A_2, %dma_start3A_94] : memref<10240x64xf32, #tpu.memory_space<vmem_shared>> -> memref<640x64xf32, #tpu.memory_space<vmem_shared>>
      tpu.enqueue_dma source(%dma_start3A_95 : memref<640x64xf32, #tpu.memory_space<vmem_shared>>) target(%dma_start3A_93 : memref<640x64xf32, #tpu.memory_space<hbm>>) target_semaphore(%run_scoped3A_90 : memref<!tpu.dma_semaphore, #tpu.memory_space<semaphore_mem>>)
      %dma_wait3A_96 = arith.constant 0 : i32
      %dma_wait3A_97 = tpu.memref_slice %arg5[%arg0, %mul3A_2, %dma_wait3A_96] : memref<2x10240x64xf32, #tpu.memory_space<hbm>> -> memref<1x640x64xf32, #tpu.memory_space<hbm>>
      %dma_wait3A_98 = tpu.memref_squeeze %dma_wait3A_97 : memref<1x640x64xf32, #tpu.memory_space<hbm>> -> memref<640x64xf32, #tpu.memory_space<hbm>>
      %dma_wait3A_99 = arith.constant 0 : i32
      %dma_wait3A_100 = tpu.memref_slice %arg9[%mul3A_2, %dma_wait3A_99] : memref<10240x64xf32, #tpu.memory_space<vmem_shared>> -> memref<640x64xf32, #tpu.memory_space<vmem_shared>>
      tpu.wait_dma2 semaphore(%run_scoped3A_90 : memref<!tpu.dma_semaphore, #tpu.memory_space<semaphore_mem>>) src(%dma_wait3A_100 : memref<640x64xf32, #tpu.memory_space<vmem_shared>>) dst(%dma_wait3A_98 : memref<640x64xf32, #tpu.memory_space<hbm>>)
      tpu.yield
    }) : () -> ()
    return
  }
}

#map = affine_map<(d0, d1) -> (0, 0)>
#map1 = affine_map<(d0, d1) -> (0, 0, 0)>
module attributes {stable_mosaic.version = 14 : i64} {
  func.func @_sc_edge64(%arg0: i32, %arg1: i32, %arg2: memref<10240x64xf32, #tpu.memory_space<hbm>>, %arg3: memref<2x2560x128xi32, #tpu.memory_space<hbm>>, %arg4: memref<10240x64xf32, #tpu.memory_space<hbm>>, %arg5: memref<2x10240x64xf32, #tpu.memory_space<hbm>>, %arg6: memref<80x128xi32, #tpu.memory_space<vmem>>, %arg7: memref<80x128xi32, #tpu.memory_space<vmem>>, %arg8: memref<10240x64xf32, #tpu.memory_space<vmem_shared>>, %arg9: memref<10240x64xf32, #tpu.memory_space<vmem_shared>>, %arg10: memref<128x64xf32, #tpu.memory_space<vmem>>, %arg11: memref<128x64xf32, #tpu.memory_space<vmem>>, %arg12: memref<128x64xf32, #tpu.memory_space<vmem>>, %arg13: memref<!tpu.dma_semaphore, #tpu.memory_space<semaphore_mem>>, %arg14: memref<!tpu.dma_semaphore, #tpu.memory_space<semaphore_mem>>, %arg15: memref<!tpu.dma_semaphore, #tpu.memory_space<semaphore_mem>>) attributes {dimension_semantics = [#tpu.dimension_semantics<core_parallel>, #tpu.dimension_semantics<subcore_parallel>], iteration_bounds = array<i64: 2, 16>, scalar_prefetch = 0 : i64, scratch_operands = 10 : i64, tpu.core_type = #tpu.core_type<sc_vector_subcore>, window_params = [{transform_indices = #map}, {transform_indices = #map1}, {transform_indices = #map}, {transform_indices = #map1}]} {
    %mul3A = arith.constant 16 : i32
    %mul3A_0 = arith.muli %arg0, %mul3A : i32
    %add3A = arith.addi %mul3A_0, %arg1 : i32
    %mul3A_1 = arith.constant 640 : i32
    %mul3A_2 = arith.muli %arg1, %mul3A_1 : i32
    %mul3A_3 = arith.constant 80 : i32
    %mul3A_4 = arith.muli %add3A, %mul3A_3 : i32
    %dma_start3A = arith.constant 0 : i32
    %dma_start3A_5 = arith.constant 0 : i32
    %dma_start3A_6 = tpu.memref_slice %arg3[%dma_start3A, %mul3A_4, %dma_start3A_5] : memref<2x2560x128xi32, #tpu.memory_space<hbm>> -> memref<1x80x128xi32, #tpu.memory_space<hbm>>
    %dma_start3A_7 = tpu.memref_squeeze %dma_start3A_6 : memref<1x80x128xi32, #tpu.memory_space<hbm>> -> memref<80x128xi32, #tpu.memory_space<hbm>>
    %dma_start3A_8 = arith.constant 0 : i32
    %dma_start3A_9 = tpu.memref_slice %arg3[%dma_start3A, %mul3A_4, %dma_start3A_8] : memref<2x2560x128xi32, #tpu.memory_space<hbm>> -> memref<1x80x128xi32, #tpu.memory_space<hbm>>
    %dma_start3A_10 = tpu.memref_squeeze %dma_start3A_9 : memref<1x80x128xi32, #tpu.memory_space<hbm>> -> memref<80x128xi32, #tpu.memory_space<hbm>>
    tpu.enqueue_dma source(%dma_start3A_10 : memref<80x128xi32, #tpu.memory_space<hbm>>) target(%arg6 : memref<80x128xi32, #tpu.memory_space<vmem>>) target_semaphore(%arg13 : memref<!tpu.dma_semaphore, #tpu.memory_space<semaphore_mem>>)
    %mul3A_11 = arith.constant 80 : i32
    %mul3A_12 = arith.muli %add3A, %mul3A_11 : i32
    %dma_start3A_13 = arith.constant 1 : i32
    %dma_start3A_14 = arith.constant 0 : i32
    %dma_start3A_15 = tpu.memref_slice %arg3[%dma_start3A_13, %mul3A_12, %dma_start3A_14] : memref<2x2560x128xi32, #tpu.memory_space<hbm>> -> memref<1x80x128xi32, #tpu.memory_space<hbm>>
    %dma_start3A_16 = tpu.memref_squeeze %dma_start3A_15 : memref<1x80x128xi32, #tpu.memory_space<hbm>> -> memref<80x128xi32, #tpu.memory_space<hbm>>
    %dma_start3A_17 = arith.constant 0 : i32
    %dma_start3A_18 = tpu.memref_slice %arg3[%dma_start3A_13, %mul3A_12, %dma_start3A_17] : memref<2x2560x128xi32, #tpu.memory_space<hbm>> -> memref<1x80x128xi32, #tpu.memory_space<hbm>>
    %dma_start3A_19 = tpu.memref_squeeze %dma_start3A_18 : memref<1x80x128xi32, #tpu.memory_space<hbm>> -> memref<80x128xi32, #tpu.memory_space<hbm>>
    tpu.enqueue_dma source(%dma_start3A_19 : memref<80x128xi32, #tpu.memory_space<hbm>>) target(%arg7 : memref<80x128xi32, #tpu.memory_space<vmem>>) target_semaphore(%arg14 : memref<!tpu.dma_semaphore, #tpu.memory_space<semaphore_mem>>)
    %dma_start3A_20 = arith.constant 0 : i32
    %dma_start3A_21 = tpu.memref_slice %arg8[%mul3A_2, %dma_start3A_20] : memref<10240x64xf32, #tpu.memory_space<vmem_shared>> -> memref<640x64xf32, #tpu.memory_space<vmem_shared>>
    %dma_start3A_22 = arith.constant 0 : i32
    %dma_start3A_23 = tpu.memref_slice %arg2[%mul3A_2, %dma_start3A_22] : memref<10240x64xf32, #tpu.memory_space<hbm>> -> memref<640x64xf32, #tpu.memory_space<hbm>>
    tpu.enqueue_dma source(%dma_start3A_23 : memref<640x64xf32, #tpu.memory_space<hbm>>) target(%dma_start3A_21 : memref<640x64xf32, #tpu.memory_space<vmem_shared>>) target_semaphore(%arg15 : memref<!tpu.dma_semaphore, #tpu.memory_space<semaphore_mem>>)
    %dma_start3A_24 = arith.constant 0 : i32
    %dma_start3A_25 = tpu.memref_slice %arg9[%mul3A_2, %dma_start3A_24] : memref<10240x64xf32, #tpu.memory_space<vmem_shared>> -> memref<640x64xf32, #tpu.memory_space<vmem_shared>>
    %dma_start3A_26 = arith.constant 0 : i32
    %dma_start3A_27 = tpu.memref_slice %arg4[%mul3A_2, %dma_start3A_26] : memref<10240x64xf32, #tpu.memory_space<hbm>> -> memref<640x64xf32, #tpu.memory_space<hbm>>
    tpu.enqueue_dma source(%dma_start3A_27 : memref<640x64xf32, #tpu.memory_space<hbm>>) target(%dma_start3A_25 : memref<640x64xf32, #tpu.memory_space<vmem_shared>>) target_semaphore(%arg13 : memref<!tpu.dma_semaphore, #tpu.memory_space<semaphore_mem>>)
    %dma_wait3A = arith.constant 0 : i32
    %dma_wait3A_28 = arith.constant 0 : i32
    %dma_wait3A_29 = tpu.memref_slice %arg3[%dma_wait3A, %mul3A_4, %dma_wait3A_28] : memref<2x2560x128xi32, #tpu.memory_space<hbm>> -> memref<1x80x128xi32, #tpu.memory_space<hbm>>
    %dma_wait3A_30 = tpu.memref_squeeze %dma_wait3A_29 : memref<1x80x128xi32, #tpu.memory_space<hbm>> -> memref<80x128xi32, #tpu.memory_space<hbm>>
    %dma_wait3A_31 = arith.constant 0 : i32
    %dma_wait3A_32 = tpu.memref_slice %arg3[%dma_wait3A, %mul3A_4, %dma_wait3A_31] : memref<2x2560x128xi32, #tpu.memory_space<hbm>> -> memref<1x80x128xi32, #tpu.memory_space<hbm>>
    %dma_wait3A_33 = tpu.memref_squeeze %dma_wait3A_32 : memref<1x80x128xi32, #tpu.memory_space<hbm>> -> memref<80x128xi32, #tpu.memory_space<hbm>>
    tpu.wait_dma2 semaphore(%arg13 : memref<!tpu.dma_semaphore, #tpu.memory_space<semaphore_mem>>) src(%dma_wait3A_33 : memref<80x128xi32, #tpu.memory_space<hbm>>) dst(%arg6 : memref<80x128xi32, #tpu.memory_space<vmem>>)
    %dma_wait3A_34 = arith.constant 1 : i32
    %dma_wait3A_35 = arith.constant 0 : i32
    %dma_wait3A_36 = tpu.memref_slice %arg3[%dma_wait3A_34, %mul3A_12, %dma_wait3A_35] : memref<2x2560x128xi32, #tpu.memory_space<hbm>> -> memref<1x80x128xi32, #tpu.memory_space<hbm>>
    %dma_wait3A_37 = tpu.memref_squeeze %dma_wait3A_36 : memref<1x80x128xi32, #tpu.memory_space<hbm>> -> memref<80x128xi32, #tpu.memory_space<hbm>>
    %dma_wait3A_38 = arith.constant 0 : i32
    %dma_wait3A_39 = tpu.memref_slice %arg3[%dma_wait3A_34, %mul3A_12, %dma_wait3A_38] : memref<2x2560x128xi32, #tpu.memory_space<hbm>> -> memref<1x80x128xi32, #tpu.memory_space<hbm>>
    %dma_wait3A_40 = tpu.memref_squeeze %dma_wait3A_39 : memref<1x80x128xi32, #tpu.memory_space<hbm>> -> memref<80x128xi32, #tpu.memory_space<hbm>>
    tpu.wait_dma2 semaphore(%arg14 : memref<!tpu.dma_semaphore, #tpu.memory_space<semaphore_mem>>) src(%dma_wait3A_40 : memref<80x128xi32, #tpu.memory_space<hbm>>) dst(%arg7 : memref<80x128xi32, #tpu.memory_space<vmem>>)
    %dma_wait3A_41 = arith.constant 0 : i32
    %dma_wait3A_42 = tpu.memref_slice %arg8[%mul3A_2, %dma_wait3A_41] : memref<10240x64xf32, #tpu.memory_space<vmem_shared>> -> memref<640x64xf32, #tpu.memory_space<vmem_shared>>
    %dma_wait3A_43 = arith.constant 0 : i32
    %dma_wait3A_44 = tpu.memref_slice %arg2[%mul3A_2, %dma_wait3A_43] : memref<10240x64xf32, #tpu.memory_space<hbm>> -> memref<640x64xf32, #tpu.memory_space<hbm>>
    tpu.wait_dma2 semaphore(%arg15 : memref<!tpu.dma_semaphore, #tpu.memory_space<semaphore_mem>>) src(%dma_wait3A_44 : memref<640x64xf32, #tpu.memory_space<hbm>>) dst(%dma_wait3A_42 : memref<640x64xf32, #tpu.memory_space<vmem_shared>>)
    %dma_wait3A_45 = arith.constant 0 : i32
    %dma_wait3A_46 = tpu.memref_slice %arg9[%mul3A_2, %dma_wait3A_45] : memref<10240x64xf32, #tpu.memory_space<vmem_shared>> -> memref<640x64xf32, #tpu.memory_space<vmem_shared>>
    %dma_wait3A_47 = arith.constant 0 : i32
    %dma_wait3A_48 = tpu.memref_slice %arg4[%mul3A_2, %dma_wait3A_47] : memref<10240x64xf32, #tpu.memory_space<hbm>> -> memref<640x64xf32, #tpu.memory_space<hbm>>
    tpu.wait_dma2 semaphore(%arg13 : memref<!tpu.dma_semaphore, #tpu.memory_space<semaphore_mem>>) src(%dma_wait3A_48 : memref<640x64xf32, #tpu.memory_space<hbm>>) dst(%dma_wait3A_46 : memref<640x64xf32, #tpu.memory_space<vmem_shared>>)
    %barrier3A = arith.constant 0 : index
    tpu.barrier barrier_id(%barrier3A)
    %dma_start3A_49 = arith.constant 0 : i32
    %dma_start3A_50 = arith.constant 0 : i32
    %dma_start3A_51 = tpu.memref_slice %arg6[%dma_start3A_49, %dma_start3A_50] : memref<80x128xi32, #tpu.memory_space<vmem>> -> memref<1x128xi32, #tpu.memory_space<vmem>>
    %dma_start3A_52 = tpu.memref_squeeze %dma_start3A_51 : memref<1x128xi32, #tpu.memory_space<vmem>> -> memref<128xi32, #tpu.memory_space<vmem>>
    %dma_start3A_53 = arith.constant 0 : i32
    %dma_start3A_54 = arith.constant 0 : i32
    %dma_start3A_55 = tpu.memref_slice %arg8[%dma_start3A_53, %dma_start3A_54] : memref<10240x64xf32, #tpu.memory_space<vmem_shared>> -> memref<10240x64xf32, #tpu.memory_space<vmem_shared>>
    tpu.enqueue_indirect_dma source(%dma_start3A_55 : memref<10240x64xf32, #tpu.memory_space<vmem_shared>>) target(%arg10 : memref<128x64xf32, #tpu.memory_space<vmem>>) offsets(%dma_start3A_52 : memref<128xi32, #tpu.memory_space<vmem>>) semaphore(%arg13 : memref<!tpu.dma_semaphore, #tpu.memory_space<semaphore_mem>>)
    %dma_start3A_56 = arith.constant 1 : i32
    %dma_start3A_57 = arith.constant 0 : i32
    %dma_start3A_58 = tpu.memref_slice %arg6[%dma_start3A_56, %dma_start3A_57] : memref<80x128xi32, #tpu.memory_space<vmem>> -> memref<1x128xi32, #tpu.memory_space<vmem>>
    %dma_start3A_59 = tpu.memref_squeeze %dma_start3A_58 : memref<1x128xi32, #tpu.memory_space<vmem>> -> memref<128xi32, #tpu.memory_space<vmem>>
    %dma_start3A_60 = arith.constant 0 : i32
    %dma_start3A_61 = arith.constant 0 : i32
    %dma_start3A_62 = tpu.memref_slice %arg8[%dma_start3A_60, %dma_start3A_61] : memref<10240x64xf32, #tpu.memory_space<vmem_shared>> -> memref<10240x64xf32, #tpu.memory_space<vmem_shared>>
    tpu.enqueue_indirect_dma source(%dma_start3A_62 : memref<10240x64xf32, #tpu.memory_space<vmem_shared>>) target(%arg11 : memref<128x64xf32, #tpu.memory_space<vmem>>) offsets(%dma_start3A_59 : memref<128xi32, #tpu.memory_space<vmem>>) semaphore(%arg14 : memref<!tpu.dma_semaphore, #tpu.memory_space<semaphore_mem>>)
    %dma_start3A_63 = arith.constant 2 : i32
    %dma_start3A_64 = arith.constant 0 : i32
    %dma_start3A_65 = tpu.memref_slice %arg6[%dma_start3A_63, %dma_start3A_64] : memref<80x128xi32, #tpu.memory_space<vmem>> -> memref<1x128xi32, #tpu.memory_space<vmem>>
    %dma_start3A_66 = tpu.memref_squeeze %dma_start3A_65 : memref<1x128xi32, #tpu.memory_space<vmem>> -> memref<128xi32, #tpu.memory_space<vmem>>
    %dma_start3A_67 = arith.constant 0 : i32
    %dma_start3A_68 = arith.constant 0 : i32
    %dma_start3A_69 = tpu.memref_slice %arg8[%dma_start3A_67, %dma_start3A_68] : memref<10240x64xf32, #tpu.memory_space<vmem_shared>> -> memref<10240x64xf32, #tpu.memory_space<vmem_shared>>
    tpu.enqueue_indirect_dma source(%dma_start3A_69 : memref<10240x64xf32, #tpu.memory_space<vmem_shared>>) target(%arg12 : memref<128x64xf32, #tpu.memory_space<vmem>>) offsets(%dma_start3A_66 : memref<128xi32, #tpu.memory_space<vmem>>) semaphore(%arg15 : memref<!tpu.dma_semaphore, #tpu.memory_space<semaphore_mem>>)
    %scan3A = arith.constant 0 : i32
    %scan3A_70 = arith.constant 26 : i32
    %scan3A_71 = arith.addi %scan3A, %scan3A_70 : i32
    %scan3A_72 = arith.constant 1 : i32
    scf.for %scan3A_90 = %scan3A to %scan3A_71 step %scan3A_72  : i32 {
      %mul3A_91 = arith.constant 1 : i32
      %mul3A_92 = arith.muli %scan3A_90, %mul3A_91 : i32
      %add3A_93 = arith.constant 0 : i32
      %add3A_94 = arith.addi %add3A_93, %mul3A_92 : i32
      %mul3A_95 = arith.constant 3 : i32
      %mul3A_96 = arith.muli %add3A_94, %mul3A_95 : i32
      %add3A_97 = arith.constant 0 : i32
      %add3A_98 = arith.addi %mul3A_96, %add3A_97 : i32
      %dma_wait3A_99 = arith.constant 0 : i32
      %dma_wait3A_100 = tpu.memref_slice %arg6[%add3A_98, %dma_wait3A_99] : memref<80x128xi32, #tpu.memory_space<vmem>> -> memref<1x128xi32, #tpu.memory_space<vmem>>
      %dma_wait3A_101 = tpu.memref_squeeze %dma_wait3A_100 : memref<1x128xi32, #tpu.memory_space<vmem>> -> memref<128xi32, #tpu.memory_space<vmem>>
      %dma_wait3A_102 = arith.constant 0 : i32
      %dma_wait3A_103 = arith.constant 0 : i32
      %dma_wait3A_104 = tpu.memref_slice %arg8[%dma_wait3A_102, %dma_wait3A_103] : memref<10240x64xf32, #tpu.memory_space<vmem_shared>> -> memref<10240x64xf32, #tpu.memory_space<vmem_shared>>
      tpu.wait_indirect_dma semaphore(%arg13 : memref<!tpu.dma_semaphore, #tpu.memory_space<semaphore_mem>>) src(%dma_wait3A_104 : memref<10240x64xf32, #tpu.memory_space<vmem_shared>>) dst(%arg10 : memref<128x64xf32, #tpu.memory_space<vmem>>)
      "tpu.region"() ({
        %run_scoped3A_137 = tpu.sem_alloc : memref<!tpu.dma_semaphore, #tpu.memory_space<semaphore_mem>>
        %dma_start3A_138 = arith.constant 0 : i32
        %dma_start3A_139 = tpu.memref_slice %arg7[%add3A_98, %dma_start3A_138] : memref<80x128xi32, #tpu.memory_space<vmem>> -> memref<1x128xi32, #tpu.memory_space<vmem>>
        %dma_start3A_140 = tpu.memref_squeeze %dma_start3A_139 : memref<1x128xi32, #tpu.memory_space<vmem>> -> memref<128xi32, #tpu.memory_space<vmem>>
        %dma_start3A_141 = arith.constant 0 : i32
        %dma_start3A_142 = arith.constant 0 : i32
        %dma_start3A_143 = tpu.memref_slice %arg9[%dma_start3A_141, %dma_start3A_142] : memref<10240x64xf32, #tpu.memory_space<vmem_shared>> -> memref<10240x64xf32, #tpu.memory_space<vmem_shared>>
        tpu.enqueue_indirect_dma source(%arg10 : memref<128x64xf32, #tpu.memory_space<vmem>>) target(%dma_start3A_143 : memref<10240x64xf32, #tpu.memory_space<vmem_shared>>) offsets(%dma_start3A_140 : memref<128xi32, #tpu.memory_space<vmem>>) semaphore(%run_scoped3A_137 : memref<!tpu.dma_semaphore, #tpu.memory_space<semaphore_mem>>) {add = true}
        %dma_wait3A_144 = arith.constant 0 : i32
        %dma_wait3A_145 = tpu.memref_slice %arg7[%add3A_98, %dma_wait3A_144] : memref<80x128xi32, #tpu.memory_space<vmem>> -> memref<1x128xi32, #tpu.memory_space<vmem>>
        %dma_wait3A_146 = tpu.memref_squeeze %dma_wait3A_145 : memref<1x128xi32, #tpu.memory_space<vmem>> -> memref<128xi32, #tpu.memory_space<vmem>>
        %dma_wait3A_147 = arith.constant 0 : i32
        %dma_wait3A_148 = arith.constant 0 : i32
        %dma_wait3A_149 = tpu.memref_slice %arg9[%dma_wait3A_147, %dma_wait3A_148] : memref<10240x64xf32, #tpu.memory_space<vmem_shared>> -> memref<10240x64xf32, #tpu.memory_space<vmem_shared>>
        tpu.wait_indirect_dma semaphore(%run_scoped3A_137 : memref<!tpu.dma_semaphore, #tpu.memory_space<semaphore_mem>>) src(%arg10 : memref<128x64xf32, #tpu.memory_space<vmem>>) dst(%dma_wait3A_149 : memref<10240x64xf32, #tpu.memory_space<vmem_shared>>)
        tpu.yield
      }) : () -> ()
      %lt3A = arith.constant 26 : i32
      %lt3A_105 = arith.cmpi slt, %add3A_94, %lt3A : i32
      %convert_element_type3A = arith.extui %lt3A_105 : i1 to i32
      %cond3A = arith.constant 0 : i32
      %cond3A_106 = arith.cmpi ne, %convert_element_type3A, %cond3A : i32
      scf.if %cond3A_106 {
        %add3A_137 = arith.constant 3 : i32
        %add3A_138 = arith.addi %add3A_98, %add3A_137 : i32
        %dma_start3A_139 = arith.constant 0 : i32
        %dma_start3A_140 = tpu.memref_slice %arg6[%add3A_138, %dma_start3A_139] : memref<80x128xi32, #tpu.memory_space<vmem>> -> memref<1x128xi32, #tpu.memory_space<vmem>>
        %dma_start3A_141 = tpu.memref_squeeze %dma_start3A_140 : memref<1x128xi32, #tpu.memory_space<vmem>> -> memref<128xi32, #tpu.memory_space<vmem>>
        %dma_start3A_142 = arith.constant 0 : i32
        %dma_start3A_143 = arith.constant 0 : i32
        %dma_start3A_144 = tpu.memref_slice %arg8[%dma_start3A_142, %dma_start3A_143] : memref<10240x64xf32, #tpu.memory_space<vmem_shared>> -> memref<10240x64xf32, #tpu.memory_space<vmem_shared>>
        tpu.enqueue_indirect_dma source(%dma_start3A_144 : memref<10240x64xf32, #tpu.memory_space<vmem_shared>>) target(%arg10 : memref<128x64xf32, #tpu.memory_space<vmem>>) offsets(%dma_start3A_141 : memref<128xi32, #tpu.memory_space<vmem>>) semaphore(%arg13 : memref<!tpu.dma_semaphore, #tpu.memory_space<semaphore_mem>>)
      } else {
      }
      %mul3A_107 = arith.constant 3 : i32
      %mul3A_108 = arith.muli %add3A_94, %mul3A_107 : i32
      %add3A_109 = arith.constant 1 : i32
      %add3A_110 = arith.addi %mul3A_108, %add3A_109 : i32
      %dma_wait3A_111 = arith.constant 0 : i32
      %dma_wait3A_112 = tpu.memref_slice %arg6[%add3A_110, %dma_wait3A_111] : memref<80x128xi32, #tpu.memory_space<vmem>> -> memref<1x128xi32, #tpu.memory_space<vmem>>
      %dma_wait3A_113 = tpu.memref_squeeze %dma_wait3A_112 : memref<1x128xi32, #tpu.memory_space<vmem>> -> memref<128xi32, #tpu.memory_space<vmem>>
      %dma_wait3A_114 = arith.constant 0 : i32
      %dma_wait3A_115 = arith.constant 0 : i32
      %dma_wait3A_116 = tpu.memref_slice %arg8[%dma_wait3A_114, %dma_wait3A_115] : memref<10240x64xf32, #tpu.memory_space<vmem_shared>> -> memref<10240x64xf32, #tpu.memory_space<vmem_shared>>
      tpu.wait_indirect_dma semaphore(%arg14 : memref<!tpu.dma_semaphore, #tpu.memory_space<semaphore_mem>>) src(%dma_wait3A_116 : memref<10240x64xf32, #tpu.memory_space<vmem_shared>>) dst(%arg11 : memref<128x64xf32, #tpu.memory_space<vmem>>)
      "tpu.region"() ({
        %run_scoped3A_137 = tpu.sem_alloc : memref<!tpu.dma_semaphore, #tpu.memory_space<semaphore_mem>>
        %dma_start3A_138 = arith.constant 0 : i32
        %dma_start3A_139 = tpu.memref_slice %arg7[%add3A_110, %dma_start3A_138] : memref<80x128xi32, #tpu.memory_space<vmem>> -> memref<1x128xi32, #tpu.memory_space<vmem>>
        %dma_start3A_140 = tpu.memref_squeeze %dma_start3A_139 : memref<1x128xi32, #tpu.memory_space<vmem>> -> memref<128xi32, #tpu.memory_space<vmem>>
        %dma_start3A_141 = arith.constant 0 : i32
        %dma_start3A_142 = arith.constant 0 : i32
        %dma_start3A_143 = tpu.memref_slice %arg9[%dma_start3A_141, %dma_start3A_142] : memref<10240x64xf32, #tpu.memory_space<vmem_shared>> -> memref<10240x64xf32, #tpu.memory_space<vmem_shared>>
        tpu.enqueue_indirect_dma source(%arg11 : memref<128x64xf32, #tpu.memory_space<vmem>>) target(%dma_start3A_143 : memref<10240x64xf32, #tpu.memory_space<vmem_shared>>) offsets(%dma_start3A_140 : memref<128xi32, #tpu.memory_space<vmem>>) semaphore(%run_scoped3A_137 : memref<!tpu.dma_semaphore, #tpu.memory_space<semaphore_mem>>) {add = true}
        %dma_wait3A_144 = arith.constant 0 : i32
        %dma_wait3A_145 = tpu.memref_slice %arg7[%add3A_110, %dma_wait3A_144] : memref<80x128xi32, #tpu.memory_space<vmem>> -> memref<1x128xi32, #tpu.memory_space<vmem>>
        %dma_wait3A_146 = tpu.memref_squeeze %dma_wait3A_145 : memref<1x128xi32, #tpu.memory_space<vmem>> -> memref<128xi32, #tpu.memory_space<vmem>>
        %dma_wait3A_147 = arith.constant 0 : i32
        %dma_wait3A_148 = arith.constant 0 : i32
        %dma_wait3A_149 = tpu.memref_slice %arg9[%dma_wait3A_147, %dma_wait3A_148] : memref<10240x64xf32, #tpu.memory_space<vmem_shared>> -> memref<10240x64xf32, #tpu.memory_space<vmem_shared>>
        tpu.wait_indirect_dma semaphore(%run_scoped3A_137 : memref<!tpu.dma_semaphore, #tpu.memory_space<semaphore_mem>>) src(%arg11 : memref<128x64xf32, #tpu.memory_space<vmem>>) dst(%dma_wait3A_149 : memref<10240x64xf32, #tpu.memory_space<vmem_shared>>)
        tpu.yield
      }) : () -> ()
      %lt3A_117 = arith.constant 26 : i32
      %lt3A_118 = arith.cmpi slt, %add3A_94, %lt3A_117 : i32
      %convert_element_type3A_119 = arith.extui %lt3A_118 : i1 to i32
      %cond3A_120 = arith.constant 0 : i32
      %cond3A_121 = arith.cmpi ne, %convert_element_type3A_119, %cond3A_120 : i32
      scf.if %cond3A_121 {
        %add3A_137 = arith.constant 3 : i32
        %add3A_138 = arith.addi %add3A_110, %add3A_137 : i32
        %dma_start3A_139 = arith.constant 0 : i32
        %dma_start3A_140 = tpu.memref_slice %arg6[%add3A_138, %dma_start3A_139] : memref<80x128xi32, #tpu.memory_space<vmem>> -> memref<1x128xi32, #tpu.memory_space<vmem>>
        %dma_start3A_141 = tpu.memref_squeeze %dma_start3A_140 : memref<1x128xi32, #tpu.memory_space<vmem>> -> memref<128xi32, #tpu.memory_space<vmem>>
        %dma_start3A_142 = arith.constant 0 : i32
        %dma_start3A_143 = arith.constant 0 : i32
        %dma_start3A_144 = tpu.memref_slice %arg8[%dma_start3A_142, %dma_start3A_143] : memref<10240x64xf32, #tpu.memory_space<vmem_shared>> -> memref<10240x64xf32, #tpu.memory_space<vmem_shared>>
        tpu.enqueue_indirect_dma source(%dma_start3A_144 : memref<10240x64xf32, #tpu.memory_space<vmem_shared>>) target(%arg11 : memref<128x64xf32, #tpu.memory_space<vmem>>) offsets(%dma_start3A_141 : memref<128xi32, #tpu.memory_space<vmem>>) semaphore(%arg14 : memref<!tpu.dma_semaphore, #tpu.memory_space<semaphore_mem>>)
      } else {
      }
      %mul3A_122 = arith.constant 3 : i32
      %mul3A_123 = arith.muli %add3A_94, %mul3A_122 : i32
      %add3A_124 = arith.constant 2 : i32
      %add3A_125 = arith.addi %mul3A_123, %add3A_124 : i32
      %dma_wait3A_126 = arith.constant 0 : i32
      %dma_wait3A_127 = tpu.memref_slice %arg6[%add3A_125, %dma_wait3A_126] : memref<80x128xi32, #tpu.memory_space<vmem>> -> memref<1x128xi32, #tpu.memory_space<vmem>>
      %dma_wait3A_128 = tpu.memref_squeeze %dma_wait3A_127 : memref<1x128xi32, #tpu.memory_space<vmem>> -> memref<128xi32, #tpu.memory_space<vmem>>
      %dma_wait3A_129 = arith.constant 0 : i32
      %dma_wait3A_130 = arith.constant 0 : i32
      %dma_wait3A_131 = tpu.memref_slice %arg8[%dma_wait3A_129, %dma_wait3A_130] : memref<10240x64xf32, #tpu.memory_space<vmem_shared>> -> memref<10240x64xf32, #tpu.memory_space<vmem_shared>>
      tpu.wait_indirect_dma semaphore(%arg15 : memref<!tpu.dma_semaphore, #tpu.memory_space<semaphore_mem>>) src(%dma_wait3A_131 : memref<10240x64xf32, #tpu.memory_space<vmem_shared>>) dst(%arg12 : memref<128x64xf32, #tpu.memory_space<vmem>>)
      "tpu.region"() ({
        %run_scoped3A_137 = tpu.sem_alloc : memref<!tpu.dma_semaphore, #tpu.memory_space<semaphore_mem>>
        %dma_start3A_138 = arith.constant 0 : i32
        %dma_start3A_139 = tpu.memref_slice %arg7[%add3A_125, %dma_start3A_138] : memref<80x128xi32, #tpu.memory_space<vmem>> -> memref<1x128xi32, #tpu.memory_space<vmem>>
        %dma_start3A_140 = tpu.memref_squeeze %dma_start3A_139 : memref<1x128xi32, #tpu.memory_space<vmem>> -> memref<128xi32, #tpu.memory_space<vmem>>
        %dma_start3A_141 = arith.constant 0 : i32
        %dma_start3A_142 = arith.constant 0 : i32
        %dma_start3A_143 = tpu.memref_slice %arg9[%dma_start3A_141, %dma_start3A_142] : memref<10240x64xf32, #tpu.memory_space<vmem_shared>> -> memref<10240x64xf32, #tpu.memory_space<vmem_shared>>
        tpu.enqueue_indirect_dma source(%arg12 : memref<128x64xf32, #tpu.memory_space<vmem>>) target(%dma_start3A_143 : memref<10240x64xf32, #tpu.memory_space<vmem_shared>>) offsets(%dma_start3A_140 : memref<128xi32, #tpu.memory_space<vmem>>) semaphore(%run_scoped3A_137 : memref<!tpu.dma_semaphore, #tpu.memory_space<semaphore_mem>>) {add = true}
        %dma_wait3A_144 = arith.constant 0 : i32
        %dma_wait3A_145 = tpu.memref_slice %arg7[%add3A_125, %dma_wait3A_144] : memref<80x128xi32, #tpu.memory_space<vmem>> -> memref<1x128xi32, #tpu.memory_space<vmem>>
        %dma_wait3A_146 = tpu.memref_squeeze %dma_wait3A_145 : memref<1x128xi32, #tpu.memory_space<vmem>> -> memref<128xi32, #tpu.memory_space<vmem>>
        %dma_wait3A_147 = arith.constant 0 : i32
        %dma_wait3A_148 = arith.constant 0 : i32
        %dma_wait3A_149 = tpu.memref_slice %arg9[%dma_wait3A_147, %dma_wait3A_148] : memref<10240x64xf32, #tpu.memory_space<vmem_shared>> -> memref<10240x64xf32, #tpu.memory_space<vmem_shared>>
        tpu.wait_indirect_dma semaphore(%run_scoped3A_137 : memref<!tpu.dma_semaphore, #tpu.memory_space<semaphore_mem>>) src(%arg12 : memref<128x64xf32, #tpu.memory_space<vmem>>) dst(%dma_wait3A_149 : memref<10240x64xf32, #tpu.memory_space<vmem_shared>>)
        tpu.yield
      }) : () -> ()
      %lt3A_132 = arith.constant 25 : i32
      %lt3A_133 = arith.cmpi slt, %add3A_94, %lt3A_132 : i32
      %convert_element_type3A_134 = arith.extui %lt3A_133 : i1 to i32
      %cond3A_135 = arith.constant 0 : i32
      %cond3A_136 = arith.cmpi ne, %convert_element_type3A_134, %cond3A_135 : i32
      scf.if %cond3A_136 {
        %add3A_137 = arith.constant 3 : i32
        %add3A_138 = arith.addi %add3A_125, %add3A_137 : i32
        %dma_start3A_139 = arith.constant 0 : i32
        %dma_start3A_140 = tpu.memref_slice %arg6[%add3A_138, %dma_start3A_139] : memref<80x128xi32, #tpu.memory_space<vmem>> -> memref<1x128xi32, #tpu.memory_space<vmem>>
        %dma_start3A_141 = tpu.memref_squeeze %dma_start3A_140 : memref<1x128xi32, #tpu.memory_space<vmem>> -> memref<128xi32, #tpu.memory_space<vmem>>
        %dma_start3A_142 = arith.constant 0 : i32
        %dma_start3A_143 = arith.constant 0 : i32
        %dma_start3A_144 = tpu.memref_slice %arg8[%dma_start3A_142, %dma_start3A_143] : memref<10240x64xf32, #tpu.memory_space<vmem_shared>> -> memref<10240x64xf32, #tpu.memory_space<vmem_shared>>
        tpu.enqueue_indirect_dma source(%dma_start3A_144 : memref<10240x64xf32, #tpu.memory_space<vmem_shared>>) target(%arg12 : memref<128x64xf32, #tpu.memory_space<vmem>>) offsets(%dma_start3A_141 : memref<128xi32, #tpu.memory_space<vmem>>) semaphore(%arg15 : memref<!tpu.dma_semaphore, #tpu.memory_space<semaphore_mem>>)
      } else {
      }
    }
    %scan3A_73 = arith.constant 26 : i32
    %dma_wait3A_74 = arith.constant 78 : i32
    %dma_wait3A_75 = arith.constant 0 : i32
    %dma_wait3A_76 = tpu.memref_slice %arg6[%dma_wait3A_74, %dma_wait3A_75] : memref<80x128xi32, #tpu.memory_space<vmem>> -> memref<1x128xi32, #tpu.memory_space<vmem>>
    %dma_wait3A_77 = tpu.memref_squeeze %dma_wait3A_76 : memref<1x128xi32, #tpu.memory_space<vmem>> -> memref<128xi32, #tpu.memory_space<vmem>>
    %dma_wait3A_78 = arith.constant 0 : i32
    %dma_wait3A_79 = arith.constant 0 : i32
    %dma_wait3A_80 = tpu.memref_slice %arg8[%dma_wait3A_78, %dma_wait3A_79] : memref<10240x64xf32, #tpu.memory_space<vmem_shared>> -> memref<10240x64xf32, #tpu.memory_space<vmem_shared>>
    tpu.wait_indirect_dma semaphore(%arg13 : memref<!tpu.dma_semaphore, #tpu.memory_space<semaphore_mem>>) src(%dma_wait3A_80 : memref<10240x64xf32, #tpu.memory_space<vmem_shared>>) dst(%arg10 : memref<128x64xf32, #tpu.memory_space<vmem>>)
    %run_scoped3A = arith.constant 78 : i32
    "tpu.region"() ({
      %run_scoped3A_90 = tpu.sem_alloc : memref<!tpu.dma_semaphore, #tpu.memory_space<semaphore_mem>>
      %dma_start3A_91 = arith.constant 0 : i32
      %dma_start3A_92 = tpu.memref_slice %arg7[%run_scoped3A, %dma_start3A_91] : memref<80x128xi32, #tpu.memory_space<vmem>> -> memref<1x128xi32, #tpu.memory_space<vmem>>
      %dma_start3A_93 = tpu.memref_squeeze %dma_start3A_92 : memref<1x128xi32, #tpu.memory_space<vmem>> -> memref<128xi32, #tpu.memory_space<vmem>>
      %dma_start3A_94 = arith.constant 0 : i32
      %dma_start3A_95 = arith.constant 0 : i32
      %dma_start3A_96 = tpu.memref_slice %arg9[%dma_start3A_94, %dma_start3A_95] : memref<10240x64xf32, #tpu.memory_space<vmem_shared>> -> memref<10240x64xf32, #tpu.memory_space<vmem_shared>>
      tpu.enqueue_indirect_dma source(%arg10 : memref<128x64xf32, #tpu.memory_space<vmem>>) target(%dma_start3A_96 : memref<10240x64xf32, #tpu.memory_space<vmem_shared>>) offsets(%dma_start3A_93 : memref<128xi32, #tpu.memory_space<vmem>>) semaphore(%run_scoped3A_90 : memref<!tpu.dma_semaphore, #tpu.memory_space<semaphore_mem>>) {add = true}
      %dma_wait3A_97 = arith.constant 0 : i32
      %dma_wait3A_98 = tpu.memref_slice %arg7[%run_scoped3A, %dma_wait3A_97] : memref<80x128xi32, #tpu.memory_space<vmem>> -> memref<1x128xi32, #tpu.memory_space<vmem>>
      %dma_wait3A_99 = tpu.memref_squeeze %dma_wait3A_98 : memref<1x128xi32, #tpu.memory_space<vmem>> -> memref<128xi32, #tpu.memory_space<vmem>>
      %dma_wait3A_100 = arith.constant 0 : i32
      %dma_wait3A_101 = arith.constant 0 : i32
      %dma_wait3A_102 = tpu.memref_slice %arg9[%dma_wait3A_100, %dma_wait3A_101] : memref<10240x64xf32, #tpu.memory_space<vmem_shared>> -> memref<10240x64xf32, #tpu.memory_space<vmem_shared>>
      tpu.wait_indirect_dma semaphore(%run_scoped3A_90 : memref<!tpu.dma_semaphore, #tpu.memory_space<semaphore_mem>>) src(%arg10 : memref<128x64xf32, #tpu.memory_space<vmem>>) dst(%dma_wait3A_102 : memref<10240x64xf32, #tpu.memory_space<vmem_shared>>)
      tpu.yield
    }) : () -> ()
    %dma_wait3A_81 = arith.constant 79 : i32
    %dma_wait3A_82 = arith.constant 0 : i32
    %dma_wait3A_83 = tpu.memref_slice %arg6[%dma_wait3A_81, %dma_wait3A_82] : memref<80x128xi32, #tpu.memory_space<vmem>> -> memref<1x128xi32, #tpu.memory_space<vmem>>
    %dma_wait3A_84 = tpu.memref_squeeze %dma_wait3A_83 : memref<1x128xi32, #tpu.memory_space<vmem>> -> memref<128xi32, #tpu.memory_space<vmem>>
    %dma_wait3A_85 = arith.constant 0 : i32
    %dma_wait3A_86 = arith.constant 0 : i32
    %dma_wait3A_87 = tpu.memref_slice %arg8[%dma_wait3A_85, %dma_wait3A_86] : memref<10240x64xf32, #tpu.memory_space<vmem_shared>> -> memref<10240x64xf32, #tpu.memory_space<vmem_shared>>
    tpu.wait_indirect_dma semaphore(%arg14 : memref<!tpu.dma_semaphore, #tpu.memory_space<semaphore_mem>>) src(%dma_wait3A_87 : memref<10240x64xf32, #tpu.memory_space<vmem_shared>>) dst(%arg11 : memref<128x64xf32, #tpu.memory_space<vmem>>)
    %run_scoped3A_88 = arith.constant 79 : i32
    "tpu.region"() ({
      %run_scoped3A_90 = tpu.sem_alloc : memref<!tpu.dma_semaphore, #tpu.memory_space<semaphore_mem>>
      %dma_start3A_91 = arith.constant 0 : i32
      %dma_start3A_92 = tpu.memref_slice %arg7[%run_scoped3A_88, %dma_start3A_91] : memref<80x128xi32, #tpu.memory_space<vmem>> -> memref<1x128xi32, #tpu.memory_space<vmem>>
      %dma_start3A_93 = tpu.memref_squeeze %dma_start3A_92 : memref<1x128xi32, #tpu.memory_space<vmem>> -> memref<128xi32, #tpu.memory_space<vmem>>
      %dma_start3A_94 = arith.constant 0 : i32
      %dma_start3A_95 = arith.constant 0 : i32
      %dma_start3A_96 = tpu.memref_slice %arg9[%dma_start3A_94, %dma_start3A_95] : memref<10240x64xf32, #tpu.memory_space<vmem_shared>> -> memref<10240x64xf32, #tpu.memory_space<vmem_shared>>
      tpu.enqueue_indirect_dma source(%arg11 : memref<128x64xf32, #tpu.memory_space<vmem>>) target(%dma_start3A_96 : memref<10240x64xf32, #tpu.memory_space<vmem_shared>>) offsets(%dma_start3A_93 : memref<128xi32, #tpu.memory_space<vmem>>) semaphore(%run_scoped3A_90 : memref<!tpu.dma_semaphore, #tpu.memory_space<semaphore_mem>>) {add = true}
      %dma_wait3A_97 = arith.constant 0 : i32
      %dma_wait3A_98 = tpu.memref_slice %arg7[%run_scoped3A_88, %dma_wait3A_97] : memref<80x128xi32, #tpu.memory_space<vmem>> -> memref<1x128xi32, #tpu.memory_space<vmem>>
      %dma_wait3A_99 = tpu.memref_squeeze %dma_wait3A_98 : memref<1x128xi32, #tpu.memory_space<vmem>> -> memref<128xi32, #tpu.memory_space<vmem>>
      %dma_wait3A_100 = arith.constant 0 : i32
      %dma_wait3A_101 = arith.constant 0 : i32
      %dma_wait3A_102 = tpu.memref_slice %arg9[%dma_wait3A_100, %dma_wait3A_101] : memref<10240x64xf32, #tpu.memory_space<vmem_shared>> -> memref<10240x64xf32, #tpu.memory_space<vmem_shared>>
      tpu.wait_indirect_dma semaphore(%run_scoped3A_90 : memref<!tpu.dma_semaphore, #tpu.memory_space<semaphore_mem>>) src(%arg11 : memref<128x64xf32, #tpu.memory_space<vmem>>) dst(%dma_wait3A_102 : memref<10240x64xf32, #tpu.memory_space<vmem_shared>>)
      tpu.yield
    }) : () -> ()
    %barrier3A_89 = arith.constant 0 : index
    tpu.barrier barrier_id(%barrier3A_89)
    "tpu.region"() ({
      %run_scoped3A_90 = tpu.sem_alloc : memref<!tpu.dma_semaphore, #tpu.memory_space<semaphore_mem>>
      %dma_start3A_91 = arith.constant 0 : i32
      %dma_start3A_92 = tpu.memref_slice %arg5[%arg0, %mul3A_2, %dma_start3A_91] : memref<2x10240x64xf32, #tpu.memory_space<hbm>> -> memref<1x640x64xf32, #tpu.memory_space<hbm>>
      %dma_start3A_93 = tpu.memref_squeeze %dma_start3A_92 : memref<1x640x64xf32, #tpu.memory_space<hbm>> -> memref<640x64xf32, #tpu.memory_space<hbm>>
      %dma_start3A_94 = arith.constant 0 : i32
      %dma_start3A_95 = tpu.memref_slice %arg9[%mul3A_2, %dma_start3A_94] : memref<10240x64xf32, #tpu.memory_space<vmem_shared>> -> memref<640x64xf32, #tpu.memory_space<vmem_shared>>
      tpu.enqueue_dma source(%dma_start3A_95 : memref<640x64xf32, #tpu.memory_space<vmem_shared>>) target(%dma_start3A_93 : memref<640x64xf32, #tpu.memory_space<hbm>>) target_semaphore(%run_scoped3A_90 : memref<!tpu.dma_semaphore, #tpu.memory_space<semaphore_mem>>)
      %dma_wait3A_96 = arith.constant 0 : i32
      %dma_wait3A_97 = tpu.memref_slice %arg5[%arg0, %mul3A_2, %dma_wait3A_96] : memref<2x10240x64xf32, #tpu.memory_space<hbm>> -> memref<1x640x64xf32, #tpu.memory_space<hbm>>
      %dma_wait3A_98 = tpu.memref_squeeze %dma_wait3A_97 : memref<1x640x64xf32, #tpu.memory_space<hbm>> -> memref<640x64xf32, #tpu.memory_space<hbm>>
      %dma_wait3A_99 = arith.constant 0 : i32
      %dma_wait3A_100 = tpu.memref_slice %arg9[%mul3A_2, %dma_wait3A_99] : memref<10240x64xf32, #tpu.memory_space<vmem_shared>> -> memref<640x64xf32, #tpu.memory_space<vmem_shared>>
      tpu.wait_dma2 semaphore(%run_scoped3A_90 : memref<!tpu.dma_semaphore, #tpu.memory_space<semaphore_mem>>) src(%dma_wait3A_100 : memref<640x64xf32, #tpu.memory_space<vmem_shared>>) dst(%dma_wait3A_98 : memref<640x64xf32, #tpu.memory_space<hbm>>)
      tpu.yield
    }) : () -> ()
    return
  }
}

module attributes {stable_mosaic.version = 14 : i64} {
  func.func @_tc1a_body(%arg0: i32, %arg1: memref<1000x128xf32, #tpu.memory_space<vmem>>, %arg2: memref<128x128xf32, #tpu.memory_space<vmem>>, %arg3: memref<1x128xf32, #tpu.memory_space<vmem>>, %arg4: memref<1000x128xf32, #tpu.memory_space<vmem>>, %arg5: memref<1x128xf32, #tpu.memory_space<vmem>>) attributes {dimension_semantics = [#tpu.dimension_semantics<arbitrary>], iteration_bounds = array<i64: 10>, scalar_prefetch = 0 : i64, scratch_operands = 0 : i64, tpu.core_type = #tpu.core_type<tc>, window_params = [{transform_indices = @transform_0, window_bounds = array<i64: 1000, 128>}, {pipeline_mode = #tpu.pipeline_mode<synchronous>, transform_indices = @transform_1, window_bounds = array<i64: 128, 128>}, {pipeline_mode = #tpu.pipeline_mode<synchronous>, transform_indices = @transform_2, window_bounds = array<i64: 1, 128>}, {transform_indices = @transform_3, window_bounds = array<i64: 1000, 128>}, {pipeline_mode = #tpu.pipeline_mode<synchronous>, transform_indices = @transform_4, window_bounds = array<i64: 1, 128>}]} {
    %get3A = arith.constant 0 : index
    %get3A_0 = arith.constant 0 : index
    %get3A_1 = vector.load %arg1[%get3A, %get3A_0] : memref<1000x128xf32, #tpu.memory_space<vmem>>, vector<1000x128xf32>
    %get3A_2 = arith.constant 0 : index
    %get3A_3 = arith.constant 0 : index
    %get3A_4 = vector.load %arg2[%get3A_2, %get3A_3] : memref<128x128xf32, #tpu.memory_space<vmem>>, vector<128x128xf32>
    %dot_general3A = arith.constant dense<0.000000e+00> : vector<1000x128xf32>
    %dot_general3A_5 = tpu.matmul %get3A_1, %get3A_4, %dot_general3A {dimension_numbers = #tpu.dot_dimension_numbers<[1], [0], [0], [1], [0, 0, 1, 1], [], []>, transpose_lhs_hint = false} : vector<1000x128xf32>, vector<128x128xf32>, vector<1000x128xf32> -> vector<1000x128xf32>
    %swap3A = arith.constant 0 : index
    %swap3A_6 = arith.constant 0 : index
    %swap3A_7 = vector.load %arg4[%swap3A, %swap3A_6] : memref<1000x128xf32, #tpu.memory_space<vmem>>, vector<1000x128xf32>
    tpu.vector_store %arg4[%swap3A, %swap3A_6], %dot_general3A_5 {strides = array<i32>} : memref<1000x128xf32, #tpu.memory_space<vmem>>, vector<1000x128xf32>,
    %eq3A = arith.constant 0 : i32
    %eq3A_8 = arith.cmpi eq, %arg0, %eq3A : i32
    %convert_element_type3A = arith.extui %eq3A_8 : i1 to i32
    %cond3A = arith.constant 0 : i32
    %cond3A_9 = arith.cmpi ne, %convert_element_type3A, %cond3A : i32
    scf.if %cond3A_9 {
      %get3A_10 = arith.constant 0 : index
      %get3A_11 = arith.constant 0 : index
      %get3A_12 = vector.load %arg3[%get3A_10, %get3A_11] : memref<1x128xf32, #tpu.memory_space<vmem>>, vector<1x128xf32>
      %get3A_13 = arith.constant 0 : index
      %get3A_14 = arith.constant 0 : index
      %get3A_15 = vector.load %arg2[%get3A_13, %get3A_14] : memref<128x128xf32, #tpu.memory_space<vmem>>, vector<128x128xf32>
      %dot_general3A_16 = arith.constant dense<0.000000e+00> : vector<1x128xf32>
      %dot_general3A_17 = tpu.matmul %get3A_12, %get3A_15, %dot_general3A_16 {dimension_numbers = #tpu.dot_dimension_numbers<[1], [0], [0], [1], [0, 0, 1, 1], [], []>, transpose_lhs_hint = false} : vector<1x128xf32>, vector<128x128xf32>, vector<1x128xf32> -> vector<1x128xf32>
      %swap3A_18 = arith.constant 0 : index
      %swap3A_19 = arith.constant 0 : index
      %swap3A_20 = vector.load %arg5[%swap3A_18, %swap3A_19] : memref<1x128xf32, #tpu.memory_space<vmem>>, vector<1x128xf32>
      tpu.vector_store %arg5[%swap3A_18, %swap3A_19], %dot_general3A_17 {strides = array<i32>} : memref<1x128xf32, #tpu.memory_space<vmem>>, vector<1x128xf32>,
    } else {
    }
    return
  }
  func.func @transform_0(%arg0: i32) -> (i32, i32) {
    %c0_i32 = arith.constant 0 : i32
    %c0_i32_0 = arith.constant 0 : i32
    return %arg0, %c0_i32 : i32, i32
  }
  func.func @transform_1(%arg0: i32) -> (i32, i32) {
    %c0_i32 = arith.constant 0 : i32
    %c0_i32_0 = arith.constant 0 : i32
    %c0_i32_1 = arith.constant 0 : i32
    return %c0_i32, %c0_i32_0 : i32, i32
  }
  func.func @transform_2(%arg0: i32) -> (i32, i32) {
    %c0_i32 = arith.constant 0 : i32
    %c0_i32_0 = arith.constant 0 : i32
    %c0_i32_1 = arith.constant 0 : i32
    return %c0_i32, %c0_i32_0 : i32, i32
  }
  func.func @transform_3(%arg0: i32) -> (i32, i32) {
    %c0_i32 = arith.constant 0 : i32
    %c0_i32_0 = arith.constant 0 : i32
    return %arg0, %c0_i32 : i32, i32
  }
  func.func @transform_4(%arg0: i32) -> (i32, i32) {
    %c0_i32 = arith.constant 0 : i32
    %c0_i32_0 = arith.constant 0 : i32
    %c0_i32_1 = arith.constant 0 : i32
    return %c0_i32, %c0_i32_0 : i32, i32
  }
}

module attributes {stable_mosaic.version = 14 : i64} {
  func.func @_tc1b_body(%arg0: i32, %arg1: memref<1000x128xf32, #tpu.memory_space<vmem>>, %arg2: memref<1x128xf32, #tpu.memory_space<vmem>>, %arg3: memref<2x1000x1xf32, #tpu.memory_space<vmem>>, %arg4: memref<2x1000x1xf32, #tpu.memory_space<vmem>>, %arg5: memref<1000x64xf32, #tpu.memory_space<vmem>>, %arg6: memref<1000x64xf32, #tpu.memory_space<vmem>>) attributes {dimension_semantics = [#tpu.dimension_semantics<arbitrary>], iteration_bounds = array<i64: 10>, scalar_prefetch = 0 : i64, scratch_operands = 0 : i64, tpu.core_type = #tpu.core_type<tc>, window_params = [{transform_indices = @transform_0, window_bounds = array<i64: 1000, 128>}, {pipeline_mode = #tpu.pipeline_mode<synchronous>, transform_indices = @transform_1, window_bounds = array<i64: 1, 128>}, {transform_indices = @transform_2, window_bounds = array<i64: 2, 1000, 1>}, {transform_indices = @transform_3, window_bounds = array<i64: 2, 1000, 1>}, {transform_indices = @transform_4, window_bounds = array<i64: 1000, 64>}, {transform_indices = @transform_5, window_bounds = array<i64: 1000, 64>}]} {
    %get3A = arith.constant 0 : index
    %get3A_0 = arith.constant 0 : index
    %get3A_1 = arith.constant 0 : index
    %get3A_2 = vector.load %arg3[%get3A, %get3A_0, %get3A_1] : memref<2x1000x1xf32, #tpu.memory_space<vmem>>, vector<1x1000x1xf32>
    %get3A_3 = vector.shape_cast %get3A_2 : vector<1x1000x1xf32> to vector<1000x1xf32>
    %get3A_4 = arith.constant 1 : index
    %get3A_5 = arith.constant 0 : index
    %get3A_6 = arith.constant 0 : index
    %get3A_7 = vector.load %arg3[%get3A_4, %get3A_5, %get3A_6] : memref<2x1000x1xf32, #tpu.memory_space<vmem>>, vector<1x1000x1xf32>
    %get3A_8 = vector.shape_cast %get3A_7 : vector<1x1000x1xf32> to vector<1000x1xf32>
    %add3A = arith.addf %get3A_3, %get3A_8 : vector<1000x1xf32>
    %add3A_9 = arith.constant 1.000000e+00 : f32
    %add3A_10 = vector.broadcast %add3A_9 : f32 to vector<1000x1xf32>
    %add3A_11 = arith.addf %add3A, %add3A_10 : vector<1000x1xf32>
    %max3A = arith.constant 1.000000e+00 : f32
    %max3A_12 = vector.broadcast %max3A : f32 to vector<1000x1xf32>
    %max3A_13 = arith.maximumf %add3A_11, %max3A_12 : vector<1000x1xf32>
    %rsqrt3A = math.rsqrt %max3A_13 : vector<1000x1xf32>
    %get3A_14 = arith.constant 0 : index
    %get3A_15 = arith.constant 0 : index
    %get3A_16 = arith.constant 0 : index
    %get3A_17 = vector.load %arg4[%get3A_14, %get3A_15, %get3A_16] : memref<2x1000x1xf32, #tpu.memory_space<vmem>>, vector<1x1000x1xf32>
    %get3A_18 = vector.shape_cast %get3A_17 : vector<1x1000x1xf32> to vector<1000x1xf32>
    %get3A_19 = arith.constant 1 : index
    %get3A_20 = arith.constant 0 : index
    %get3A_21 = arith.constant 0 : index
    %get3A_22 = vector.load %arg4[%get3A_19, %get3A_20, %get3A_21] : memref<2x1000x1xf32, #tpu.memory_space<vmem>>, vector<1x1000x1xf32>
    %get3A_23 = vector.shape_cast %get3A_22 : vector<1x1000x1xf32> to vector<1000x1xf32>
    %add3A_24 = arith.addf %get3A_18, %get3A_23 : vector<1000x1xf32>
    %gt3A = arith.constant 5.000000e-01 : f32
    %gt3A_25 = vector.broadcast %gt3A : f32 to vector<1000x1xf32>
    %gt3A_26 = arith.cmpf ogt, %add3A_24, %gt3A_25 : vector<1000x1xf32>
    %get3A_27 = arith.constant 0 : index
    %get3A_28 = arith.constant 0 : index
    %get3A_29 = vector.load %arg2[%get3A_27, %get3A_28] : memref<1x128xf32, #tpu.memory_space<vmem>>, vector<1x128xf32>
    %get3A_30 = arith.constant 0 : index
    %get3A_31 = arith.constant 0 : index
    %get3A_32 = vector.load %arg1[%get3A_30, %get3A_31] : memref<1000x128xf32, #tpu.memory_space<vmem>>, vector<1000x128xf32>
    %broadcast_in_dim3A = vector.shape_cast %gt3A_26 : vector<1000x1xi1> to vector<1000x1xi1>
    %broadcast_in_dim3A_33 = vector.broadcast %broadcast_in_dim3A : vector<1000x1xi1> to vector<1000x128xi1>
    %broadcast_in_dim3A_34 = vector.shape_cast %get3A_29 : vector<1x128xf32> to vector<1x128xf32>
    %broadcast_in_dim3A_35 = vector.broadcast %broadcast_in_dim3A_34 : vector<1x128xf32> to vector<1000x128xf32>
    %select_n3A = arith.select %broadcast_in_dim3A_33, %broadcast_in_dim3A_35, %get3A_32 : vector<1000x128xi1>, vector<1000x128xf32>
    %mul3A = vector.broadcast %rsqrt3A : vector<1000x1xf32> to vector<1000x128xf32>
    %mul3A_36 = arith.mulf %select_n3A, %mul3A : vector<1000x128xf32>
    %slice3A = vector.extract_strided_slice %mul3A_36 {offsets = [0, 0], sizes = [1000, 64], strides = [1, 1]} : vector<1000x128xf32> to vector<1000x64xf32>
    %swap3A = arith.constant 0 : index
    %swap3A_37 = arith.constant 0 : index
    %swap3A_38 = vector.load %arg5[%swap3A, %swap3A_37] : memref<1000x64xf32, #tpu.memory_space<vmem>>, vector<1000x64xf32>
    tpu.vector_store %arg5[%swap3A, %swap3A_37], %slice3A {strides = array<i32>} : memref<1000x64xf32, #tpu.memory_space<vmem>>, vector<1000x64xf32>,
    %slice3A_39 = vector.extract_strided_slice %mul3A_36 {offsets = [0, 64], sizes = [1000, 64], strides = [1, 1]} : vector<1000x128xf32> to vector<1000x64xf32>
    %swap3A_40 = arith.constant 0 : index
    %swap3A_41 = arith.constant 0 : index
    %swap3A_42 = vector.load %arg6[%swap3A_40, %swap3A_41] : memref<1000x64xf32, #tpu.memory_space<vmem>>, vector<1000x64xf32>
    tpu.vector_store %arg6[%swap3A_40, %swap3A_41], %slice3A_39 {strides = array<i32>} : memref<1000x64xf32, #tpu.memory_space<vmem>>, vector<1000x64xf32>,
    return
  }
  func.func @transform_0(%arg0: i32) -> (i32, i32) {
    %c0_i32 = arith.constant 0 : i32
    %c0_i32_0 = arith.constant 0 : i32
    return %arg0, %c0_i32 : i32, i32
  }
  func.func @transform_1(%arg0: i32) -> (i32, i32) {
    %c0_i32 = arith.constant 0 : i32
    %c0_i32_0 = arith.constant 0 : i32
    %c0_i32_1 = arith.constant 0 : i32
    return %c0_i32, %c0_i32_0 : i32, i32
  }
  func.func @transform_2(%arg0: i32) -> (i32, i32, i32) {
    %c0_i32 = arith.constant 0 : i32
    %c0_i32_0 = arith.constant 0 : i32
    %c0_i32_1 = arith.constant 0 : i32
    return %c0_i32, %arg0, %c0_i32_0 : i32, i32, i32
  }
  func.func @transform_3(%arg0: i32) -> (i32, i32, i32) {
    %c0_i32 = arith.constant 0 : i32
    %c0_i32_0 = arith.constant 0 : i32
    %c0_i32_1 = arith.constant 0 : i32
    return %c0_i32, %arg0, %c0_i32_0 : i32, i32, i32
  }
  func.func @transform_4(%arg0: i32) -> (i32, i32) {
    %c0_i32 = arith.constant 0 : i32
    %c0_i32_0 = arith.constant 0 : i32
    return %arg0, %c0_i32 : i32, i32
  }
  func.func @transform_5(%arg0: i32) -> (i32, i32) {
    %c0_i32 = arith.constant 0 : i32
    %c0_i32_0 = arith.constant 0 : i32
    return %arg0, %c0_i32 : i32, i32
  }
}

module attributes {stable_mosaic.version = 14 : i64} {
  func.func @_tc2a_body(%arg0: i32, %arg1: memref<2x1000x64xf32, #tpu.memory_space<vmem>>, %arg2: memref<1000x64xf32, #tpu.memory_space<vmem>>, %arg3: memref<2x1000x1xf32, #tpu.memory_space<vmem>>, %arg4: memref<1x128xf32, #tpu.memory_space<vmem>>, %arg5: memref<128x64xf32, #tpu.memory_space<vmem>>, %arg6: memref<1000x64xf32, #tpu.memory_space<vmem>>) attributes {dimension_semantics = [#tpu.dimension_semantics<arbitrary>], iteration_bounds = array<i64: 10>, scalar_prefetch = 0 : i64, scratch_operands = 0 : i64, tpu.core_type = #tpu.core_type<tc>, window_params = [{transform_indices = @transform_0, window_bounds = array<i64: 2, 1000, 64>}, {transform_indices = @transform_1, window_bounds = array<i64: 1000, 64>}, {transform_indices = @transform_2, window_bounds = array<i64: 2, 1000, 1>}, {pipeline_mode = #tpu.pipeline_mode<synchronous>, transform_indices = @transform_3, window_bounds = array<i64: 1, 128>}, {pipeline_mode = #tpu.pipeline_mode<synchronous>, transform_indices = @transform_4, window_bounds = array<i64: 128, 64>}, {transform_indices = @transform_5, window_bounds = array<i64: 1000, 64>}]} {
    %get3A = arith.constant 0 : index
    %get3A_0 = arith.constant 0 : index
    %get3A_1 = arith.constant 0 : index
    %get3A_2 = vector.load %arg3[%get3A, %get3A_0, %get3A_1] : memref<2x1000x1xf32, #tpu.memory_space<vmem>>, vector<1x1000x1xf32>
    %get3A_3 = vector.shape_cast %get3A_2 : vector<1x1000x1xf32> to vector<1000x1xf32>
    %get3A_4 = arith.constant 1 : index
    %get3A_5 = arith.constant 0 : index
    %get3A_6 = arith.constant 0 : index
    %get3A_7 = vector.load %arg3[%get3A_4, %get3A_5, %get3A_6] : memref<2x1000x1xf32, #tpu.memory_space<vmem>>, vector<1x1000x1xf32>
    %get3A_8 = vector.shape_cast %get3A_7 : vector<1x1000x1xf32> to vector<1000x1xf32>
    %add3A = arith.addf %get3A_3, %get3A_8 : vector<1000x1xf32>
    %add3A_9 = arith.constant 1.000000e+00 : f32
    %add3A_10 = vector.broadcast %add3A_9 : f32 to vector<1000x1xf32>
    %add3A_11 = arith.addf %add3A, %add3A_10 : vector<1000x1xf32>
    %max3A = arith.constant 1.000000e+00 : f32
    %max3A_12 = vector.broadcast %max3A : f32 to vector<1000x1xf32>
    %max3A_13 = arith.maximumf %add3A_11, %max3A_12 : vector<1000x1xf32>
    %rsqrt3A = math.rsqrt %max3A_13 : vector<1000x1xf32>
    %get3A_14 = arith.constant 0 : index
    %get3A_15 = arith.constant 0 : index
    %get3A_16 = arith.constant 0 : index
    %get3A_17 = vector.load %arg1[%get3A_14, %get3A_15, %get3A_16] : memref<2x1000x64xf32, #tpu.memory_space<vmem>>, vector<1x1000x64xf32>
    %get3A_18 = vector.shape_cast %get3A_17 : vector<1x1000x64xf32> to vector<1000x64xf32>
    %get3A_19 = arith.constant 1 : index
    %get3A_20 = arith.constant 0 : index
    %get3A_21 = arith.constant 0 : index
    %get3A_22 = vector.load %arg1[%get3A_19, %get3A_20, %get3A_21] : memref<2x1000x64xf32, #tpu.memory_space<vmem>>, vector<1x1000x64xf32>
    %get3A_23 = vector.shape_cast %get3A_22 : vector<1x1000x64xf32> to vector<1000x64xf32>
    %add3A_24 = arith.addf %get3A_18, %get3A_23 : vector<1000x64xf32>
    %get3A_25 = arith.constant 0 : index
    %get3A_26 = arith.constant 0 : index
    %get3A_27 = vector.load %arg2[%get3A_25, %get3A_26] : memref<1000x64xf32, #tpu.memory_space<vmem>>, vector<1000x64xf32>
    %add3A_28 = arith.addf %add3A_24, %get3A_27 : vector<1000x64xf32>
    %mul3A = vector.broadcast %rsqrt3A : vector<1000x1xf32> to vector<1000x64xf32>
    %mul3A_29 = arith.mulf %add3A_28, %mul3A : vector<1000x64xf32>
    %get3A_30 = arith.constant 0 : index
    %get3A_31 = arith.constant 0 : index
    %get3A_32 = vector.load %arg4[%get3A_30, %get3A_31] : memref<1x128xf32, #tpu.memory_space<vmem>>, vector<1x64xf32>
    %add3A_33 = vector.broadcast %get3A_32 : vector<1x64xf32> to vector<1000x64xf32>
    %add3A_34 = arith.addf %mul3A_29, %add3A_33 : vector<1000x64xf32>
    %get3A_35 = arith.constant 0 : index
    %get3A_36 = arith.constant 0 : index
    %get3A_37 = vector.load %arg5[%get3A_35, %get3A_36] : memref<128x64xf32, #tpu.memory_space<vmem>>, vector<64x64xf32>
    %dot_general3A = arith.constant dense<0.000000e+00> : vector<1000x64xf32>
    %dot_general3A_38 = tpu.matmul %add3A_34, %get3A_37, %dot_general3A {dimension_numbers = #tpu.dot_dimension_numbers<[1], [0], [0], [1], [0, 0, 1, 1], [], []>, transpose_lhs_hint = false} : vector<1000x64xf32>, vector<64x64xf32>, vector<1000x64xf32> -> vector<1000x64xf32>
    %swap3A = arith.constant 0 : index
    %swap3A_39 = arith.constant 0 : index
    %swap3A_40 = vector.load %arg6[%swap3A, %swap3A_39] : memref<1000x64xf32, #tpu.memory_space<vmem>>, vector<1000x64xf32>
    tpu.vector_store %arg6[%swap3A, %swap3A_39], %dot_general3A_38 {strides = array<i32>} : memref<1000x64xf32, #tpu.memory_space<vmem>>, vector<1000x64xf32>,
    return
  }
  func.func @transform_0(%arg0: i32) -> (i32, i32, i32) {
    %c0_i32 = arith.constant 0 : i32
    %c0_i32_0 = arith.constant 0 : i32
    %c0_i32_1 = arith.constant 0 : i32
    return %c0_i32, %arg0, %c0_i32_0 : i32, i32, i32
  }
  func.func @transform_1(%arg0: i32) -> (i32, i32) {
    %c0_i32 = arith.constant 0 : i32
    %c0_i32_0 = arith.constant 0 : i32
    return %arg0, %c0_i32 : i32, i32
  }
  func.func @transform_2(%arg0: i32) -> (i32, i32, i32) {
    %c0_i32 = arith.constant 0 : i32
    %c0_i32_0 = arith.constant 0 : i32
    %c0_i32_1 = arith.constant 0 : i32
    return %c0_i32, %arg0, %c0_i32_0 : i32, i32, i32
  }
  func.func @transform_3(%arg0: i32) -> (i32, i32) {
    %c0_i32 = arith.constant 0 : i32
    %c0_i32_0 = arith.constant 0 : i32
    %c0_i32_1 = arith.constant 0 : i32
    return %c0_i32, %c0_i32_0 : i32, i32
  }
  func.func @transform_4(%arg0: i32) -> (i32, i32) {
    %c0_i32 = arith.constant 0 : i32
    %c0_i32_0 = arith.constant 0 : i32
    %c0_i32_1 = arith.constant 0 : i32
    return %c0_i32, %c0_i32_0 : i32, i32
  }
  func.func @transform_5(%arg0: i32) -> (i32, i32) {
    %c0_i32 = arith.constant 0 : i32
    %c0_i32_0 = arith.constant 0 : i32
    return %arg0, %c0_i32 : i32, i32
  }
}

module attributes {stable_mosaic.version = 14 : i64} {
  func.func @_tc2b_body(%arg0: i32, %arg1: memref<1000x64xf32, #tpu.memory_space<vmem>>, %arg2: memref<2x1000x64xf32, #tpu.memory_space<vmem>>, %arg3: memref<1000x64xf32, #tpu.memory_space<vmem>>, %arg4: memref<2x1000x1xf32, #tpu.memory_space<vmem>>, %arg5: memref<1x128xf32, #tpu.memory_space<vmem>>, %arg6: memref<128x64xf32, #tpu.memory_space<vmem>>, %arg7: memref<1000x64xf32, #tpu.memory_space<vmem>>) attributes {dimension_semantics = [#tpu.dimension_semantics<arbitrary>], iteration_bounds = array<i64: 10>, scalar_prefetch = 0 : i64, scratch_operands = 0 : i64, tpu.core_type = #tpu.core_type<tc>, window_params = [{transform_indices = @transform_0, window_bounds = array<i64: 1000, 64>}, {transform_indices = @transform_1, window_bounds = array<i64: 2, 1000, 64>}, {transform_indices = @transform_2, window_bounds = array<i64: 1000, 64>}, {transform_indices = @transform_3, window_bounds = array<i64: 2, 1000, 1>}, {pipeline_mode = #tpu.pipeline_mode<synchronous>, transform_indices = @transform_4, window_bounds = array<i64: 1, 128>}, {pipeline_mode = #tpu.pipeline_mode<synchronous>, transform_indices = @transform_5, window_bounds = array<i64: 128, 64>}, {transform_indices = @transform_6, window_bounds = array<i64: 1000, 64>}]} {
    %get3A = arith.constant 0 : index
    %get3A_0 = arith.constant 0 : index
    %get3A_1 = arith.constant 0 : index
    %get3A_2 = vector.load %arg4[%get3A, %get3A_0, %get3A_1] : memref<2x1000x1xf32, #tpu.memory_space<vmem>>, vector<1x1000x1xf32>
    %get3A_3 = vector.shape_cast %get3A_2 : vector<1x1000x1xf32> to vector<1000x1xf32>
    %get3A_4 = arith.constant 1 : index
    %get3A_5 = arith.constant 0 : index
    %get3A_6 = arith.constant 0 : index
    %get3A_7 = vector.load %arg4[%get3A_4, %get3A_5, %get3A_6] : memref<2x1000x1xf32, #tpu.memory_space<vmem>>, vector<1x1000x1xf32>
    %get3A_8 = vector.shape_cast %get3A_7 : vector<1x1000x1xf32> to vector<1000x1xf32>
    %add3A = arith.addf %get3A_3, %get3A_8 : vector<1000x1xf32>
    %add3A_9 = arith.constant 1.000000e+00 : f32
    %add3A_10 = vector.broadcast %add3A_9 : f32 to vector<1000x1xf32>
    %add3A_11 = arith.addf %add3A, %add3A_10 : vector<1000x1xf32>
    %max3A = arith.constant 1.000000e+00 : f32
    %max3A_12 = vector.broadcast %max3A : f32 to vector<1000x1xf32>
    %max3A_13 = arith.maximumf %add3A_11, %max3A_12 : vector<1000x1xf32>
    %rsqrt3A = math.rsqrt %max3A_13 : vector<1000x1xf32>
    %get3A_14 = arith.constant 0 : index
    %get3A_15 = arith.constant 0 : index
    %get3A_16 = arith.constant 0 : index
    %get3A_17 = vector.load %arg2[%get3A_14, %get3A_15, %get3A_16] : memref<2x1000x64xf32, #tpu.memory_space<vmem>>, vector<1x1000x64xf32>
    %get3A_18 = vector.shape_cast %get3A_17 : vector<1x1000x64xf32> to vector<1000x64xf32>
    %get3A_19 = arith.constant 1 : index
    %get3A_20 = arith.constant 0 : index
    %get3A_21 = arith.constant 0 : index
    %get3A_22 = vector.load %arg2[%get3A_19, %get3A_20, %get3A_21] : memref<2x1000x64xf32, #tpu.memory_space<vmem>>, vector<1x1000x64xf32>
    %get3A_23 = vector.shape_cast %get3A_22 : vector<1x1000x64xf32> to vector<1000x64xf32>
    %add3A_24 = arith.addf %get3A_18, %get3A_23 : vector<1000x64xf32>
    %get3A_25 = arith.constant 0 : index
    %get3A_26 = arith.constant 0 : index
    %get3A_27 = vector.load %arg3[%get3A_25, %get3A_26] : memref<1000x64xf32, #tpu.memory_space<vmem>>, vector<1000x64xf32>
    %add3A_28 = arith.addf %add3A_24, %get3A_27 : vector<1000x64xf32>
    %mul3A = vector.broadcast %rsqrt3A : vector<1000x1xf32> to vector<1000x64xf32>
    %mul3A_29 = arith.mulf %add3A_28, %mul3A : vector<1000x64xf32>
    %get3A_30 = arith.constant 0 : index
    %get3A_31 = arith.constant 64 : index
    %get3A_32 = vector.load %arg5[%get3A_30, %get3A_31] : memref<1x128xf32, #tpu.memory_space<vmem>>, vector<1x64xf32>
    %add3A_33 = vector.broadcast %get3A_32 : vector<1x64xf32> to vector<1000x64xf32>
    %add3A_34 = arith.addf %mul3A_29, %add3A_33 : vector<1000x64xf32>
    %get3A_35 = arith.constant 0 : index
    %get3A_36 = arith.constant 0 : index
    %get3A_37 = vector.load %arg1[%get3A_35, %get3A_36] : memref<1000x64xf32, #tpu.memory_space<vmem>>, vector<1000x64xf32>
    %get3A_38 = arith.constant 64 : index
    %get3A_39 = arith.constant 0 : index
    %get3A_40 = vector.load %arg6[%get3A_38, %get3A_39] : memref<128x64xf32, #tpu.memory_space<vmem>>, vector<64x64xf32>
    %dot_general3A = arith.constant dense<0.000000e+00> : vector<1000x64xf32>
    %dot_general3A_41 = tpu.matmul %add3A_34, %get3A_40, %dot_general3A {dimension_numbers = #tpu.dot_dimension_numbers<[1], [0], [0], [1], [0, 0, 1, 1], [], []>, transpose_lhs_hint = false} : vector<1000x64xf32>, vector<64x64xf32>, vector<1000x64xf32> -> vector<1000x64xf32>
    %add3A_42 = arith.addf %get3A_37, %dot_general3A_41 : vector<1000x64xf32>
    %mul3A_43 = vector.broadcast %rsqrt3A : vector<1000x1xf32> to vector<1000x64xf32>
    %mul3A_44 = arith.mulf %add3A_42, %mul3A_43 : vector<1000x64xf32>
    %swap3A = arith.constant 0 : index
    %swap3A_45 = arith.constant 0 : index
    %swap3A_46 = vector.load %arg7[%swap3A, %swap3A_45] : memref<1000x64xf32, #tpu.memory_space<vmem>>, vector<1000x64xf32>
    tpu.vector_store %arg7[%swap3A, %swap3A_45], %mul3A_44 {strides = array<i32>} : memref<1000x64xf32, #tpu.memory_space<vmem>>, vector<1000x64xf32>,
    return
  }
  func.func @transform_0(%arg0: i32) -> (i32, i32) {
    %c0_i32 = arith.constant 0 : i32
    %c0_i32_0 = arith.constant 0 : i32
    return %arg0, %c0_i32 : i32, i32
  }
  func.func @transform_1(%arg0: i32) -> (i32, i32, i32) {
    %c0_i32 = arith.constant 0 : i32
    %c0_i32_0 = arith.constant 0 : i32
    %c0_i32_1 = arith.constant 0 : i32
    return %c0_i32, %arg0, %c0_i32_0 : i32, i32, i32
  }
  func.func @transform_2(%arg0: i32) -> (i32, i32) {
    %c0_i32 = arith.constant 0 : i32
    %c0_i32_0 = arith.constant 0 : i32
    return %arg0, %c0_i32 : i32, i32
  }
  func.func @transform_3(%arg0: i32) -> (i32, i32, i32) {
    %c0_i32 = arith.constant 0 : i32
    %c0_i32_0 = arith.constant 0 : i32
    %c0_i32_1 = arith.constant 0 : i32
    return %c0_i32, %arg0, %c0_i32_0 : i32, i32, i32
  }
  func.func @transform_4(%arg0: i32) -> (i32, i32) {
    %c0_i32 = arith.constant 0 : i32
    %c0_i32_0 = arith.constant 0 : i32
    %c0_i32_1 = arith.constant 0 : i32
    return %c0_i32, %c0_i32_0 : i32, i32
  }
  func.func @transform_5(%arg0: i32) -> (i32, i32) {
    %c0_i32 = arith.constant 0 : i32
    %c0_i32_0 = arith.constant 0 : i32
    %c0_i32_1 = arith.constant 0 : i32
    return %c0_i32, %c0_i32_0 : i32, i32
  }
  func.func @transform_6(%arg0: i32) -> (i32, i32) {
    %c0_i32 = arith.constant 0 : i32
    %c0_i32_0 = arith.constant 0 : i32
    return %arg0, %c0_i32 : i32, i32
  }
}

module attributes {stable_mosaic.version = 14 : i64} {
  func.func @_tc3_body(%arg0: i32, %arg1: memref<2x1000x64xf32, #tpu.memory_space<vmem>>, %arg2: memref<1000x64xf32, #tpu.memory_space<vmem>>, %arg3: memref<2x1000x1xf32, #tpu.memory_space<vmem>>, %arg4: memref<1x64xf32, #tpu.memory_space<vmem>>, %arg5: memref<64x128xf32, #tpu.memory_space<vmem>>, %arg6: memref<1x128xf32, #tpu.memory_space<vmem>>, %arg7: memref<1000x128xf32, #tpu.memory_space<vmem>>) attributes {dimension_semantics = [#tpu.dimension_semantics<arbitrary>], iteration_bounds = array<i64: 10>, scalar_prefetch = 0 : i64, scratch_operands = 0 : i64, tpu.core_type = #tpu.core_type<tc>, window_params = [{transform_indices = @transform_0, window_bounds = array<i64: 2, 1000, 64>}, {transform_indices = @transform_1, window_bounds = array<i64: 1000, 64>}, {transform_indices = @transform_2, window_bounds = array<i64: 2, 1000, 1>}, {pipeline_mode = #tpu.pipeline_mode<synchronous>, transform_indices = @transform_3, window_bounds = array<i64: 1, 64>}, {pipeline_mode = #tpu.pipeline_mode<synchronous>, transform_indices = @transform_4, window_bounds = array<i64: 64, 128>}, {pipeline_mode = #tpu.pipeline_mode<synchronous>, transform_indices = @transform_5, window_bounds = array<i64: 1, 128>}, {transform_indices = @transform_6, window_bounds = array<i64: 1000, 128>}]} {
    %get3A = arith.constant 0 : index
    %get3A_0 = arith.constant 0 : index
    %get3A_1 = arith.constant 0 : index
    %get3A_2 = vector.load %arg3[%get3A, %get3A_0, %get3A_1] : memref<2x1000x1xf32, #tpu.memory_space<vmem>>, vector<1x1000x1xf32>
    %get3A_3 = vector.shape_cast %get3A_2 : vector<1x1000x1xf32> to vector<1000x1xf32>
    %get3A_4 = arith.constant 1 : index
    %get3A_5 = arith.constant 0 : index
    %get3A_6 = arith.constant 0 : index
    %get3A_7 = vector.load %arg3[%get3A_4, %get3A_5, %get3A_6] : memref<2x1000x1xf32, #tpu.memory_space<vmem>>, vector<1x1000x1xf32>
    %get3A_8 = vector.shape_cast %get3A_7 : vector<1x1000x1xf32> to vector<1000x1xf32>
    %add3A = arith.addf %get3A_3, %get3A_8 : vector<1000x1xf32>
    %add3A_9 = arith.constant 1.000000e+00 : f32
    %add3A_10 = vector.broadcast %add3A_9 : f32 to vector<1000x1xf32>
    %add3A_11 = arith.addf %add3A, %add3A_10 : vector<1000x1xf32>
    %max3A = arith.constant 1.000000e+00 : f32
    %max3A_12 = vector.broadcast %max3A : f32 to vector<1000x1xf32>
    %max3A_13 = arith.maximumf %add3A_11, %max3A_12 : vector<1000x1xf32>
    %rsqrt3A = math.rsqrt %max3A_13 : vector<1000x1xf32>
    %get3A_14 = arith.constant 0 : index
    %get3A_15 = arith.constant 0 : index
    %get3A_16 = arith.constant 0 : index
    %get3A_17 = vector.load %arg1[%get3A_14, %get3A_15, %get3A_16] : memref<2x1000x64xf32, #tpu.memory_space<vmem>>, vector<1x1000x64xf32>
    %get3A_18 = vector.shape_cast %get3A_17 : vector<1x1000x64xf32> to vector<1000x64xf32>
    %get3A_19 = arith.constant 1 : index
    %get3A_20 = arith.constant 0 : index
    %get3A_21 = arith.constant 0 : index
    %get3A_22 = vector.load %arg1[%get3A_19, %get3A_20, %get3A_21] : memref<2x1000x64xf32, #tpu.memory_space<vmem>>, vector<1x1000x64xf32>
    %get3A_23 = vector.shape_cast %get3A_22 : vector<1x1000x64xf32> to vector<1000x64xf32>
    %add3A_24 = arith.addf %get3A_18, %get3A_23 : vector<1000x64xf32>
    %get3A_25 = arith.constant 0 : index
    %get3A_26 = arith.constant 0 : index
    %get3A_27 = vector.load %arg2[%get3A_25, %get3A_26] : memref<1000x64xf32, #tpu.memory_space<vmem>>, vector<1000x64xf32>
    %add3A_28 = arith.addf %add3A_24, %get3A_27 : vector<1000x64xf32>
    %mul3A = vector.broadcast %rsqrt3A : vector<1000x1xf32> to vector<1000x64xf32>
    %mul3A_29 = arith.mulf %add3A_28, %mul3A : vector<1000x64xf32>
    %get3A_30 = arith.constant 0 : index
    %get3A_31 = arith.constant 0 : index
    %get3A_32 = vector.load %arg4[%get3A_30, %get3A_31] : memref<1x64xf32, #tpu.memory_space<vmem>>, vector<1x64xf32>
    %add3A_33 = vector.broadcast %get3A_32 : vector<1x64xf32> to vector<1000x64xf32>
    %add3A_34 = arith.addf %mul3A_29, %add3A_33 : vector<1000x64xf32>
    %max3A_35 = arith.constant 0.000000e+00 : f32
    %max3A_36 = vector.broadcast %max3A_35 : f32 to vector<1000x64xf32>
    %max3A_37 = arith.maximumf %add3A_34, %max3A_36 : vector<1000x64xf32>
    %get3A_38 = arith.constant 0 : index
    %get3A_39 = arith.constant 0 : index
    %get3A_40 = vector.load %arg5[%get3A_38, %get3A_39] : memref<64x128xf32, #tpu.memory_space<vmem>>, vector<64x128xf32>
    %dot_general3A = arith.constant dense<0.000000e+00> : vector<1000x128xf32>
    %dot_general3A_41 = tpu.matmul %max3A_37, %get3A_40, %dot_general3A {dimension_numbers = #tpu.dot_dimension_numbers<[1], [0], [0], [1], [0, 0, 1, 1], [], []>, transpose_lhs_hint = false} : vector<1000x64xf32>, vector<64x128xf32>, vector<1000x128xf32> -> vector<1000x128xf32>
    %get3A_42 = arith.constant 0 : index
    %get3A_43 = arith.constant 0 : index
    %get3A_44 = vector.load %arg6[%get3A_42, %get3A_43] : memref<1x128xf32, #tpu.memory_space<vmem>>, vector<1x128xf32>
    %add3A_45 = vector.broadcast %get3A_44 : vector<1x128xf32> to vector<1000x128xf32>
    %add3A_46 = arith.addf %dot_general3A_41, %add3A_45 : vector<1000x128xf32>
    %swap3A = arith.constant 0 : index
    %swap3A_47 = arith.constant 0 : index
    %swap3A_48 = vector.load %arg7[%swap3A, %swap3A_47] : memref<1000x128xf32, #tpu.memory_space<vmem>>, vector<1000x128xf32>
    tpu.vector_store %arg7[%swap3A, %swap3A_47], %add3A_46 {strides = array<i32>} : memref<1000x128xf32, #tpu.memory_space<vmem>>, vector<1000x128xf32>,
    return
  }
  func.func @transform_0(%arg0: i32) -> (i32, i32, i32) {
    %c0_i32 = arith.constant 0 : i32
    %c0_i32_0 = arith.constant 0 : i32
    %c0_i32_1 = arith.constant 0 : i32
    return %c0_i32, %arg0, %c0_i32_0 : i32, i32, i32
  }
  func.func @transform_1(%arg0: i32) -> (i32, i32) {
    %c0_i32 = arith.constant 0 : i32
    %c0_i32_0 = arith.constant 0 : i32
    return %arg0, %c0_i32 : i32, i32
  }
  func.func @transform_2(%arg0: i32) -> (i32, i32, i32) {
    %c0_i32 = arith.constant 0 : i32
    %c0_i32_0 = arith.constant 0 : i32
    %c0_i32_1 = arith.constant 0 : i32
    return %c0_i32, %arg0, %c0_i32_0 : i32, i32, i32
  }
  func.func @transform_3(%arg0: i32) -> (i32, i32) {
    %c0_i32 = arith.constant 0 : i32
    %c0_i32_0 = arith.constant 0 : i32
    %c0_i32_1 = arith.constant 0 : i32
    return %c0_i32, %c0_i32_0 : i32, i32
  }
  func.func @transform_4(%arg0: i32) -> (i32, i32) {
    %c0_i32 = arith.constant 0 : i32
    %c0_i32_0 = arith.constant 0 : i32
    %c0_i32_1 = arith.constant 0 : i32
    return %c0_i32, %c0_i32_0 : i32, i32
  }
  func.func @transform_5(%arg0: i32) -> (i32, i32) {
    %c0_i32 = arith.constant 0 : i32
    %c0_i32_0 = arith.constant 0 : i32
    %c0_i32_1 = arith.constant 0 : i32
    return %c0_i32, %c0_i32_0 : i32, i32
  }
  func.func @transform_6(%arg0: i32) -> (i32, i32) {
    %c0_i32 = arith.constant 0 : i32
    %c0_i32_0 = arith.constant 0 : i32
    return %arg0, %c0_i32 : i32, i32
  }
}

</mosaic_0001>

<sc_bundles>
// kernel: kernel.11.cloned.1.call-start
scs
__scs_entry_jumppad:
0x0: {  	(pc) =	sbr.rel $0x88, $3  }
0x1: {  	(tag) =	ssettag $0x0;
	lr =	simm.s32 $0x1  }
0x2: {  	[smem:$0x3F97] =	sst lr;
	_ =	strace $0xD0000000  }
0x3: {  	_ = 	snop  }
0x4: {  	_ = 	snop  }
0x5: {  	_ = 	snop  }
0x6: {  	_ = 	snop  }
0x7: {  	_ = 	snop  }
__scs_overlays_trampoline_lowered:
0x8: {  	[smem:$0x3FA6] =	sst s0  }
0x9: {  	[smem:$0x3FA7] =	sst s1  }
0xa: {  	[smem:$0x3FA8] =	sst s2  }
0xb: {  	[smem:$0x3FA9] =	sst s3  }
0xc: {  	[smem:$0x3FAA] =	sst s4  }
0xd: {  	[smem:$0x3FAB] =	sst s5  }
0xe: {  	[smem:$0x3FAC] =	sst s6  }
0xf: {  	[smem:$0x3FAD] =	sst s7  }
0x10: {  	[smem:$0x3FAE] =	sst s8  }
0x11: {  	[smem:$0x3FAF] =	sst s9;
	s0 =	simm.s32 @!p0 $0x0  }
0x12: {  	s1 =	sld [smem:$0x3F95];
	s0 =	simm.s32 @p0 $0x1  }
0x13: {  	[smem:$0x3FB0] =	sst s0;
	s0 =	simm.s32 @!p1 $0x0  }
0x14: {  	s2 =	sld [smem:$0x3F94];
	s0 =	simm.s32 @p1 $0x1  }
0x15: {  	[smem:$0x3FB1] =	sst s0;
	s0 =	simm.s32 @!p2 $0x0  }
0x16: {  	s3 =	sld [smem:$0x3FDB];
	s0 =	simm.s32 @p2 $0x1  }
0x17: {  	s4 =	simm.s32 $0x1BF5;
	[smem:$0x3FB3] =	sst s0  }
0x18: {  	s0 =	sld [smem:$0x3F96];
	_ =	swait.ge [sflag:s4], $0x0  }
0x19: {  	s7 =	sld [smem:$0x3F97]  }
0x1a: {  	s8 =	sadd.s32 $0xFFFFE003, lr  }
0x1b: {  	s9 =	sadd.s32 $0xFFFFFEF7, lr;
	s5 =	simm.s32 $0xFFFFFFFF;
	p2 =	slt.u32 s8, $0xFFFFF086  }
0x1c: {  	p1 =	slt.u32 s9, $0xF7A;
	s5 =	simm.s32 @!p2 $0x0  }
0x1d: {  	s5 =	simm.s32 @p1 $0x1;
	p0 =	seq.s32 s7, s2  }
0x1e: {  	s7 =	smul.u32 @!p0 $0xF7A, s2;
	p2 =	seq.s32 @!p0 s5, $0x0  }
0x1f: {  	s9 =	smul.u32 $0xF7A, s1;
	s8 =	simm.s32 @!p0 $0x1BF5;
	p2 =	por !p2, p0  }
0x20: {  	[sflag:s8] =	ssyncset.s32 @!p0 $0xFFFFF086;
	s6 =	sadd.s32 @!p0 s3, s7;
	s7 =	simm.s32 @!p0 $0x108  }
0x21: {  	s3 =	sadd.s32 s3, s9;
	s6 =	sadd.s32 @!p0 $0x88, s6;
	s7 =	simm.s32 @p2 $0x1082  }
0x22: {  	[simem:s7], [sflag:s8] =	dma.local @!p0 [hbm:s6], $0xF7A  }
0x23: {  	s9 =	sor.u32 $0xD0000000, s2;
	s6 =	simm.s32 $0x108;
	_ =	swait.ge @!p0 [sflag:s8], $0x0  }
0x24: {  	s3 =	sadd.s32 $0x88, s3;
	s6 =	simm.s32 @!p1 $0x1082;
	[sflag:s4] =	ssyncset.s32 $0xFFFFF086  }
0x25: {  	[simem:s6], [sflag:s4] =	dma.local [hbm:s3], $0xF7A  }
0x26: {  	[smem:$0x3F97] =	sst s1;
	(tag) =	ssettag s2;
	_ =	strace s9  }
0x27: {  	s1 =	sld [smem:$0x3FA7]  }
0x28: {  	s2 =	sld [smem:$0x3FA8]  }
0x29: {  	s4 =	sld [smem:$0x3FAA]  }
0x2a: {  	p0 =	seq.s32 s5, $0x0;
	s5 =	sld [smem:$0x3FAB]  }
0x2b: {  	s6 =	sld [smem:$0x3FAC]  }
0x2c: {  	s7 =	sld [smem:$0x3FAD]  }
0x2d: {  	s3 =	simm.s32 $0x108;
	s8 =	sld [smem:$0x3FAE]  }
0x2e: {  	s3 =	simm.s32 @!p0 $0x1082;
	s9 =	sld [smem:$0x3FAF]  }
0x2f: {  	lr =	sadd.s32 s0, s3;
	s0 =	sld [smem:$0x3FA6]  }
0x30: {  	s3 =	sld [smem:$0x3FA9]  }
0x31: {  	[smem:$0x3FB2] =	sst s10  }
0x32: {  	s10 =	sld [smem:$0x3FB0];
	_ =	sdelay $0x3  }
0x33: {  	p0 =	seq.s32 s10, $0x1;
	s10 =	sld [smem:$0x3FB2];
	_ =	sdelay $0x3  }
0x34: {  	[smem:$0x3FB2] =	sst s10  }
0x35: {  	s10 =	sld [smem:$0x3FB1];
	_ =	sdelay $0x3  }
0x36: {  	p1 =	seq.s32 s10, $0x1;
	s10 =	sld [smem:$0x3FB2];
	_ =	sdelay $0x3  }
0x37: {  	[smem:$0x3FB2] =	sst s10  }
0x38: {  	s10 =	sld [smem:$0x3FB3]  }
0x39: {  	_ = 	snop;
	(pc) =	sbr.ind lr, $3  }
0x3a: {  	_ = 	snop  }
0x3b: {  	_ = 	snop  }
0x3c: {  	p2 =	seq.s32 s10, $0x1;
	s10 =	sld [smem:$0x3FB2]  }
0x3d: {  	_ =	shalt  }
0x3e: {  	_ =	shalt  }
0x3f: {  	_ =	shalt  }
0x40: {  	_ =	shalt  }
0x41: {  	_ =	shalt  }
0x42: {  	_ =	shalt  }
0x43: {  	_ =	shalt  }
0x44: {  	_ =	shalt  }
0x45: {  	_ =	shalt  }
0x46: {  	_ =	shalt  }
0x47: {  	_ =	shalt  }
0x48: {  	_ =	shalt  }
0x49: {  	_ =	shalt  }
0x4a: {  	_ =	shalt  }
0x4b: {  	_ =	shalt  }
0x4c: {  	_ =	shalt  }
0x4d: {  	_ =	shalt  }
0x4e: {  	_ =	shalt  }
0x4f: {  	_ =	shalt  }
0x50: {  	_ =	shalt  }
0x51: {  	_ =	shalt  }
0x52: {  	_ =	shalt  }
0x53: {  	_ =	shalt  }
0x54: {  	_ =	shalt  }
0x55: {  	_ =	shalt  }
0x56: {  	_ =	shalt  }
0x57: {  	_ =	shalt  }
0x58: {  	_ =	shalt  }
0x59: {  	_ =	shalt  }
0x5a: {  	_ =	shalt  }
0x5b: {  	_ =	shalt  }
0x5c: {  	_ =	shalt  }
0x5d: {  	_ =	shalt  }
0x5e: {  	_ =	shalt  }
0x5f: {  	_ =	shalt  }
0x60: {  	_ =	shalt  }
0x61: {  	_ =	shalt  }
0x62: {  	_ =	shalt  }
0x63: {  	_ =	shalt  }
0x64: {  	_ =	shalt  }
0x65: {  	_ =	shalt  }
0x66: {  	_ =	shalt  }
0x67: {  	_ =	shalt  }
0x68: {  	_ =	shalt  }
0x69: {  	_ =	shalt  }
0x6a: {  	_ =	shalt  }
0x6b: {  	_ =	shalt  }
0x6c: {  	_ =	shalt  }
0x6d: {  	_ =	shalt  }
0x6e: {  	_ =	shalt  }
0x6f: {  	_ =	shalt  }
0x70: {  	_ =	shalt  }
0x71: {  	_ =	shalt  }
0x72: {  	_ =	shalt  }
0x73: {  	_ =	shalt  }
0x74: {  	_ =	shalt  }
0x75: {  	_ =	shalt  }
0x76: {  	_ =	shalt  }
0x77: {  	_ =	shalt  }
0x78: {  	_ =	shalt  }
0x79: {  	_ =	shalt  }
0x7a: {  	_ =	shalt  }
0x7b: {  	_ =	shalt  }
0x7c: {  	_ =	shalt  }
0x7d: {  	_ =	shalt  }
0x7e: {  	_ =	shalt  }
0x7f: {  	_ =	shalt  }
0x80: {  	_ =	shalt  }
0x81: {  	_ =	shalt  }
0x82: {  	_ =	shalt  }
0x83: {  	_ =	shalt  }
0x84: {  	_ =	shalt  }
0x85: {  	_ =	shalt  }
0x86: {  	_ =	shalt  }
0x87: {  	_ =	shalt  }
.Lfunc_end0:
.L_simem_size_0:
called_computation_lowered:
.L_overlay_start_0:
0x88: {  	s2 =	sld [smem:$0x3FD9]  }
0x89: {  	s3 =	sld [smem:$0x3FFE];
	_ =	sdelay $0x1  }
0x8a: {  	s1 =	srdreg.scid  }
0x8b: {  	s0 =	sand.u32 $0x1, s1  }
0x8c: {  	s14 =	sshll.u32 s0, $0xA;
	s2 =	sadd.s32 s3, s2  }
0x8d: {  	s2 =	sadd.s32 s2, s14  }
0x8e: {  	[smem:$0x3FBE] =	sst s2  }
0x8f: {  	_ = 	snop  }
0x90: {  	s2 =	sld [smem:$0x3FD0];
	_ =	sdelay $0x2  }
0x91: {  	s15 =	simm.s32 $0xB;
	s4 =	simm.s32 $0x10  }
0x92: {  	[smem:s4], [sflag:s15] =	dma.local [hbm:s2], $0x1  }
0x93: {  	_ =	swait.eq [sflag:s15], $0x1  }
0x94: {  	[sflag:s15] =	ssyncset.done $0x0  }
0x95: {  	[sflag:s15] =	ssyncadd.s32 $0xFFFFFFFF  }
0x96: {  	s16 =	sld [smem:$0x11];
	(tm) =	ssettm $0x1  }
0x97: {  	s17 =	sld [smem:$0x3FFB];
	_ =	sdelay $0x3  }
0x98: {  	_ =	strace s17  }
0x99: {  	s3 =	sld [smem:$0x3FFC];
	_ =	sdelay $0x3  }
0x9a: {  	_ =	strace s3  }
0x9b: {  	s3 =	sld [smem:$0x3FFD];
	_ =	sdelay $0x3  }
0x9c: {  	_ =	strace s3  }
0x9d: {  	_ =	strace $0x8FFFFFFF  }
0x9e: {  	s18 =	sld [smem:$0x3FDB];
	_ =	sdelay $0x1  }
0x9f: {  	s19 =	simm.s32 $_scs_section_size  }
0xa0: {  	s5 =	simm.s32 $_size__tile_overlayer_lowered;
	s6 =	simm.s32 $_tile_overlayer_lowered  }
0xa1: {  	s22 =	simm.s32 $0x1BFF;
	s21 =	sshll.u32 s6, $0x1;
	s3 =	sadd.s32 s19, s18  }
0xa2: {  	s7 =	simm.s32 $0x0;
	s20 =	sshll.u32 s5, $0x1;
	s5 =	sadd.s32 s21, s3  }
0xa3: {  	[timem:s7], [sflag:s22] =	dma.local [hbm:s5], s20  }
0xa4: {  	_ =	swait.ge [sflag:s22], s20  }
0xa5: {  	s4 =	ssub.s32 $0x0, s20;
	[sflag:s22] =	ssyncset.done $0x0  }
0xa6: {  	[sflag:s22] =	ssyncadd.s32 s4;
	_ =	sdelay $0x1  }
0xa7: {  	s23 =	simm.s32 $0x1B8B  }
0xa8: {  	_ =	swait.ge [sflag:s23], $0x1  }
0xa9: {  	[sflag:s23] =	ssyncset.done $0x0  }
0xaa: {  	s25 =	simm.s32 $0x1B8E;
	s24 =	sld [smem:$0x3FFE];
	[sflag:s23] =	ssyncadd.s32 $0xFFFFFFFF  }
0xab: {  	s26 =	simm.s32 $execute0_lowered;
	[smem:$0x3FD2] =	sst s25  }
0xac: {  	s5 =	sshll.u32 s26, $0x1;
	_ =	strace $0x80000046;
	[dreg:$0x1] =	wrdreg $0xFFFFFFFF  }
0xad: {  	s28 =	simm.s32 $_size_execute0_lowered;
	s3 =	sadd.s32 s3, s5;
	[dreg:$0x0] =	wrdreg $0x0  }
0xae: {  	s5 =	sshll.u32 s28, $0x1;
	[dreg:$0x2] =	wrdreg s3  }
0xaf: {  	[dreg:$0x3] =	wrdreg s5  }
0xb0: {  	[dreg:$0x4] =	wrdreg $0xC0  }
0xb1: {  	_ =	task [dreg:s7], $0x5FFFF  }
0xb2: {  	[dreg:$0x1] =	wrdreg $0xFFFFFFFF  }
0xb3: {  	[dreg:$0x0] =	wrdreg $0x60  }
0xb4: {  	[dreg:$0x2] =	wrdreg s16  }
0xb5: {  	[dreg:$0x3] =	wrdreg s24  }
0xb6: {  	[dreg:$0x4] =	wrdreg $0x29800  }
0xb7: {  	[dreg:$0x5] =	wrdreg $0x2C000  }
0xb8: {  	[dreg:$0x6] =	wrdreg $0x9  }
0xb9: {  	_ =	task.clear_ibuf [dreg:s7], $0x7FFFF;
	_ =	strace $0x90000046  }
0xba: {  	s29 =	simm.s32 $0x9;
	_ =	strace $0x80000048  }
0xbb: {  	_ =	swait.ge [sflag:s29], $0x1  }
0xbc: {  	[sflag:s29] =	ssyncadd.s32 $0xFFFFFFFF  }
0xbd: {  	_ =	strace $0x90000048  }
0xbe: {  	_ =	sfence  }
0xbf: {  	s30 =	sld [smem:$0x0];
	_ =	sdelay $0x2  }
0xc0: {  	s31 =	sshll.u32 s1, $0xD;
	s1 =	sshrl.u32 s1, $0x2  }
0xc1: {  	s3 =	sand.u32 $0x4000, s31;
	s1 =	sadd.s32 s1, s30  }
0xc2: {  	s0 =	sor.u32 s3, s0;
	s1 =	sshll.u32 s1, $0x11  }
0xc3: {  	s0 =	sor.u32 s1, s0  }
0xc4: {  	s0 =	sadd.s32 $0x8F2B, s0  }
0xc5: {  	[sflag:s0] =	ssyncadd.remote.s32 $0x1  }
0xc6: {  	_ =	sfence.sel $0xFFFF  }
0xc7: {  	[dreg:$0x0] =	wrdreg $0xFFFFFFFF;
	(pc) =	sbr.abs _section_cstart, $3  }
0xc8: {  	[dreg:$0x1] =	wrdreg $0xFFFFFFFF  }
0xc9: {  	_ =	task.clear_ibuf [dreg:s7], $0x2FFFF;
	_ =	strace $0x9FFFFFFF  }
0xca: {  	(tm) =	ssettm $0x7FFFFFFF  }
0xcb: {  	_ =	shalt  }
tec
execute0_lowered:
.L_overlay_start_1:
0x0: {  	(tag) =	ssettag $0x1  }
0x1: {  	s5 =	rddreg [dreg:$0x0]  }
0x2: {  	s6 =	rddreg [dreg:$0x1]  }
0x3: {  	s1 =	rddreg [dreg:$0x2]  }
0x4: {  	s2 =	rddreg [dreg:$0x3]  }
0x5: {  	s0 =	rddreg [dreg:$0x4];
	s4 =	simm.s32 $0x0  }
0x6: {  	s3 =	stileid.u32;
	s8 =	srdreg.scid;
	s16 =	simm.s32 $0x1  }
0x7: {  	s17 =	simm.s32 $0x2;
	s18 =	simm.s32 $0x80;
	s19 =	simm.s32 $0x2900  }
0x8: {  	s20 =	simm.s32 $0x3;
	s21 =	simm.s32 $0x2880;
	[smem:$0x7FF] =	sst s4  }
0x9: {  	s7 =	sshll.u32 s3, $0x5;
	s9 =	smul.u32 $0x280, s3;
	s8 =	sand.u32 $0x1, s8  }
0xa: {  	s10 =	smul.u32 $0x500, s3;
	s22 =	sshll.u32 s3, $0x6;
	_ =	strace $0x80000047  }
0xb: {  	s7 =	sand.u32 $0x60, s7;
	s11 =	sshll.u32 s8, $0x7;
	s12 =	sshll.u32 s8, $0x4  }
0xc: {  	s26 =	ssub.s32 $0x2, s8;
	s14 =	sor.u32 $0x1C02, s22;
	s7 =	sadd.s32 s7, s6  }
0xd: {  	s13 =	sshrl.u32 s9, $0x3;
	s10 =	sor.u32 s11, s10;
	s23 =	sor.u32 s3, s12  }
0xe: {  	s29 =	sshrl.u32 s26, $0x1;
	s31 =	sadd.s32 s9, s1;
	s15 =	sadd.s32 s9, s2  }
0xf: {  	s12 =	simm.s32 $0x2800;
	s24 =	sadd.s32 s13, s6;
	s10 =	sshrl.u32 s10, $0x3  }
0x10: {  	s25 =	smul.u32 $0x2800, s23;
	s28 =	sshll.u32 s23, $0x5;
	s11 =	ssub.s32 s26, s29  }
0x11: {  	s15 =	sshrl.u32 s15, $0x3;
	s23 =	simm.s32 $0x20;
	s10 =	sadd.s32 s10, s6  }
0x12: {  	s8 =	sand.u32 $0x380, s28;
	s11 =	smax.u32 s11, $0x1;
	s13 =	sshrl.u32 s25, $0x3  }
0x13: {  	s30 =	sadd.s32 s8, s7;
	s7 =	sadd.s32 $0x4000, s24;
	s8 =	sor.u32 $0x1C01, s22  }
0x14: {  	s9 =	sadd.s32 $0x4600, s10;
	s10 =	sadd.s32 $0x5000, s10;
	s22 =	sor.u32 $0x1C03, s22  }
0x15: {  	s24 =	simm.s32 $0x10;
	s25 =	simm.s32 $0x0;
	s5 =	sadd.s32 s5, s13  }
0x16: {  	v0 =	vimm.f32 $1.000000000e+00;
	s6 =	sadd.s32 $0x3C00, s30;
	s13 =	sshrl.u32 s31, $0x3;
	s5 =	sadd.s32 $0xA000, s5  }
.LBB2_1:
0x17: {  	[tilespmem:s4], [sflag:$0x1] =	stream.linear.gather [hbm4b:s5+s4], $0x2800, $0x38;
	[tilespmem:$0x2E80] =	vst v63  }
0x18: {  	_ = 	snop  }
0x19: {  	[tilespmem:s12], [sflag:$0x2] =	stream.linear.gather [hbm4b:s6+s4], $0x100, $0x38;
	[tilespmem:$0x2E80] =	vst v63  }
0x1a: {  	[spmem:s13], [sflag:s8] =	dma.local [hbm:s7], $0x50  }
0x1b: {  	[spmem:s15], [sflag:s14] =	dma.local [hbm:s7], $0x50;
	[tilespmem:$0x2900] =	vst v0  }
0x1c: {  	[tilespmem:$0x2910] =	vst v0  }
0x1d: {  	[tilespmem:$0x2920] =	vst v0  }
0x1e: {  	[tilespmem:$0x2930] =	vst v0  }
0x1f: {  	[tilespmem:$0x2940] =	vst v0  }
0x20: {  	[tilespmem:$0x2950] =	vst v0  }
0x21: {  	[tilespmem:$0x2960] =	vst v0  }
0x22: {  	[tilespmem:$0x2970] =	vst v0  }
0x23: {  	_ =	swait.ge [sflag:s16], $0x2800  }
0x24: {  	[sflag:s16] =	ssyncset.done $0x0  }
0x25: {  	[sflag:s16] =	ssyncadd.s32 $0xFFFFD800  }
0x26: {  	_ =	swait.ge [sflag:s17], $0x100  }
0x27: {  	[sflag:s17] =	ssyncset.done $0x0  }
0x28: {  	[sflag:s17] =	ssyncadd.s32 $0xFFFFFF00  }
0x29: {  	_ =	swait.ge [sflag:s16], $0x50  }
0x2a: {  	[sflag:s16] =	ssyncset.done $0x0  }
0x2b: {  	[sflag:s16] =	ssyncadd.s32 $0xFFFFFFB0  }
0x2c: {  	_ =	swait.ge [sflag:s17], $0x50  }
0x2d: {  	[sflag:s17] =	ssyncset.done $0x0  }
0x2e: {  	[sflag:s17] =	ssyncadd.s32 $0xFFFFFFB0  }
0x2f: {  	s26 =	simm.s32 $0x0;
	[bflag:$0x0] =	sbarrier.arrive $0xFFFF  }
0x30: {  	[spmem:s1] =	stream.indirect.scatter.add.f32 [tilespmem:s19], [sflag:$0x3], $0x1, s26, s18, $0xb8;
	[tilespmem:$0x2E80] =	vst v63  }
0x31: {  	_ =	swait.ge [sflag:s20], $0x80  }
0x32: {  	s26 =	simm.s32 $0x200;
	[sflag:s20] =	ssyncset.done $0x0  }
.LBB2_2:
0x33: {  	s28 =	sshra.s32 s26, $0x2;
	[sflag:s20] =	ssyncadd.s32 $0xFFFFFF80;
	p0 =	sne.s32 s26, $0x9E00  }
0x34: {  	[spmem:s1] =	stream.indirect.scatter.add.f32 [tilespmem:s19], [sflag:$0x3], $0x1, s28, s18, $0xb8;
	[tilespmem:$0x2E80] =	vst v63  }
.Ltmp0:
0x35: {  	_ = 	snop;
	(pc) =	sbr.rel @p0 .LBB2_2-.Ltmp0, $4  }
0x36: {  	_ = 	snop  }
0x37: {  	s26 =	sadd.s32 $0x200, s26  }
0x38: {  	_ =	swait.ge [sflag:s20], $0x80  }
0x39: {  	[sflag:s20] =	ssyncset.done $0x0  }
0x3a: {  	[sflag:s20] =	ssyncadd.s32 $0xFFFFFF80  }
0x3b: {  	[spmem:s2] =	stream.indirect.scatter.add.f32 [tilespmem:s19], [sflag:$0x3], $0x1, s12, s18, $0xb8;
	[tilespmem:$0x2E80] =	vst v63  }
0x3c: {  	_ =	swait.ge [sflag:s20], $0x80  }
0x3d: {  	[sflag:s20] =	ssyncset.done $0x0  }
0x3e: {  	[sflag:s20] =	ssyncadd.s32 $0xFFFFFF80  }
0x3f: {  	[spmem:s2] =	stream.indirect.scatter.add.f32 [tilespmem:s19], [sflag:$0x3], $0x1, s21, s18, $0xb8;
	[tilespmem:$0x2E80] =	vst v63  }
0x40: {  	_ =	swait.ge [sflag:s20], $0x80  }
0x41: {  	[sflag:s20] =	ssyncset.done $0x0  }
0x42: {  	[sflag:s20] =	ssyncadd.s32 $0xFFFFFF80  }
0x43: {  	[bflag:$0x0] =	sbarrier.arrive $0xFFFF  }
0x44: {  	[hbm:s9@s23], [sflag:s22] =	dma.strided [spmem:s13@s24], $0x50, s16, $0x10   }
0x45: {  	s25 =	sadd.s32 $0x1, s25;
	_ =	swait.ge [sflag:s20], $0x50  }
0x46: {  	p0 =	sne.s32 s25, s11;
	[sflag:s20] =	ssyncset.done $0x0  }
.Ltmp1:
0x47: {  	[sflag:s20] =	ssyncadd.s32 $0xFFFFFFB0;
	(pc) =	sbr.rel @p0 .LBB2_1-.Ltmp1, $4  }
0x48: {  	[hbm:s10@s23], [sflag:s22] =	dma.strided [spmem:s15@s24], $0x50, s16, $0x10   }
0x49: {  	_ =	swait.ge [sflag:s20], $0x50  }
0x4a: {  	[sflag:s20] =	ssyncset.done $0x0  }
0x4b: {  	[sflag:s20] =	ssyncadd.s32 $0xFFFFFFB0  }
0x4c: {  	_ =	sfence.sel $0x180000  }
0x4d: {  	[bflag:$0x0] =	sbarrier.arrive $0xFFFF  }
0x4e: {  	p0 =	sne.s32 s3, $0x0;
	_ =	strace $0x90000047  }
0x4f: {  	s0 =	sadd.s32 @!p0 $0x100000, s0;
	[bflag:$0x2] =	sbarrier.arrive $0xFFFF  }
0x50: {  	[sflag:s0] =	ssyncadd.tile.s32 @!p0 $0x1;
	_ =	shalt  }
.Lfunc_end2:
_tile_overlayer_lowered:
.L_overlay_start_2:
0x51: {  	(tag) =	ssettag $0x2  }
0x52: {  	s0 =	rddreg [dreg:$0x0];
	s2 =	stileid.u32  }
0x53: {  	s1 =	rddreg [dreg:$0x1];
	p0 =	sne.s32 s2, $0x0  }
0x54: {  	s3 =	rddreg [dreg:$0x2];
	[bflag:$0x3] =	sbarrier.arrive $0xFFFF;
	s2 =	simm.s32 @!p0 $0x1C03  }
0x55: {  	[timem:s3], [sflag:s2] =	dma.local @!p0 [hbm:s0], s1  }
0x56: {  	s0 =	simm.s32 @!p0 $0x3  }
0x57: {  	_ =	swait.ge @!p0 [sflag:s0], s1  }
0x58: {  	s1 =	ssub.s32 @!p0 $0x0, s1;
	[sflag:s0] =	ssyncset.done @!p0 $0x0  }
0x59: {  	[sflag:s0] =	ssyncadd.s32 @!p0 s1  }
0x5a: {  	[bflag:$0x3] =	sbarrier.arrive $0xFFFF  }
0x5b: {  	_ =	shalt  }

// kernel: kernel.14.cloned.1.call-start
scs
__scs_entry_jumppad:
0x0: {  	(pc) =	sbr.rel $0x88, $3  }
0x1: {  	(tag) =	ssettag $0x0;
	lr =	simm.s32 $0x1  }
0x2: {  	[smem:$0x3F97] =	sst lr;
	_ =	strace $0xD0000000  }
0x3: {  	_ = 	snop  }
0x4: {  	_ = 	snop  }
0x5: {  	_ = 	snop  }
0x6: {  	_ = 	snop  }
0x7: {  	_ = 	snop  }
__scs_overlays_trampoline_lowered:
0x8: {  	[smem:$0x3FA6] =	sst s0  }
0x9: {  	[smem:$0x3FA7] =	sst s1  }
0xa: {  	[smem:$0x3FA8] =	sst s2  }
0xb: {  	[smem:$0x3FA9] =	sst s3  }
0xc: {  	[smem:$0x3FAA] =	sst s4  }
0xd: {  	[smem:$0x3FAB] =	sst s5  }
0xe: {  	[smem:$0x3FAC] =	sst s6  }
0xf: {  	[smem:$0x3FAD] =	sst s7  }
0x10: {  	[smem:$0x3FAE] =	sst s8  }
0x11: {  	[smem:$0x3FAF] =	sst s9;
	s0 =	simm.s32 @!p0 $0x0  }
0x12: {  	s1 =	sld [smem:$0x3F95];
	s0 =	simm.s32 @p0 $0x1  }
0x13: {  	[smem:$0x3FB0] =	sst s0;
	s0 =	simm.s32 @!p1 $0x0  }
0x14: {  	s2 =	sld [smem:$0x3F94];
	s0 =	simm.s32 @p1 $0x1  }
0x15: {  	[smem:$0x3FB1] =	sst s0;
	s0 =	simm.s32 @!p2 $0x0  }
0x16: {  	s3 =	sld [smem:$0x3FDB];
	s0 =	simm.s32 @p2 $0x1  }
0x17: {  	s4 =	simm.s32 $0x1BF5;
	[smem:$0x3FB3] =	sst s0  }
0x18: {  	s0 =	sld [smem:$0x3F96];
	_ =	swait.ge [sflag:s4], $0x0  }
0x19: {  	s7 =	sld [smem:$0x3F97]  }
0x1a: {  	s8 =	sadd.s32 $0xFFFFE003, lr  }
0x1b: {  	s9 =	sadd.s32 $0xFFFFFEF7, lr;
	s5 =	simm.s32 $0xFFFFFFFF;
	p2 =	slt.u32 s8, $0xFFFFF086  }
0x1c: {  	p1 =	slt.u32 s9, $0xF7A;
	s5 =	simm.s32 @!p2 $0x0  }
0x1d: {  	s5 =	simm.s32 @p1 $0x1;
	p0 =	seq.s32 s7, s2  }
0x1e: {  	s7 =	smul.u32 @!p0 $0xF7A, s2;
	p2 =	seq.s32 @!p0 s5, $0x0  }
0x1f: {  	s9 =	smul.u32 $0xF7A, s1;
	s8 =	simm.s32 @!p0 $0x1BF5;
	p2 =	por !p2, p0  }
0x20: {  	[sflag:s8] =	ssyncset.s32 @!p0 $0xFFFFF086;
	s6 =	sadd.s32 @!p0 s3, s7;
	s7 =	simm.s32 @!p0 $0x108  }
0x21: {  	s3 =	sadd.s32 s3, s9;
	s6 =	sadd.s32 @!p0 $0x88, s6;
	s7 =	simm.s32 @p2 $0x1082  }
0x22: {  	[simem:s7], [sflag:s8] =	dma.local @!p0 [hbm:s6], $0xF7A  }
0x23: {  	s9 =	sor.u32 $0xD0000000, s2;
	s6 =	simm.s32 $0x108;
	_ =	swait.ge @!p0 [sflag:s8], $0x0  }
0x24: {  	s3 =	sadd.s32 $0x88, s3;
	s6 =	simm.s32 @!p1 $0x1082;
	[sflag:s4] =	ssyncset.s32 $0xFFFFF086  }
0x25: {  	[simem:s6], [sflag:s4] =	dma.local [hbm:s3], $0xF7A  }
0x26: {  	[smem:$0x3F97] =	sst s1;
	(tag) =	ssettag s2;
	_ =	strace s9  }
0x27: {  	s1 =	sld [smem:$0x3FA7]  }
0x28: {  	s2 =	sld [smem:$0x3FA8]  }
0x29: {  	s4 =	sld [smem:$0x3FAA]  }
0x2a: {  	p0 =	seq.s32 s5, $0x0;
	s5 =	sld [smem:$0x3FAB]  }
0x2b: {  	s6 =	sld [smem:$0x3FAC]  }
0x2c: {  	s7 =	sld [smem:$0x3FAD]  }
0x2d: {  	s3 =	simm.s32 $0x108;
	s8 =	sld [smem:$0x3FAE]  }
0x2e: {  	s3 =	simm.s32 @!p0 $0x1082;
	s9 =	sld [smem:$0x3FAF]  }
0x2f: {  	lr =	sadd.s32 s0, s3;
	s0 =	sld [smem:$0x3FA6]  }
0x30: {  	s3 =	sld [smem:$0x3FA9]  }
0x31: {  	[smem:$0x3FB2] =	sst s10  }
0x32: {  	s10 =	sld [smem:$0x3FB0];
	_ =	sdelay $0x3  }
0x33: {  	p0 =	seq.s32 s10, $0x1;
	s10 =	sld [smem:$0x3FB2];
	_ =	sdelay $0x3  }
0x34: {  	[smem:$0x3FB2] =	sst s10  }
0x35: {  	s10 =	sld [smem:$0x3FB1];
	_ =	sdelay $0x3  }
0x36: {  	p1 =	seq.s32 s10, $0x1;
	s10 =	sld [smem:$0x3FB2];
	_ =	sdelay $0x3  }
0x37: {  	[smem:$0x3FB2] =	sst s10  }
0x38: {  	s10 =	sld [smem:$0x3FB3]  }
0x39: {  	_ = 	snop;
	(pc) =	sbr.ind lr, $3  }
0x3a: {  	_ = 	snop  }
0x3b: {  	_ = 	snop  }
0x3c: {  	p2 =	seq.s32 s10, $0x1;
	s10 =	sld [smem:$0x3FB2]  }
0x3d: {  	_ =	shalt  }
0x3e: {  	_ =	shalt  }
0x3f: {  	_ =	shalt  }
0x40: {  	_ =	shalt  }
0x41: {  	_ =	shalt  }
0x42: {  	_ =	shalt  }
0x43: {  	_ =	shalt  }
0x44: {  	_ =	shalt  }
0x45: {  	_ =	shalt  }
0x46: {  	_ =	shalt  }
0x47: {  	_ =	shalt  }
0x48: {  	_ =	shalt  }
0x49: {  	_ =	shalt  }
0x4a: {  	_ =	shalt  }
0x4b: {  	_ =	shalt  }
0x4c: {  	_ =	shalt  }
0x4d: {  	_ =	shalt  }
0x4e: {  	_ =	shalt  }
0x4f: {  	_ =	shalt  }
0x50: {  	_ =	shalt  }
0x51: {  	_ =	shalt  }
0x52: {  	_ =	shalt  }
0x53: {  	_ =	shalt  }
0x54: {  	_ =	shalt  }
0x55: {  	_ =	shalt  }
0x56: {  	_ =	shalt  }
0x57: {  	_ =	shalt  }
0x58: {  	_ =	shalt  }
0x59: {  	_ =	shalt  }
0x5a: {  	_ =	shalt  }
0x5b: {  	_ =	shalt  }
0x5c: {  	_ =	shalt  }
0x5d: {  	_ =	shalt  }
0x5e: {  	_ =	shalt  }
0x5f: {  	_ =	shalt  }
0x60: {  	_ =	shalt  }
0x61: {  	_ =	shalt  }
0x62: {  	_ =	shalt  }
0x63: {  	_ =	shalt  }
0x64: {  	_ =	shalt  }
0x65: {  	_ =	shalt  }
0x66: {  	_ =	shalt  }
0x67: {  	_ =	shalt  }
0x68: {  	_ =	shalt  }
0x69: {  	_ =	shalt  }
0x6a: {  	_ =	shalt  }
0x6b: {  	_ =	shalt  }
0x6c: {  	_ =	shalt  }
0x6d: {  	_ =	shalt  }
0x6e: {  	_ =	shalt  }
0x6f: {  	_ =	shalt  }
0x70: {  	_ =	shalt  }
0x71: {  	_ =	shalt  }
0x72: {  	_ =	shalt  }
0x73: {  	_ =	shalt  }
0x74: {  	_ =	shalt  }
0x75: {  	_ =	shalt  }
0x76: {  	_ =	shalt  }
0x77: {  	_ =	shalt  }
0x78: {  	_ =	shalt  }
0x79: {  	_ =	shalt  }
0x7a: {  	_ =	shalt  }
0x7b: {  	_ =	shalt  }
0x7c: {  	_ =	shalt  }
0x7d: {  	_ =	shalt  }
0x7e: {  	_ =	shalt  }
0x7f: {  	_ =	shalt  }
0x80: {  	_ =	shalt  }
0x81: {  	_ =	shalt  }
0x82: {  	_ =	shalt  }
0x83: {  	_ =	shalt  }
0x84: {  	_ =	shalt  }
0x85: {  	_ =	shalt  }
0x86: {  	_ =	shalt  }
0x87: {  	_ =	shalt  }
.Lfunc_end0:
.L_simem_size_0:
called_computation.1_lowered:
.L_overlay_start_0:
0x88: {  	s2 =	sld [smem:$0x3FD9]  }
0x89: {  	s3 =	sld [smem:$0x3FFE];
	_ =	sdelay $0x1  }
0x8a: {  	s1 =	srdreg.scid  }
0x8b: {  	s0 =	sand.u32 $0x1, s1  }
0x8c: {  	s14 =	sshll.u32 s0, $0xA;
	s2 =	sadd.s32 s3, s2  }
0x8d: {  	s2 =	sadd.s32 s2, s14  }
0x8e: {  	[smem:$0x3FBE] =	sst s2  }
0x8f: {  	_ = 	snop  }
0x90: {  	s2 =	sld [smem:$0x3FD0];
	_ =	sdelay $0x2  }
0x91: {  	s15 =	simm.s32 $0xB;
	s4 =	simm.s32 $0x10  }
0x92: {  	[smem:s4], [sflag:s15] =	dma.local [hbm:s2], $0x1  }
0x93: {  	_ =	swait.eq [sflag:s15], $0x1  }
0x94: {  	[sflag:s15] =	ssyncset.done $0x0  }
0x95: {  	s16 =	sld [smem:$0x10];
	[sflag:s15] =	ssyncadd.s32 $0xFFFFFFFF  }
0x96: {  	s17 =	sld [smem:$0x11];
	(tm) =	ssettm $0x1  }
0x97: {  	s18 =	sld [smem:$0x3FFB];
	_ =	sdelay $0x3  }
0x98: {  	_ =	strace s18  }
0x99: {  	s4 =	sld [smem:$0x3FFC];
	_ =	sdelay $0x3  }
0x9a: {  	_ =	strace s4  }
0x9b: {  	s4 =	sld [smem:$0x3FFD];
	_ =	sdelay $0x3  }
0x9c: {  	_ =	strace s4  }
0x9d: {  	_ =	strace $0x8FFFFFFF  }
0x9e: {  	s19 =	sld [smem:$0x3FDB];
	_ =	sdelay $0x1  }
0x9f: {  	s5 =	simm.s32 $_scs_section_size  }
0xa0: {  	s6 =	simm.s32 $_size__tile_overlayer_lowered;
	s7 =	simm.s32 $_tile_overlayer_lowered  }
0xa1: {  	s22 =	simm.s32 $0x1BFF;
	s21 =	sshll.u32 s7, $0x1;
	s4 =	sadd.s32 s5, s19  }
0xa2: {  	s8 =	simm.s32 $0x0;
	s20 =	sshll.u32 s6, $0x1;
	s6 =	sadd.s32 s21, s4  }
0xa3: {  	[timem:s8], [sflag:s22] =	dma.local [hbm:s6], s20  }
0xa4: {  	_ =	swait.ge [sflag:s22], s20  }
0xa5: {  	s5 =	ssub.s32 $0x0, s20;
	[sflag:s22] =	ssyncset.done $0x0  }
0xa6: {  	[sflag:s22] =	ssyncadd.s32 s5;
	_ =	sdelay $0x1  }
0xa7: {  	s23 =	simm.s32 $0x1B8B  }
0xa8: {  	_ =	swait.ge [sflag:s23], $0x1  }
0xa9: {  	[sflag:s23] =	ssyncset.done $0x0  }
0xaa: {  	s25 =	simm.s32 $0x1B8E;
	s24 =	sld [smem:$0x3FFE];
	[sflag:s23] =	ssyncadd.s32 $0xFFFFFFFF  }
0xab: {  	s26 =	simm.s32 $execute0_lowered;
	[smem:$0x3FD2] =	sst s25  }
0xac: {  	s6 =	sshll.u32 s26, $0x1;
	_ =	strace $0x80000049;
	[dreg:$0x1] =	wrdreg $0xFFFFFFFF  }
0xad: {  	s28 =	simm.s32 $_size_execute0_lowered;
	s4 =	sadd.s32 s4, s6;
	[dreg:$0x0] =	wrdreg $0x0  }
0xae: {  	s6 =	sshll.u32 s28, $0x1;
	[dreg:$0x2] =	wrdreg s4  }
0xaf: {  	[dreg:$0x3] =	wrdreg s6  }
0xb0: {  	[dreg:$0x4] =	wrdreg $0xC0  }
0xb1: {  	_ =	task [dreg:s8], $0x5FFFF  }
0xb2: {  	[dreg:$0x1] =	wrdreg $0xFFFFFFFF  }
0xb3: {  	[dreg:$0x0] =	wrdreg $0x60  }
0xb4: {  	[dreg:$0x2] =	wrdreg s17  }
0xb5: {  	[dreg:$0x3] =	wrdreg s16  }
0xb6: {  	[dreg:$0x4] =	wrdreg s24  }
0xb7: {  	[dreg:$0x5] =	wrdreg $0x50000  }
0xb8: {  	[dreg:$0x6] =	wrdreg $0xF0000  }
0xb9: {  	[dreg:$0x7] =	wrdreg $0x9  }
0xba: {  	_ =	task.clear_ibuf [dreg:s8], $0x8FFFF;
	_ =	strace $0x90000049  }
0xbb: {  	s29 =	simm.s32 $0x9;
	_ =	strace $0x8000004B  }
0xbc: {  	_ =	swait.ge [sflag:s29], $0x1  }
0xbd: {  	[sflag:s29] =	ssyncadd.s32 $0xFFFFFFFF  }
0xbe: {  	_ =	strace $0x9000004B  }
0xbf: {  	_ =	sfence  }
0xc0: {  	s30 =	sld [smem:$0x0];
	_ =	sdelay $0x2  }
0xc1: {  	s31 =	sshll.u32 s1, $0xD;
	s1 =	sshrl.u32 s1, $0x2  }
0xc2: {  	s3 =	sand.u32 $0x4000, s31;
	s1 =	sadd.s32 s1, s30  }
0xc3: {  	s0 =	sor.u32 s3, s0;
	s1 =	sshll.u32 s1, $0x11  }
0xc4: {  	s0 =	sor.u32 s1, s0  }
0xc5: {  	s0 =	sadd.s32 $0x8F2B, s0  }
0xc6: {  	[sflag:s0] =	ssyncadd.remote.s32 $0x1  }
0xc7: {  	_ =	sfence.sel $0xFFFF  }
0xc8: {  	[dreg:$0x0] =	wrdreg $0xFFFFFFFF;
	(pc) =	sbr.abs _section_cstart, $3  }
0xc9: {  	[dreg:$0x1] =	wrdreg $0xFFFFFFFF  }
0xca: {  	_ =	task.clear_ibuf [dreg:s8], $0x2FFFF;
	_ =	strace $0x9FFFFFFF  }
0xcb: {  	(tm) =	ssettm $0x7FFFFFFF  }
tec
execute0_lowered:
.L_overlay_start_1:
0x0: {  	(tag) =	ssettag $0x1  }
0x1: {  	s0 =	rddreg [dreg:$0x0]  }
0x2: {  	s1 =	rddreg [dreg:$0x1]  }
0x3: {  	s5 =	rddreg [dreg:$0x2]  }
0x4: {  	s2 =	rddreg [dreg:$0x3]  }
0x5: {  	s3 =	rddreg [dreg:$0x4]  }
0x6: {  	s4 =	srdreg.scid;
	s14 =	stileid.u32  }
0x7: {  	s17 =	simm.s32 $0x1;
	s18 =	simm.s32 $0x2;
	s19 =	simm.s32 $0x3  }
0x8: {  	s20 =	simm.s32 $0x80;
	s21 =	simm.s32 $0x19000;
	s22 =	simm.s32 $0x1B000  }
0x9: {  	s24 =	simm.s32 $0x1D000;
	s25 =	simm.s32 $0x4;
	s29 =	simm.s32 $0x4E00  }
0xa: {  	s30 =	simm.s32 $0x2780;
	s31 =	simm.s32 $0x4E80;
	s6 =	sand.u32 $0x1, s4  }
0xb: {  	s4 =	simm.s32 $0x0;
	s10 =	smul.u32 $0xA000, s14;
	s7 =	sshll.u32 s6, $0x4  }
0xc: {  	[smem:$0x7FF] =	sst s4;
	s8 =	smul.u32 $0xA0000, s6;
	s6 =	ssub.s32 $0x2, s6  }
0xd: {  	s7 =	sor.u32 s14, s7;
	_ =	strace $0x8000004A;
	s9 =	sshrl.u32 s10, $0x3  }
0xe: {  	s12 =	sshrl.u32 s6, $0x1;
	s26 =	sadd.s32 s10, s2;
	s28 =	sadd.s32 s10, s3  }
0xf: {  	s7 =	smul.u32 $0x2800, s7;
	s11 =	sadd.s32 s9, s5;
	s8 =	sadd.s32 s10, s8  }
0x10: {  	s12 =	ssub.s32 s6, s12;
	s16 =	sshrl.u32 s28, $0x3;
	s8 =	sshrl.u32 s8, $0x3  }
0x11: {  	s10 =	sadd.s32 $0x55A00, s11;
	s12 =	smax.u32 s12, $0x1;
	s7 =	sshrl.u32 s7, $0x3  }
0x12: {  	s13 =	sadd.s32 s8, s5;
	s8 =	sadd.s32 s0, s9;
	s0 =	simm.s32 $0x4F00  }
0x13: {  	s5 =	sadd.s32 s1, s7;
	s7 =	sshll.u32 s14, $0x6;
	s11 =	sadd.s32 $0x69A00, s13  }
0x14: {  	s14 =	sshrl.u32 s26, $0x3;
	s1 =	simm.s32 $0x4F80;
	s13 =	simm.s32 $0x0  }
0x15: {  	s6 =	sadd.s32 $0xA000, s5;
	s9 =	sor.u32 $0x1C03, s7;
	s15 =	sor.u32 $0x1C01, s7  }
.LBB2_1:
0x16: {  	[tilespmem:s4], [sflag:$0x1] =	stream.linear.gather [hbm4b:s5+s4], $0x2800, $0x38;
	[tilespmem:$0x1F000] =	vst v63  }
0x17: {  	s23 =	simm.s32 $0x2800  }
0x18: {  	[tilespmem:s23], [sflag:$0x2] =	stream.linear.gather [hbm4b:s6+s4], $0x2800, $0x38;
	[tilespmem:$0x1F000] =	vst v63  }
0x19: {  	[spmem:s14], [sflag:s9] =	dma.local [hbm:s8], $0x1400  }
0x1a: {  	[spmem:s16], [sflag:s15] =	dma.local [hbm:s10], $0x1400  }
0x1b: {  	_ =	swait.ge [sflag:s17], $0x2800  }
0x1c: {  	[sflag:s17] =	ssyncset.done $0x0  }
0x1d: {  	[sflag:s17] =	ssyncadd.s32 $0xFFFFD800  }
0x1e: {  	_ =	swait.ge [sflag:s18], $0x2800  }
0x1f: {  	[sflag:s18] =	ssyncset.done $0x0  }
0x20: {  	[sflag:s18] =	ssyncadd.s32 $0xFFFFD800  }
0x21: {  	_ =	swait.ge [sflag:s19], $0x1400  }
0x22: {  	[sflag:s19] =	ssyncset.done $0x0  }
0x23: {  	[sflag:s19] =	ssyncadd.s32 $0xFFFFEC00  }
0x24: {  	_ =	swait.ge [sflag:s17], $0x1400  }
0x25: {  	[sflag:s17] =	ssyncset.done $0x0  }
0x26: {  	[sflag:s17] =	ssyncadd.s32 $0xFFFFEC00  }
0x27: {  	[bflag:$0x0] =	sbarrier.arrive $0xFFFF  }
0x28: {  	[tilespmem:s21], [sflag:$0x1] =	stream.indirect.gather [spmem:s2], $0x40, s4, s20, $0xb8;
	[tilespmem:$0x1F000] =	vst v63  }
0x29: {  	_ = 	snop  }
0x2a: {  	[tilespmem:s22], [sflag:$0x2] =	stream.indirect.gather [spmem:s2], $0x40, s20, s20, $0xb8;
	[tilespmem:$0x1F000] =	vst v63  }
0x2b: {  	s26 =	simm.s32 $0x100  }
0x2c: {  	[tilespmem:s24], [sflag:$0x3] =	stream.indirect.gather [spmem:s2], $0x40, s26, s20, $0xb8;
	[tilespmem:$0x1F000] =	vst v63  }
0x2d: {  	_ =	swait.ge [sflag:s17], $0x2000  }
0x2e: {  	[sflag:s17] =	ssyncset.done $0x0  }
0x2f: {  	s28 =	simm.s32 $0x2800;
	[sflag:s17] =	ssyncadd.s32 $0xFFFFE000  }
0x30: {  	[spmem:s3] =	stream.indirect.scatter.add.f32 [tilespmem:s21], [sflag:$0x4], $0x40, s28, s20, $0xb8;
	[tilespmem:$0x1F000] =	vst v63  }
0x31: {  	_ =	swait.ge [sflag:s25], $0x2000  }
0x32: {  	[sflag:s25] =	ssyncset.done $0x0  }
0x33: {  	s26 =	simm.s32 $0x180;
	[sflag:s25] =	ssyncadd.s32 $0xFFFFE000  }
0x34: {  	[tilespmem:s21], [sflag:$0x1] =	stream.indirect.gather [spmem:s2], $0x40, s26, s20, $0xb8;
	[tilespmem:$0x1F000] =	vst v63  }
0x35: {  	_ =	swait.ge [sflag:s18], $0x2000  }
0x36: {  	[sflag:s18] =	ssyncset.done $0x0  }
0x37: {  	s28 =	simm.s32 $0x2880;
	[sflag:s18] =	ssyncadd.s32 $0xFFFFE000  }
0x38: {  	[spmem:s3] =	stream.indirect.scatter.add.f32 [tilespmem:s22], [sflag:$0x4], $0x40, s28, s20, $0xb8;
	[tilespmem:$0x1F000] =	vst v63  }
0x39: {  	_ =	swait.ge [sflag:s25], $0x2000  }
0x3a: {  	[sflag:s25] =	ssyncset.done $0x0  }
0x3b: {  	s26 =	simm.s32 $0x200;
	[sflag:s25] =	ssyncadd.s32 $0xFFFFE000  }
0x3c: {  	[tilespmem:s22], [sflag:$0x2] =	stream.indirect.gather [spmem:s2], $0x40, s26, s20, $0xb8;
	[tilespmem:$0x1F000] =	vst v63  }
0x3d: {  	_ =	swait.ge [sflag:s19], $0x2000  }
0x3e: {  	[sflag:s19] =	ssyncset.done $0x0  }
0x3f: {  	s28 =	simm.s32 $0x2900;
	[sflag:s19] =	ssyncadd.s32 $0xFFFFE000  }
0x40: {  	[spmem:s3] =	stream.indirect.scatter.add.f32 [tilespmem:s24], [sflag:$0x4], $0x40, s28, s20, $0xb8;
	[tilespmem:$0x1F000] =	vst v63  }
0x41: {  	_ =	swait.ge [sflag:s25], $0x2000  }
0x42: {  	[sflag:s25] =	ssyncset.done $0x0  }
0x43: {  	s23 =	simm.s32 $0x600;
	s26 =	simm.s32 $0x280;
	[sflag:s25] =	ssyncadd.s32 $0xFFFFE000  }
.LBB2_2:
0x44: {  	[tilespmem:s24], [sflag:$0x3] =	stream.indirect.gather [spmem:s2], $0x40, s26, s20, $0xb8;
	[tilespmem:$0x1F000] =	vst v63  }
0x45: {  	s26 =	smov.u32 s23  }
0x46: {  	p0 =	sne.s32 s23, $0x9000;
	s23 =	sadd.s32 $0x600, s23;
	_ =	swait.ge [sflag:s17], $0x2000  }
0x47: {  	s26 =	sshra.s32 s26, $0x2;
	[sflag:s17] =	ssyncset.done $0x0  }
0x48: {  	s28 =	sadd.s32 $0x2800, s26;
	[sflag:s17] =	ssyncadd.s32 $0xFFFFE000  }
0x49: {  	[spmem:s3] =	stream.indirect.scatter.add.f32 [tilespmem:s21], [sflag:$0x4], $0x40, s28, s20, $0xb8;
	[tilespmem:$0x1F000] =	vst v63  }
0x4a: {  	_ =	swait.ge [sflag:s25], $0x2000  }
0x4b: {  	[sflag:s25] =	ssyncset.done $0x0  }
0x4c: {  	s28 =	sadd.s32 $0x180, s26;
	[sflag:s25] =	ssyncadd.s32 $0xFFFFE000  }
0x4d: {  	[tilespmem:s21], [sflag:$0x1] =	stream.indirect.gather [spmem:s2], $0x40, s28, s20, $0xb8;
	[tilespmem:$0x1F000] =	vst v63  }
0x4e: {  	_ =	swait.ge [sflag:s18], $0x2000  }
0x4f: {  	[sflag:s18] =	ssyncset.done $0x0  }
0x50: {  	s28 =	sadd.s32 $0x2880, s26;
	[sflag:s18] =	ssyncadd.s32 $0xFFFFE000  }
0x51: {  	[spmem:s3] =	stream.indirect.scatter.add.f32 [tilespmem:s22], [sflag:$0x4], $0x40, s28, s20, $0xb8;
	[tilespmem:$0x1F000] =	vst v63  }
0x52: {  	_ =	swait.ge [sflag:s25], $0x2000  }
0x53: {  	[sflag:s25] =	ssyncset.done $0x0  }
0x54: {  	s28 =	sadd.s32 $0x200, s26;
	[sflag:s25] =	ssyncadd.s32 $0xFFFFE000  }
0x55: {  	[tilespmem:s22], [sflag:$0x2] =	stream.indirect.gather [spmem:s2], $0x40, s28, s20, $0xb8;
	[tilespmem:$0x1F000] =	vst v63  }
0x56: {  	_ =	swait.ge [sflag:s19], $0x2000  }
0x57: {  	[sflag:s19] =	ssyncset.done $0x0  }
.Ltmp0:
0x58: {  	s28 =	sadd.s32 $0x2900, s26;
	[sflag:s19] =	ssyncadd.s32 $0xFFFFE000;
	(pc) =	sbr.rel @p0 .LBB2_2-.Ltmp0, $4  }
0x59: {  	[spmem:s3] =	stream.indirect.scatter.add.f32 [tilespmem:s24], [sflag:$0x4], $0x40, s28, s20, $0xb8;
	[tilespmem:$0x1F000] =	vst v63  }
0x5a: {  	_ =	swait.ge [sflag:s25], $0x2000  }
0x5b: {  	[sflag:s25] =	ssyncset.done $0x0  }
0x5c: {  	s26 =	sadd.s32 $0x280, s26;
	[sflag:s25] =	ssyncadd.s32 $0xFFFFE000  }
0x5d: {  	[tilespmem:s24], [sflag:$0x3] =	stream.indirect.gather [spmem:s2], $0x40, s26, s20, $0xb8;
	[tilespmem:$0x1F000] =	vst v63  }
0x5e: {  	_ =	swait.ge [sflag:s17], $0x2000  }
0x5f: {  	[sflag:s17] =	ssyncset.done $0x0  }
0x60: {  	s23 =	simm.s32 $0x4D80;
	[sflag:s17] =	ssyncadd.s32 $0xFFFFE000  }
0x61: {  	[spmem:s3] =	stream.indirect.scatter.add.f32 [tilespmem:s21], [sflag:$0x4], $0x40, s23, s20, $0xb8;
	[tilespmem:$0x1F000] =	vst v63  }
0x62: {  	_ =	swait.ge [sflag:s25], $0x2000  }
0x63: {  	[sflag:s25] =	ssyncset.done $0x0  }
0x64: {  	s26 =	simm.s32 $0x2700;
	[sflag:s25] =	ssyncadd.s32 $0xFFFFE000  }
0x65: {  	[tilespmem:s21], [sflag:$0x1] =	stream.indirect.gather [spmem:s2], $0x40, s26, s20, $0xb8;
	[tilespmem:$0x1F000] =	vst v63  }
0x66: {  	_ =	swait.ge [sflag:s18], $0x2000  }
0x67: {  	[sflag:s18] =	ssyncset.done $0x0  }
0x68: {  	[sflag:s18] =	ssyncadd.s32 $0xFFFFE000  }
0x69: {  	[spmem:s3] =	stream.indirect.scatter.add.f32 [tilespmem:s22], [sflag:$0x4], $0x40, s29, s20, $0xb8;
	[tilespmem:$0x1F000] =	vst v63  }
0x6a: {  	_ =	swait.ge [sflag:s25], $0x2000  }
0x6b: {  	[sflag:s25] =	ssyncset.done $0x0  }
0x6c: {  	[sflag:s25] =	ssyncadd.s32 $0xFFFFE000  }
0x6d: {  	[tilespmem:s22], [sflag:$0x2] =	stream.indirect.gather [spmem:s2], $0x40, s30, s20, $0xb8;
	[tilespmem:$0x1F000] =	vst v63  }
0x6e: {  	_ =	swait.ge [sflag:s19], $0x2000  }
0x6f: {  	[sflag:s19] =	ssyncset.done $0x0  }
0x70: {  	[sflag:s19] =	ssyncadd.s32 $0xFFFFE000  }
0x71: {  	[spmem:s3] =	stream.indirect.scatter.add.f32 [tilespmem:s24], [sflag:$0x4], $0x40, s31, s20, $0xb8;
	[tilespmem:$0x1F000] =	vst v63  }
0x72: {  	_ =	swait.ge [sflag:s25], $0x2000  }
0x73: {  	[sflag:s25] =	ssyncset.done $0x0  }
0x74: {  	[sflag:s25] =	ssyncadd.s32 $0xFFFFE000  }
0x75: {  	_ =	swait.ge [sflag:s17], $0x2000  }
0x76: {  	[sflag:s17] =	ssyncset.done $0x0  }
0x77: {  	[sflag:s17] =	ssyncadd.s32 $0xFFFFE000  }
0x78: {  	[spmem:s3] =	stream.indirect.scatter.add.f32 [tilespmem:s21], [sflag:$0x4], $0x40, s0, s20, $0xb8;
	[tilespmem:$0x1F000] =	vst v63  }
0x79: {  	_ =	swait.ge [sflag:s25], $0x2000  }
0x7a: {  	[sflag:s25] =	ssyncset.done $0x0  }
0x7b: {  	[sflag:s25] =	ssyncadd.s32 $0xFFFFE000  }
0x7c: {  	_ =	swait.ge [sflag:s18], $0x2000  }
0x7d: {  	[sflag:s18] =	ssyncset.done $0x0  }
0x7e: {  	[sflag:s18] =	ssyncadd.s32 $0xFFFFE000  }
0x7f: {  	[spmem:s3] =	stream.indirect.scatter.add.f32 [tilespmem:s22], [sflag:$0x4], $0x40, s1, s20, $0xb8;
	[tilespmem:$0x1F000] =	vst v63  }
0x80: {  	_ =	swait.ge [sflag:s25], $0x2000  }
0x81: {  	s13 =	sadd.s32 $0x1, s13;
	[sflag:s25] =	ssyncset.done $0x0  }
0x82: {  	p0 =	sne.s32 s13, s12;
	[sflag:s25] =	ssyncadd.s32 $0xFFFFE000  }
.Ltmp1:
0x83: {  	s28 =	sor.u32 $0x1C04, s7;
	[bflag:$0x0] =	sbarrier.arrive $0xFFFF;
	(pc) =	sbr.rel @p0 .LBB2_1-.Ltmp1, $4  }
0x84: {  	[hbm:s11], [sflag:s28] =	dma.local [spmem:s16], $0x1400  }
0x85: {  	_ =	swait.ge [sflag:s25], $0x1400  }
0x86: {  	[sflag:s25] =	ssyncset.done $0x0  }
0x87: {  	[sflag:s25] =	ssyncadd.s32 $0xFFFFEC00  }
0x88: {  	_ =	sfence.sel $0x180000  }
0x89: {  	[bflag:$0x0] =	sbarrier.arrive $0xFFFF  }
0x8a: {  	_ =	strace $0x9000004A  }
0x8b: {  	s0 =	stileid.u32;
	[bflag:$0x2] =	sbarrier.arrive $0xFFFF  }
0x8c: {  	p0 =	sne.s32 s0, $0x0;
	s0 =	rddreg [dreg:$0x5]  }
0x8d: {  	s0 =	sadd.s32 @!p0 $0x100000, s0  }
0x8e: {  	[sflag:s0] =	ssyncadd.tile.s32 @!p0 $0x1;
	_ =	shalt  }
.Lfunc_end2:
_tile_overlayer_lowered:
.L_overlay_start_2:
0x8f: {  	(tag) =	ssettag $0x2  }
0x90: {  	s0 =	rddreg [dreg:$0x0];
	s2 =	stileid.u32  }
0x91: {  	s1 =	rddreg [dreg:$0x1];
	p0 =	sne.s32 s2, $0x0  }
0x92: {  	s3 =	rddreg [dreg:$0x2];
	[bflag:$0x3] =	sbarrier.arrive $0xFFFF;
	s2 =	simm.s32 @!p0 $0x1C04  }
0x93: {  	[timem:s3], [sflag:s2] =	dma.local @!p0 [hbm:s0], s1  }
0x94: {  	s0 =	simm.s32 @!p0 $0x4  }
0x95: {  	_ =	swait.ge @!p0 [sflag:s0], s1  }
0x96: {  	s1 =	ssub.s32 @!p0 $0x0, s1;
	[sflag:s0] =	ssyncset.done @!p0 $0x0  }
0x97: {  	[sflag:s0] =	ssyncadd.s32 @!p0 s1  }
0x98: {  	[bflag:$0x3] =	sbarrier.arrive $0xFFFF  }
0x99: {  	_ =	shalt  }

// kernel: kernel.17.cloned.1.call-start
scs
__scs_entry_jumppad:
0x0: {  	(pc) =	sbr.rel $0x88, $3  }
0x1: {  	(tag) =	ssettag $0x0;
	lr =	simm.s32 $0x1  }
0x2: {  	[smem:$0x3F97] =	sst lr;
	_ =	strace $0xD0000000  }
0x3: {  	_ = 	snop  }
0x4: {  	_ = 	snop  }
0x5: {  	_ = 	snop  }
0x6: {  	_ = 	snop  }
0x7: {  	_ = 	snop  }
__scs_overlays_trampoline_lowered:
0x8: {  	[smem:$0x3FA6] =	sst s0  }
0x9: {  	[smem:$0x3FA7] =	sst s1  }
0xa: {  	[smem:$0x3FA8] =	sst s2  }
0xb: {  	[smem:$0x3FA9] =	sst s3  }
0xc: {  	[smem:$0x3FAA] =	sst s4  }
0xd: {  	[smem:$0x3FAB] =	sst s5  }
0xe: {  	[smem:$0x3FAC] =	sst s6  }
0xf: {  	[smem:$0x3FAD] =	sst s7  }
0x10: {  	[smem:$0x3FAE] =	sst s8  }
0x11: {  	[smem:$0x3FAF] =	sst s9;
	s0 =	simm.s32 @!p0 $0x0  }
0x12: {  	s1 =	sld [smem:$0x3F95];
	s0 =	simm.s32 @p0 $0x1  }
0x13: {  	[smem:$0x3FB0] =	sst s0;
	s0 =	simm.s32 @!p1 $0x0  }
0x14: {  	s2 =	sld [smem:$0x3F94];
	s0 =	simm.s32 @p1 $0x1  }
0x15: {  	[smem:$0x3FB1] =	sst s0;
	s0 =	simm.s32 @!p2 $0x0  }
0x16: {  	s3 =	sld [smem:$0x3FDB];
	s0 =	simm.s32 @p2 $0x1  }
0x17: {  	s4 =	simm.s32 $0x1BF5;
	[smem:$0x3FB3] =	sst s0  }
0x18: {  	s0 =	sld [smem:$0x3F96];
	_ =	swait.ge [sflag:s4], $0x0  }
0x19: {  	s7 =	sld [smem:$0x3F97]  }
0x1a: {  	s8 =	sadd.s32 $0xFFFFE003, lr  }
0x1b: {  	s9 =	sadd.s32 $0xFFFFFEF7, lr;
	s5 =	simm.s32 $0xFFFFFFFF;
	p2 =	slt.u32 s8, $0xFFFFF086  }
0x1c: {  	p1 =	slt.u32 s9, $0xF7A;
	s5 =	simm.s32 @!p2 $0x0  }
0x1d: {  	s5 =	simm.s32 @p1 $0x1;
	p0 =	seq.s32 s7, s2  }
0x1e: {  	s7 =	smul.u32 @!p0 $0xF7A, s2;
	p2 =	seq.s32 @!p0 s5, $0x0  }
0x1f: {  	s9 =	smul.u32 $0xF7A, s1;
	s8 =	simm.s32 @!p0 $0x1BF5;
	p2 =	por !p2, p0  }
0x20: {  	[sflag:s8] =	ssyncset.s32 @!p0 $0xFFFFF086;
	s6 =	sadd.s32 @!p0 s3, s7;
	s7 =	simm.s32 @!p0 $0x108  }
0x21: {  	s3 =	sadd.s32 s3, s9;
	s6 =	sadd.s32 @!p0 $0x88, s6;
	s7 =	simm.s32 @p2 $0x1082  }
0x22: {  	[simem:s7], [sflag:s8] =	dma.local @!p0 [hbm:s6], $0xF7A  }
0x23: {  	s9 =	sor.u32 $0xD0000000, s2;
	s6 =	simm.s32 $0x108;
	_ =	swait.ge @!p0 [sflag:s8], $0x0  }
0x24: {  	s3 =	sadd.s32 $0x88, s3;
	s6 =	simm.s32 @!p1 $0x1082;
	[sflag:s4] =	ssyncset.s32 $0xFFFFF086  }
0x25: {  	[simem:s6], [sflag:s4] =	dma.local [hbm:s3], $0xF7A  }
0x26: {  	[smem:$0x3F97] =	sst s1;
	(tag) =	ssettag s2;
	_ =	strace s9  }
0x27: {  	s1 =	sld [smem:$0x3FA7]  }
0x28: {  	s2 =	sld [smem:$0x3FA8]  }
0x29: {  	s4 =	sld [smem:$0x3FAA]  }
0x2a: {  	p0 =	seq.s32 s5, $0x0;
	s5 =	sld [smem:$0x3FAB]  }
0x2b: {  	s6 =	sld [smem:$0x3FAC]  }
0x2c: {  	s7 =	sld [smem:$0x3FAD]  }
0x2d: {  	s3 =	simm.s32 $0x108;
	s8 =	sld [smem:$0x3FAE]  }
0x2e: {  	s3 =	simm.s32 @!p0 $0x1082;
	s9 =	sld [smem:$0x3FAF]  }
0x2f: {  	lr =	sadd.s32 s0, s3;
	s0 =	sld [smem:$0x3FA6]  }
0x30: {  	s3 =	sld [smem:$0x3FA9]  }
0x31: {  	[smem:$0x3FB2] =	sst s10  }
0x32: {  	s10 =	sld [smem:$0x3FB0];
	_ =	sdelay $0x3  }
0x33: {  	p0 =	seq.s32 s10, $0x1;
	s10 =	sld [smem:$0x3FB2];
	_ =	sdelay $0x3  }
0x34: {  	[smem:$0x3FB2] =	sst s10  }
0x35: {  	s10 =	sld [smem:$0x3FB1];
	_ =	sdelay $0x3  }
0x36: {  	p1 =	seq.s32 s10, $0x1;
	s10 =	sld [smem:$0x3FB2];
	_ =	sdelay $0x3  }
0x37: {  	[smem:$0x3FB2] =	sst s10  }
0x38: {  	s10 =	sld [smem:$0x3FB3]  }
0x39: {  	_ = 	snop;
	(pc) =	sbr.ind lr, $3  }
0x3a: {  	_ = 	snop  }
0x3b: {  	_ = 	snop  }
0x3c: {  	p2 =	seq.s32 s10, $0x1;
	s10 =	sld [smem:$0x3FB2]  }
0x3d: {  	_ =	shalt  }
0x3e: {  	_ =	shalt  }
0x3f: {  	_ =	shalt  }
0x40: {  	_ =	shalt  }
0x41: {  	_ =	shalt  }
0x42: {  	_ =	shalt  }
0x43: {  	_ =	shalt  }
0x44: {  	_ =	shalt  }
0x45: {  	_ =	shalt  }
0x46: {  	_ =	shalt  }
0x47: {  	_ =	shalt  }
0x48: {  	_ =	shalt  }
0x49: {  	_ =	shalt  }
0x4a: {  	_ =	shalt  }
0x4b: {  	_ =	shalt  }
0x4c: {  	_ =	shalt  }
0x4d: {  	_ =	shalt  }
0x4e: {  	_ =	shalt  }
0x4f: {  	_ =	shalt  }
0x50: {  	_ =	shalt  }
0x51: {  	_ =	shalt  }
0x52: {  	_ =	shalt  }
0x53: {  	_ =	shalt  }
0x54: {  	_ =	shalt  }
0x55: {  	_ =	shalt  }
0x56: {  	_ =	shalt  }
0x57: {  	_ =	shalt  }
0x58: {  	_ =	shalt  }
0x59: {  	_ =	shalt  }
0x5a: {  	_ =	shalt  }
0x5b: {  	_ =	shalt  }
0x5c: {  	_ =	shalt  }
0x5d: {  	_ =	shalt  }
0x5e: {  	_ =	shalt  }
0x5f: {  	_ =	shalt  }
0x60: {  	_ =	shalt  }
0x61: {  	_ =	shalt  }
0x62: {  	_ =	shalt  }
0x63: {  	_ =	shalt  }
0x64: {  	_ =	shalt  }
0x65: {  	_ =	shalt  }
0x66: {  	_ =	shalt  }
0x67: {  	_ =	shalt  }
0x68: {  	_ =	shalt  }
0x69: {  	_ =	shalt  }
0x6a: {  	_ =	shalt  }
0x6b: {  	_ =	shalt  }
0x6c: {  	_ =	shalt  }
0x6d: {  	_ =	shalt  }
0x6e: {  	_ =	shalt  }
0x6f: {  	_ =	shalt  }
0x70: {  	_ =	shalt  }
0x71: {  	_ =	shalt  }
0x72: {  	_ =	shalt  }
0x73: {  	_ =	shalt  }
0x74: {  	_ =	shalt  }
0x75: {  	_ =	shalt  }
0x76: {  	_ =	shalt  }
0x77: {  	_ =	shalt  }
0x78: {  	_ =	shalt  }
0x79: {  	_ =	shalt  }
0x7a: {  	_ =	shalt  }
0x7b: {  	_ =	shalt  }
0x7c: {  	_ =	shalt  }
0x7d: {  	_ =	shalt  }
0x7e: {  	_ =	shalt  }
0x7f: {  	_ =	shalt  }
0x80: {  	_ =	shalt  }
0x81: {  	_ =	shalt  }
0x82: {  	_ =	shalt  }
0x83: {  	_ =	shalt  }
0x84: {  	_ =	shalt  }
0x85: {  	_ =	shalt  }
0x86: {  	_ =	shalt  }
0x87: {  	_ =	shalt  }
.Lfunc_end0:
.L_simem_size_0:
called_computation.2_lowered:
.L_overlay_start_0:
0x88: {  	s2 =	sld [smem:$0x3FD9]  }
0x89: {  	s3 =	sld [smem:$0x3FFE];
	_ =	sdelay $0x1  }
0x8a: {  	s1 =	srdreg.scid  }
0x8b: {  	s0 =	sand.u32 $0x1, s1  }
0x8c: {  	s15 =	sshll.u32 s0, $0xA;
	s2 =	sadd.s32 s3, s2  }
0x8d: {  	s2 =	sadd.s32 s2, s15  }
0x8e: {  	[smem:$0x3FBE] =	sst s2  }
0x8f: {  	_ = 	snop  }
0x90: {  	s2 =	sld [smem:$0x3FD0];
	_ =	sdelay $0x2  }
0x91: {  	s16 =	simm.s32 $0xB;
	s4 =	simm.s32 $0x10  }
0x92: {  	[smem:s4], [sflag:s16] =	dma.local [hbm:s2], $0x1  }
0x93: {  	_ =	swait.eq [sflag:s16], $0x1  }
0x94: {  	[sflag:s16] =	ssyncset.done $0x0  }
0x95: {  	[sflag:s16] =	ssyncadd.s32 $0xFFFFFFFF  }
0x96: {  	s17 =	sld [smem:$0x10];
	(tm) =	ssettm $0x1  }
0x97: {  	s18 =	sld [smem:$0x3FFB];
	_ =	sdelay $0x3  }
0x98: {  	_ =	strace s18  }
0x99: {  	s2 =	sld [smem:$0x3FFC];
	_ =	sdelay $0x3  }
0x9a: {  	_ =	strace s2  }
0x9b: {  	s2 =	sld [smem:$0x3FFD];
	_ =	sdelay $0x3  }
0x9c: {  	_ =	strace s2  }
0x9d: {  	_ =	strace $0x8FFFFFFF  }
0x9e: {  	s19 =	sld [smem:$0x3FDB];
	_ =	sdelay $0x1  }
0x9f: {  	s20 =	simm.s32 $_scs_section_size  }
0xa0: {  	s5 =	simm.s32 $_size__tile_overlayer_lowered;
	s6 =	simm.s32 $_tile_overlayer_lowered  }
0xa1: {  	s7 =	simm.s32 $0x1BFF;
	s21 =	sshll.u32 s6, $0x1;
	s4 =	sadd.s32 s20, s19  }
0xa2: {  	s22 =	simm.s32 $0x0;
	s5 =	sshll.u32 s5, $0x1;
	s6 =	sadd.s32 s21, s4  }
0xa3: {  	[timem:s22], [sflag:s7] =	dma.local [hbm:s6], s5  }
0xa4: {  	_ =	swait.ge [sflag:s7], s5  }
0xa5: {  	s5 =	ssub.s32 $0x0, s5;
	[sflag:s7] =	ssyncset.done $0x0  }
0xa6: {  	[sflag:s7] =	ssyncadd.s32 s5;
	_ =	sdelay $0x1  }
0xa7: {  	s23 =	simm.s32 $0x1B8B  }
0xa8: {  	_ =	swait.ge [sflag:s23], $0x1  }
0xa9: {  	[sflag:s23] =	ssyncset.done $0x0  }
0xaa: {  	[sflag:s23] =	ssyncadd.s32 $0xFFFFFFFF  }
0xab: {  	s5 =	sld [smem:$0x0]  }
0xac: {  	s6 =	sand.u32 $0xFFFFFFFE, s1  }
0xad: {  	p0 =	sne.s32 s1, s6  }
0xae: {  	s6 =	sshll.u32 @p0 s6, $0xE  }
0xaf: {  	s6 =	sadd.s32 @p0 $0x11B8D, s6;
	s7 =	sshll.u32 @p0 s5, $0x11  }
0xb0: {  	s6 =	sor.u32 @p0 s7, s6  }
0xb1: {  	[sflag:s6] =	ssyncadd.remote.s32 @p0 $0x1;
	_ =	sdelay $0x1  }
0xb2: {  	s6 =	simm.s32 @p0 $0x1B8D  }
0xb3: {  	_ =	swait.eq @p0 [sflag:s6], $0x1  }
0xb4: {  	[sflag:s6] =	ssyncadd.s32 @p0 $0xFFFFFFFF  }
0xb5: {  	s7 =	sshll.u32 @!p0 s1, $0xE  }
0xb6: {  	s7 =	sor.u32 @!p0 $0x4000, s7;
	s6 =	simm.s32 @!p0 $0x1B8D  }
0xb7: {  	s5 =	sshll.u32 @!p0 s5, $0x11;
	s7 =	sadd.s32 @!p0 $0x11B8D, s7;
	_ =	swait.eq @!p0 [sflag:s6], $0x1  }
0xb8: {  	s5 =	sor.u32 @!p0 s5, s7;
	[sflag:s6] =	ssyncadd.s32 @!p0 $0xFFFFFFFF  }
0xb9: {  	s25 =	simm.s32 $0x1B8E;
	s24 =	sld [smem:$0x3FFE];
	[sflag:s5] =	ssyncadd.remote.s32 @!p0 $0x1  }
0xba: {  	s26 =	simm.s32 $execute0_lowered;
	[smem:$0x3FD2] =	sst s25  }
0xbb: {  	s6 =	sshll.u32 s26, $0x1;
	_ =	strace $0x8000004C;
	[dreg:$0x1] =	wrdreg $0xFFFFFFFF  }
0xbc: {  	s28 =	simm.s32 $_size_execute0_lowered;
	s4 =	sadd.s32 s4, s6;
	[dreg:$0x0] =	wrdreg $0x0  }
0xbd: {  	s6 =	sshll.u32 s28, $0x1;
	[dreg:$0x2] =	wrdreg s4  }
0xbe: {  	[dreg:$0x3] =	wrdreg s6  }
0xbf: {  	[dreg:$0x4] =	wrdreg $0xC0  }
0xc0: {  	_ =	task [dreg:s22], $0x5FFFF  }
0xc1: {  	[dreg:$0x1] =	wrdreg $0xFFFFFFFF  }
0xc2: {  	[dreg:$0x0] =	wrdreg $0x60  }
0xc3: {  	[dreg:$0x2] =	wrdreg s24  }
0xc4: {  	[dreg:$0x3] =	wrdreg s17  }
0xc5: {  	[dreg:$0x4] =	wrdreg $0x50000  }
0xc6: {  	[dreg:$0x5] =	wrdreg $0xF0000  }
0xc7: {  	[dreg:$0x6] =	wrdreg $0xA  }
0xc8: {  	_ =	task.clear_ibuf [dreg:s22], $0x7FFFF;
	_ =	strace $0x9000004C  }
0xc9: {  	s29 =	simm.s32 $0xA;
	_ =	strace $0x8000004E  }
0xca: {  	_ =	swait.ge [sflag:s29], $0x1  }
0xcb: {  	[sflag:s29] =	ssyncadd.s32 $0xFFFFFFFF  }
0xcc: {  	_ =	strace $0x9000004E  }
0xcd: {  	_ =	sfence  }
0xce: {  	s30 =	sld [smem:$0x0];
	_ =	sdelay $0x2  }
0xcf: {  	s31 =	sshll.u32 s1, $0xD;
	s1 =	sshrl.u32 s1, $0x2  }
0xd0: {  	s4 =	sand.u32 $0x4000, s31;
	s1 =	sadd.s32 s1, s30  }
0xd1: {  	s0 =	sor.u32 s4, s0;
	s1 =	sshll.u32 s1, $0x11  }
0xd2: {  	s0 =	sor.u32 s1, s0  }
0xd3: {  	s0 =	sadd.s32 $0x8F2B, s0  }
0xd4: {  	[sflag:s0] =	ssyncadd.remote.s32 $0x1  }
0xd5: {  	_ =	sfence.sel $0xFFFF  }
0xd6: {  	[dreg:$0x0] =	wrdreg $0xFFFFFFFF;
	(pc) =	sbr.abs _section_cstart, $3  }
0xd7: {  	[dreg:$0x1] =	wrdreg $0xFFFFFFFF  }
0xd8: {  	_ =	task.clear_ibuf [dreg:s22], $0x2FFFF;
	_ =	strace $0x9FFFFFFF  }
0xd9: {  	(tm) =	ssettm $0x7FFFFFFF  }
tec
execute0_lowered:
.L_overlay_start_1:
0x0: {  	(tag) =	ssettag $0x1  }
0x1: {  	s0 =	rddreg [dreg:$0x0]  }
0x2: {  	s1 =	rddreg [dreg:$0x1]  }
0x3: {  	s2 =	rddreg [dreg:$0x2]  }
0x4: {  	s3 =	rddreg [dreg:$0x3]  }
0x5: {  	s4 =	srdreg.scid;
	s9 =	stileid.u32  }
0x6: {  	s17 =	simm.s32 $0x1;
	s18 =	simm.s32 $0x2;
	s19 =	simm.s32 $0x3  }
0x7: {  	s20 =	simm.s32 $0x80;
	s21 =	simm.s32 $0x19000;
	s22 =	simm.s32 $0x1B000  }
0x8: {  	s24 =	simm.s32 $0x1D000;
	s25 =	simm.s32 $0x4;
	s29 =	simm.s32 $0x4E00  }
0x9: {  	s30 =	simm.s32 $0x2780;
	s31 =	simm.s32 $0x4E80;
	s5 =	sand.u32 $0x1, s4  }
0xa: {  	s4 =	simm.s32 $0x0;
	s10 =	smul.u32 $0xA000, s9;
	s6 =	sshll.u32 s5, $0x4  }
0xb: {  	[smem:$0x7FF] =	sst s4;
	s7 =	smul.u32 $0xA0000, s5;
	s5 =	ssub.s32 $0x2, s5  }
0xc: {  	s6 =	sor.u32 s9, s6;
	_ =	strace $0x8000004D;
	s8 =	sshrl.u32 s10, $0x3  }
0xd: {  	s26 =	sshrl.u32 s5, $0x1;
	s28 =	sadd.s32 s10, s2;
	s13 =	sadd.s32 s10, s3  }
0xe: {  	s6 =	smul.u32 $0x2800, s6;
	s11 =	sadd.s32 s8, s0;
	s7 =	sadd.s32 s10, s7  }
0xf: {  	s12 =	ssub.s32 s5, s26;
	s14 =	sshrl.u32 s28, $0x3;
	s16 =	sshrl.u32 s13, $0x3  }
0x10: {  	s13 =	simm.s32 $0x0;
	s7 =	sshrl.u32 s7, $0x3;
	s8 =	sadd.s32 $0x91A00, s11  }
0x11: {  	s10 =	sadd.s32 $0x55A00, s11;
	s12 =	smax.u32 s12, $0x1;
	s6 =	sshrl.u32 s6, $0x3  }
0x12: {  	s0 =	sadd.s32 s7, s0;
	s7 =	sshll.u32 s9, $0x6;
	s5 =	sadd.s32 s1, s6  }
0x13: {  	s9 =	sor.u32 $0x1C03, s7;
	s11 =	sadd.s32 $0xA5A00, s0;
	s15 =	sor.u32 $0x1C01, s7  }
0x14: {  	s0 =	simm.s32 $0x4F00;
	s1 =	simm.s32 $0x4F80;
	s6 =	sadd.s32 $0xA000, s5  }
.LBB2_1:
0x15: {  	[tilespmem:s4], [sflag:$0x1] =	stream.linear.gather [hbm4b:s5+s4], $0x2800, $0x38;
	[tilespmem:$0x1F000] =	vst v63  }
0x16: {  	s23 =	simm.s32 $0x2800  }
0x17: {  	[tilespmem:s23], [sflag:$0x2] =	stream.linear.gather [hbm4b:s6+s4], $0x2800, $0x38;
	[tilespmem:$0x1F000] =	vst v63  }
0x18: {  	[spmem:s14], [sflag:s9] =	dma.local [hbm:s8], $0x1400  }
0x19: {  	[spmem:s16], [sflag:s15] =	dma.local [hbm:s10], $0x1400  }
0x1a: {  	_ =	swait.ge [sflag:s17], $0x2800  }
0x1b: {  	[sflag:s17] =	ssyncset.done $0x0  }
0x1c: {  	[sflag:s17] =	ssyncadd.s32 $0xFFFFD800  }
0x1d: {  	_ =	swait.ge [sflag:s18], $0x2800  }
0x1e: {  	[sflag:s18] =	ssyncset.done $0x0  }
0x1f: {  	[sflag:s18] =	ssyncadd.s32 $0xFFFFD800  }
0x20: {  	_ =	swait.ge [sflag:s19], $0x1400  }
0x21: {  	[sflag:s19] =	ssyncset.done $0x0  }
0x22: {  	[sflag:s19] =	ssyncadd.s32 $0xFFFFEC00  }
0x23: {  	_ =	swait.ge [sflag:s17], $0x1400  }
0x24: {  	[sflag:s17] =	ssyncset.done $0x0  }
0x25: {  	[sflag:s17] =	ssyncadd.s32 $0xFFFFEC00  }
0x26: {  	[bflag:$0x0] =	sbarrier.arrive $0xFFFF  }
0x27: {  	[tilespmem:s21], [sflag:$0x1] =	stream.indirect.gather [spmem:s2], $0x40, s4, s20, $0xb8;
	[tilespmem:$0x1F000] =	vst v63  }
0x28: {  	_ = 	snop  }
0x29: {  	[tilespmem:s22], [sflag:$0x2] =	stream.indirect.gather [spmem:s2], $0x40, s20, s20, $0xb8;
	[tilespmem:$0x1F000] =	vst v63  }
0x2a: {  	s26 =	simm.s32 $0x100  }
0x2b: {  	[tilespmem:s24], [sflag:$0x3] =	stream.indirect.gather [spmem:s2], $0x40, s26, s20, $0xb8;
	[tilespmem:$0x1F000] =	vst v63  }
0x2c: {  	_ =	swait.ge [sflag:s17], $0x2000  }
0x2d: {  	[sflag:s17] =	ssyncset.done $0x0  }
0x2e: {  	s28 =	simm.s32 $0x2800;
	[sflag:s17] =	ssyncadd.s32 $0xFFFFE000  }
0x2f: {  	[spmem:s3] =	stream.indirect.scatter.add.f32 [tilespmem:s21], [sflag:$0x4], $0x40, s28, s20, $0xb8;
	[tilespmem:$0x1F000] =	vst v63  }
0x30: {  	_ =	swait.ge [sflag:s25], $0x2000  }
0x31: {  	[sflag:s25] =	ssyncset.done $0x0  }
0x32: {  	s26 =	simm.s32 $0x180;
	[sflag:s25] =	ssyncadd.s32 $0xFFFFE000  }
0x33: {  	[tilespmem:s21], [sflag:$0x1] =	stream.indirect.gather [spmem:s2], $0x40, s26, s20, $0xb8;
	[tilespmem:$0x1F000] =	vst v63  }
0x34: {  	_ =	swait.ge [sflag:s18], $0x2000  }
0x35: {  	[sflag:s18] =	ssyncset.done $0x0  }
0x36: {  	s28 =	simm.s32 $0x2880;
	[sflag:s18] =	ssyncadd.s32 $0xFFFFE000  }
0x37: {  	[spmem:s3] =	stream.indirect.scatter.add.f32 [tilespmem:s22], [sflag:$0x4], $0x40, s28, s20, $0xb8;
	[tilespmem:$0x1F000] =	vst v63  }
0x38: {  	_ =	swait.ge [sflag:s25], $0x2000  }
0x39: {  	[sflag:s25] =	ssyncset.done $0x0  }
0x3a: {  	s26 =	simm.s32 $0x200;
	[sflag:s25] =	ssyncadd.s32 $0xFFFFE000  }
0x3b: {  	[tilespmem:s22], [sflag:$0x2] =	stream.indirect.gather [spmem:s2], $0x40, s26, s20, $0xb8;
	[tilespmem:$0x1F000] =	vst v63  }
0x3c: {  	_ =	swait.ge [sflag:s19], $0x2000  }
0x3d: {  	[sflag:s19] =	ssyncset.done $0x0  }
0x3e: {  	s28 =	simm.s32 $0x2900;
	[sflag:s19] =	ssyncadd.s32 $0xFFFFE000  }
0x3f: {  	[spmem:s3] =	stream.indirect.scatter.add.f32 [tilespmem:s24], [sflag:$0x4], $0x40, s28, s20, $0xb8;
	[tilespmem:$0x1F000] =	vst v63  }
0x40: {  	_ =	swait.ge [sflag:s25], $0x2000  }
0x41: {  	[sflag:s25] =	ssyncset.done $0x0  }
0x42: {  	s23 =	simm.s32 $0x600;
	s26 =	simm.s32 $0x280;
	[sflag:s25] =	ssyncadd.s32 $0xFFFFE000  }
.LBB2_2:
0x43: {  	[tilespmem:s24], [sflag:$0x3] =	stream.indirect.gather [spmem:s2], $0x40, s26, s20, $0xb8;
	[tilespmem:$0x1F000] =	vst v63  }
0x44: {  	s26 =	smov.u32 s23  }
0x45: {  	p0 =	sne.s32 s23, $0x9000;
	s23 =	sadd.s32 $0x600, s23;
	_ =	swait.ge [sflag:s17], $0x2000  }
0x46: {  	s26 =	sshra.s32 s26, $0x2;
	[sflag:s17] =	ssyncset.done $0x0  }
0x47: {  	s28 =	sadd.s32 $0x2800, s26;
	[sflag:s17] =	ssyncadd.s32 $0xFFFFE000  }
0x48: {  	[spmem:s3] =	stream.indirect.scatter.add.f32 [tilespmem:s21], [sflag:$0x4], $0x40, s28, s20, $0xb8;
	[tilespmem:$0x1F000] =	vst v63  }
0x49: {  	_ =	swait.ge [sflag:s25], $0x2000  }
0x4a: {  	[sflag:s25] =	ssyncset.done $0x0  }
0x4b: {  	s28 =	sadd.s32 $0x180, s26;
	[sflag:s25] =	ssyncadd.s32 $0xFFFFE000  }
0x4c: {  	[tilespmem:s21], [sflag:$0x1] =	stream.indirect.gather [spmem:s2], $0x40, s28, s20, $0xb8;
	[tilespmem:$0x1F000] =	vst v63  }
0x4d: {  	_ =	swait.ge [sflag:s18], $0x2000  }
0x4e: {  	[sflag:s18] =	ssyncset.done $0x0  }
0x4f: {  	s28 =	sadd.s32 $0x2880, s26;
	[sflag:s18] =	ssyncadd.s32 $0xFFFFE000  }
0x50: {  	[spmem:s3] =	stream.indirect.scatter.add.f32 [tilespmem:s22], [sflag:$0x4], $0x40, s28, s20, $0xb8;
	[tilespmem:$0x1F000] =	vst v63  }
0x51: {  	_ =	swait.ge [sflag:s25], $0x2000  }
0x52: {  	[sflag:s25] =	ssyncset.done $0x0  }
0x53: {  	s28 =	sadd.s32 $0x200, s26;
	[sflag:s25] =	ssyncadd.s32 $0xFFFFE000  }
0x54: {  	[tilespmem:s22], [sflag:$0x2] =	stream.indirect.gather [spmem:s2], $0x40, s28, s20, $0xb8;
	[tilespmem:$0x1F000] =	vst v63  }
0x55: {  	_ =	swait.ge [sflag:s19], $0x2000  }
0x56: {  	[sflag:s19] =	ssyncset.done $0x0  }
.Ltmp0:
0x57: {  	s28 =	sadd.s32 $0x2900, s26;
	[sflag:s19] =	ssyncadd.s32 $0xFFFFE000;
	(pc) =	sbr.rel @p0 .LBB2_2-.Ltmp0, $4  }
0x58: {  	[spmem:s3] =	stream.indirect.scatter.add.f32 [tilespmem:s24], [sflag:$0x4], $0x40, s28, s20, $0xb8;
	[tilespmem:$0x1F000] =	vst v63  }
0x59: {  	_ =	swait.ge [sflag:s25], $0x2000  }
0x5a: {  	[sflag:s25] =	ssyncset.done $0x0  }
0x5b: {  	s26 =	sadd.s32 $0x280, s26;
	[sflag:s25] =	ssyncadd.s32 $0xFFFFE000  }
0x5c: {  	[tilespmem:s24], [sflag:$0x3] =	stream.indirect.gather [spmem:s2], $0x40, s26, s20, $0xb8;
	[tilespmem:$0x1F000] =	vst v63  }
0x5d: {  	_ =	swait.ge [sflag:s17], $0x2000  }
0x5e: {  	[sflag:s17] =	ssyncset.done $0x0  }
0x5f: {  	s23 =	simm.s32 $0x4D80;
	[sflag:s17] =	ssyncadd.s32 $0xFFFFE000  }
0x60: {  	[spmem:s3] =	stream.indirect.scatter.add.f32 [tilespmem:s21], [sflag:$0x4], $0x40, s23, s20, $0xb8;
	[tilespmem:$0x1F000] =	vst v63  }
0x61: {  	_ =	swait.ge [sflag:s25], $0x2000  }
0x62: {  	[sflag:s25] =	ssyncset.done $0x0  }
0x63: {  	s26 =	simm.s32 $0x2700;
	[sflag:s25] =	ssyncadd.s32 $0xFFFFE000  }
0x64: {  	[tilespmem:s21], [sflag:$0x1] =	stream.indirect.gather [spmem:s2], $0x40, s26, s20, $0xb8;
	[tilespmem:$0x1F000] =	vst v63  }
0x65: {  	_ =	swait.ge [sflag:s18], $0x2000  }
0x66: {  	[sflag:s18] =	ssyncset.done $0x0  }
0x67: {  	[sflag:s18] =	ssyncadd.s32 $0xFFFFE000  }
0x68: {  	[spmem:s3] =	stream.indirect.scatter.add.f32 [tilespmem:s22], [sflag:$0x4], $0x40, s29, s20, $0xb8;
	[tilespmem:$0x1F000] =	vst v63  }
0x69: {  	_ =	swait.ge [sflag:s25], $0x2000  }
0x6a: {  	[sflag:s25] =	ssyncset.done $0x0  }
0x6b: {  	[sflag:s25] =	ssyncadd.s32 $0xFFFFE000  }
0x6c: {  	[tilespmem:s22], [sflag:$0x2] =	stream.indirect.gather [spmem:s2], $0x40, s30, s20, $0xb8;
	[tilespmem:$0x1F000] =	vst v63  }
0x6d: {  	_ =	swait.ge [sflag:s19], $0x2000  }
0x6e: {  	[sflag:s19] =	ssyncset.done $0x0  }
0x6f: {  	[sflag:s19] =	ssyncadd.s32 $0xFFFFE000  }
0x70: {  	[spmem:s3] =	stream.indirect.scatter.add.f32 [tilespmem:s24], [sflag:$0x4], $0x40, s31, s20, $0xb8;
	[tilespmem:$0x1F000] =	vst v63  }
0x71: {  	_ =	swait.ge [sflag:s25], $0x2000  }
0x72: {  	[sflag:s25] =	ssyncset.done $0x0  }
0x73: {  	[sflag:s25] =	ssyncadd.s32 $0xFFFFE000  }
0x74: {  	_ =	swait.ge [sflag:s17], $0x2000  }
0x75: {  	[sflag:s17] =	ssyncset.done $0x0  }
0x76: {  	[sflag:s17] =	ssyncadd.s32 $0xFFFFE000  }
0x77: {  	[spmem:s3] =	stream.indirect.scatter.add.f32 [tilespmem:s21], [sflag:$0x4], $0x40, s0, s20, $0xb8;
	[tilespmem:$0x1F000] =	vst v63  }
0x78: {  	_ =	swait.ge [sflag:s25], $0x2000  }
0x79: {  	[sflag:s25] =	ssyncset.done $0x0  }
0x7a: {  	[sflag:s25] =	ssyncadd.s32 $0xFFFFE000  }
0x7b: {  	_ =	swait.ge [sflag:s18], $0x2000  }
0x7c: {  	[sflag:s18] =	ssyncset.done $0x0  }
0x7d: {  	[sflag:s18] =	ssyncadd.s32 $0xFFFFE000  }
0x7e: {  	[spmem:s3] =	stream.indirect.scatter.add.f32 [tilespmem:s22], [sflag:$0x4], $0x40, s1, s20, $0xb8;
	[tilespmem:$0x1F000] =	vst v63  }
0x7f: {  	_ =	swait.ge [sflag:s25], $0x2000  }
0x80: {  	s13 =	sadd.s32 $0x1, s13;
	[sflag:s25] =	ssyncset.done $0x0  }
0x81: {  	p0 =	sne.s32 s13, s12;
	[sflag:s25] =	ssyncadd.s32 $0xFFFFE000  }
.Ltmp1:
0x82: {  	s28 =	sor.u32 $0x1C04, s7;
	[bflag:$0x0] =	sbarrier.arrive $0xFFFF;
	(pc) =	sbr.rel @p0 .LBB2_1-.Ltmp1, $4  }
0x83: {  	[hbm:s11], [sflag:s28] =	dma.local [spmem:s16], $0x1400  }
0x84: {  	_ =	swait.ge [sflag:s25], $0x1400  }
0x85: {  	[sflag:s25] =	ssyncset.done $0x0  }
0x86: {  	[sflag:s25] =	ssyncadd.s32 $0xFFFFEC00  }
0x87: {  	_ =	sfence.sel $0x180000  }
0x88: {  	[bflag:$0x0] =	sbarrier.arrive $0xFFFF  }
0x89: {  	_ =	strace $0x9000004D  }
0x8a: {  	s0 =	stileid.u32;
	[bflag:$0x2] =	sbarrier.arrive $0xFFFF  }
0x8b: {  	p0 =	sne.s32 s0, $0x0;
	s0 =	rddreg [dreg:$0x4]  }
0x8c: {  	s0 =	sadd.s32 @!p0 $0x100000, s0  }
0x8d: {  	[sflag:s0] =	ssyncadd.tile.s32 @!p0 $0x1;
	_ =	shalt  }
.Lfunc_end2:
_tile_overlayer_lowered:
.L_overlay_start_2:
0x8e: {  	(tag) =	ssettag $0x2  }
0x8f: {  	s0 =	rddreg [dreg:$0x0];
	s2 =	stileid.u32  }
0x90: {  	s1 =	rddreg [dreg:$0x1];
	p0 =	sne.s32 s2, $0x0  }
0x91: {  	s3 =	rddreg [dreg:$0x2];
	[bflag:$0x3] =	sbarrier.arrive $0xFFFF;
	s2 =	simm.s32 @!p0 $0x1C04  }
0x92: {  	[timem:s3], [sflag:s2] =	dma.local @!p0 [hbm:s0], s1  }
0x93: {  	s0 =	simm.s32 @!p0 $0x4  }
0x94: {  	_ =	swait.ge @!p0 [sflag:s0], s1  }
0x95: {  	s1 =	ssub.s32 @!p0 $0x0, s1;
	[sflag:s0] =	ssyncset.done @!p0 $0x0  }
0x96: {  	[sflag:s0] =	ssyncadd.s32 @!p0 s1  }
0x97: {  	[bflag:$0x3] =	sbarrier.arrive $0xFFFF  }
0x98: {  	_ =	shalt  }

// kernel: kernel.20.cloned.1.call-start
scs
__scs_entry_jumppad:
0x0: {  	(pc) =	sbr.rel $0x88, $3  }
0x1: {  	(tag) =	ssettag $0x0;
	lr =	simm.s32 $0x1  }
0x2: {  	[smem:$0x3F97] =	sst lr;
	_ =	strace $0xD0000000  }
0x3: {  	_ = 	snop  }
0x4: {  	_ = 	snop  }
0x5: {  	_ = 	snop  }
0x6: {  	_ = 	snop  }
0x7: {  	_ = 	snop  }
__scs_overlays_trampoline_lowered:
0x8: {  	[smem:$0x3FA6] =	sst s0  }
0x9: {  	[smem:$0x3FA7] =	sst s1  }
0xa: {  	[smem:$0x3FA8] =	sst s2  }
0xb: {  	[smem:$0x3FA9] =	sst s3  }
0xc: {  	[smem:$0x3FAA] =	sst s4  }
0xd: {  	[smem:$0x3FAB] =	sst s5  }
0xe: {  	[smem:$0x3FAC] =	sst s6  }
0xf: {  	[smem:$0x3FAD] =	sst s7  }
0x10: {  	[smem:$0x3FAE] =	sst s8  }
0x11: {  	[smem:$0x3FAF] =	sst s9;
	s0 =	simm.s32 @!p0 $0x0  }
0x12: {  	s1 =	sld [smem:$0x3F95];
	s0 =	simm.s32 @p0 $0x1  }
0x13: {  	[smem:$0x3FB0] =	sst s0;
	s0 =	simm.s32 @!p1 $0x0  }
0x14: {  	s2 =	sld [smem:$0x3F94];
	s0 =	simm.s32 @p1 $0x1  }
0x15: {  	[smem:$0x3FB1] =	sst s0;
	s0 =	simm.s32 @!p2 $0x0  }
0x16: {  	s3 =	sld [smem:$0x3FDB];
	s0 =	simm.s32 @p2 $0x1  }
0x17: {  	s4 =	simm.s32 $0x1BF5;
	[smem:$0x3FB3] =	sst s0  }
0x18: {  	s0 =	sld [smem:$0x3F96];
	_ =	swait.ge [sflag:s4], $0x0  }
0x19: {  	s7 =	sld [smem:$0x3F97]  }
0x1a: {  	s8 =	sadd.s32 $0xFFFFE003, lr  }
0x1b: {  	s9 =	sadd.s32 $0xFFFFFEF7, lr;
	s5 =	simm.s32 $0xFFFFFFFF;
	p2 =	slt.u32 s8, $0xFFFFF086  }
0x1c: {  	p1 =	slt.u32 s9, $0xF7A;
	s5 =	simm.s32 @!p2 $0x0  }
0x1d: {  	s5 =	simm.s32 @p1 $0x1;
	p0 =	seq.s32 s7, s2  }
0x1e: {  	s7 =	smul.u32 @!p0 $0xF7A, s2;
	p2 =	seq.s32 @!p0 s5, $0x0  }
0x1f: {  	s9 =	smul.u32 $0xF7A, s1;
	s8 =	simm.s32 @!p0 $0x1BF5;
	p2 =	por !p2, p0  }
0x20: {  	[sflag:s8] =	ssyncset.s32 @!p0 $0xFFFFF086;
	s6 =	sadd.s32 @!p0 s3, s7;
	s7 =	simm.s32 @!p0 $0x108  }
0x21: {  	s3 =	sadd.s32 s3, s9;
	s6 =	sadd.s32 @!p0 $0x88, s6;
	s7 =	simm.s32 @p2 $0x1082  }
0x22: {  	[simem:s7], [sflag:s8] =	dma.local @!p0 [hbm:s6], $0xF7A  }
0x23: {  	s9 =	sor.u32 $0xD0000000, s2;
	s6 =	simm.s32 $0x108;
	_ =	swait.ge @!p0 [sflag:s8], $0x0  }
0x24: {  	s3 =	sadd.s32 $0x88, s3;
	s6 =	simm.s32 @!p1 $0x1082;
	[sflag:s4] =	ssyncset.s32 $0xFFFFF086  }
0x25: {  	[simem:s6], [sflag:s4] =	dma.local [hbm:s3], $0xF7A  }
0x26: {  	[smem:$0x3F97] =	sst s1;
	(tag) =	ssettag s2;
	_ =	strace s9  }
0x27: {  	s1 =	sld [smem:$0x3FA7]  }
0x28: {  	s2 =	sld [smem:$0x3FA8]  }
0x29: {  	s4 =	sld [smem:$0x3FAA]  }
0x2a: {  	p0 =	seq.s32 s5, $0x0;
	s5 =	sld [smem:$0x3FAB]  }
0x2b: {  	s6 =	sld [smem:$0x3FAC]  }
0x2c: {  	s7 =	sld [smem:$0x3FAD]  }
0x2d: {  	s3 =	simm.s32 $0x108;
	s8 =	sld [smem:$0x3FAE]  }
0x2e: {  	s3 =	simm.s32 @!p0 $0x1082;
	s9 =	sld [smem:$0x3FAF]  }
0x2f: {  	lr =	sadd.s32 s0, s3;
	s0 =	sld [smem:$0x3FA6]  }
0x30: {  	s3 =	sld [smem:$0x3FA9]  }
0x31: {  	[smem:$0x3FB2] =	sst s10  }
0x32: {  	s10 =	sld [smem:$0x3FB0];
	_ =	sdelay $0x3  }
0x33: {  	p0 =	seq.s32 s10, $0x1;
	s10 =	sld [smem:$0x3FB2];
	_ =	sdelay $0x3  }
0x34: {  	[smem:$0x3FB2] =	sst s10  }
0x35: {  	s10 =	sld [smem:$0x3FB1];
	_ =	sdelay $0x3  }
0x36: {  	p1 =	seq.s32 s10, $0x1;
	s10 =	sld [smem:$0x3FB2];
	_ =	sdelay $0x3  }
0x37: {  	[smem:$0x3FB2] =	sst s10  }
0x38: {  	s10 =	sld [smem:$0x3FB3]  }
0x39: {  	_ = 	snop;
	(pc) =	sbr.ind lr, $3  }
0x3a: {  	_ = 	snop  }
0x3b: {  	_ = 	snop  }
0x3c: {  	p2 =	seq.s32 s10, $0x1;
	s10 =	sld [smem:$0x3FB2]  }
0x3d: {  	_ =	shalt  }
0x3e: {  	_ =	shalt  }
0x3f: {  	_ =	shalt  }
0x40: {  	_ =	shalt  }
0x41: {  	_ =	shalt  }
0x42: {  	_ =	shalt  }
0x43: {  	_ =	shalt  }
0x44: {  	_ =	shalt  }
0x45: {  	_ =	shalt  }
0x46: {  	_ =	shalt  }
0x47: {  	_ =	shalt  }
0x48: {  	_ =	shalt  }
0x49: {  	_ =	shalt  }
0x4a: {  	_ =	shalt  }
0x4b: {  	_ =	shalt  }
0x4c: {  	_ =	shalt  }
0x4d: {  	_ =	shalt  }
0x4e: {  	_ =	shalt  }
0x4f: {  	_ =	shalt  }
0x50: {  	_ =	shalt  }
0x51: {  	_ =	shalt  }
0x52: {  	_ =	shalt  }
0x53: {  	_ =	shalt  }
0x54: {  	_ =	shalt  }
0x55: {  	_ =	shalt  }
0x56: {  	_ =	shalt  }
0x57: {  	_ =	shalt  }
0x58: {  	_ =	shalt  }
0x59: {  	_ =	shalt  }
0x5a: {  	_ =	shalt  }
0x5b: {  	_ =	shalt  }
0x5c: {  	_ =	shalt  }
0x5d: {  	_ =	shalt  }
0x5e: {  	_ =	shalt  }
0x5f: {  	_ =	shalt  }
0x60: {  	_ =	shalt  }
0x61: {  	_ =	shalt  }
0x62: {  	_ =	shalt  }
0x63: {  	_ =	shalt  }
0x64: {  	_ =	shalt  }
0x65: {  	_ =	shalt  }
0x66: {  	_ =	shalt  }
0x67: {  	_ =	shalt  }
0x68: {  	_ =	shalt  }
0x69: {  	_ =	shalt  }
0x6a: {  	_ =	shalt  }
0x6b: {  	_ =	shalt  }
0x6c: {  	_ =	shalt  }
0x6d: {  	_ =	shalt  }
0x6e: {  	_ =	shalt  }
0x6f: {  	_ =	shalt  }
0x70: {  	_ =	shalt  }
0x71: {  	_ =	shalt  }
0x72: {  	_ =	shalt  }
0x73: {  	_ =	shalt  }
0x74: {  	_ =	shalt  }
0x75: {  	_ =	shalt  }
0x76: {  	_ =	shalt  }
0x77: {  	_ =	shalt  }
0x78: {  	_ =	shalt  }
0x79: {  	_ =	shalt  }
0x7a: {  	_ =	shalt  }
0x7b: {  	_ =	shalt  }
0x7c: {  	_ =	shalt  }
0x7d: {  	_ =	shalt  }
0x7e: {  	_ =	shalt  }
0x7f: {  	_ =	shalt  }
0x80: {  	_ =	shalt  }
0x81: {  	_ =	shalt  }
0x82: {  	_ =	shalt  }
0x83: {  	_ =	shalt  }
0x84: {  	_ =	shalt  }
0x85: {  	_ =	shalt  }
0x86: {  	_ =	shalt  }
0x87: {  	_ =	shalt  }
.Lfunc_end0:
.L_simem_size_0:
called_computation.3_lowered:
.L_overlay_start_0:
0x88: {  	s2 =	sld [smem:$0x3FD9]  }
0x89: {  	s3 =	sld [smem:$0x3FFE];
	_ =	sdelay $0x1  }
0x8a: {  	s1 =	srdreg.scid  }
0x8b: {  	s0 =	sand.u32 $0x1, s1  }
0x8c: {  	s14 =	sshll.u32 s0, $0xA;
	s2 =	sadd.s32 s3, s2  }
0x8d: {  	s2 =	sadd.s32 s2, s14  }
0x8e: {  	[smem:$0x3FBE] =	sst s2  }
0x8f: {  	_ = 	snop  }
0x90: {  	s2 =	sld [smem:$0x3FD0];
	_ =	sdelay $0x2  }
0x91: {  	s15 =	simm.s32 $0xB;
	s4 =	simm.s32 $0x10  }
0x92: {  	[smem:s4], [sflag:s15] =	dma.local [hbm:s2], $0x1  }
0x93: {  	_ =	swait.eq [sflag:s15], $0x1  }
0x94: {  	[sflag:s15] =	ssyncset.done $0x0  }
0x95: {  	s16 =	sld [smem:$0x10];
	[sflag:s15] =	ssyncadd.s32 $0xFFFFFFFF  }
0x96: {  	s17 =	sld [smem:$0x11];
	(tm) =	ssettm $0x1  }
0x97: {  	s18 =	sld [smem:$0x3FFB];
	_ =	sdelay $0x3  }
0x98: {  	_ =	strace s18  }
0x99: {  	s4 =	sld [smem:$0x3FFC];
	_ =	sdelay $0x3  }
0x9a: {  	_ =	strace s4  }
0x9b: {  	s4 =	sld [smem:$0x3FFD];
	_ =	sdelay $0x3  }
0x9c: {  	_ =	strace s4  }
0x9d: {  	_ =	strace $0x8FFFFFFF  }
0x9e: {  	s19 =	sld [smem:$0x3FDB];
	_ =	sdelay $0x1  }
0x9f: {  	s5 =	simm.s32 $_scs_section_size  }
0xa0: {  	s6 =	simm.s32 $_size__tile_overlayer_lowered;
	s7 =	simm.s32 $_tile_overlayer_lowered  }
0xa1: {  	s22 =	simm.s32 $0x1BFF;
	s21 =	sshll.u32 s7, $0x1;
	s4 =	sadd.s32 s5, s19  }
0xa2: {  	s8 =	simm.s32 $0x0;
	s20 =	sshll.u32 s6, $0x1;
	s6 =	sadd.s32 s21, s4  }
0xa3: {  	[timem:s8], [sflag:s22] =	dma.local [hbm:s6], s20  }
0xa4: {  	_ =	swait.ge [sflag:s22], s20  }
0xa5: {  	s5 =	ssub.s32 $0x0, s20;
	[sflag:s22] =	ssyncset.done $0x0  }
0xa6: {  	[sflag:s22] =	ssyncadd.s32 s5;
	_ =	sdelay $0x1  }
0xa7: {  	s23 =	simm.s32 $0x1B8B  }
0xa8: {  	_ =	swait.ge [sflag:s23], $0x1  }
0xa9: {  	[sflag:s23] =	ssyncset.done $0x0  }
0xaa: {  	s25 =	simm.s32 $0x1B8E;
	s24 =	sld [smem:$0x3FFE];
	[sflag:s23] =	ssyncadd.s32 $0xFFFFFFFF  }
0xab: {  	s26 =	simm.s32 $execute0_lowered;
	[smem:$0x3FD2] =	sst s25  }
0xac: {  	s6 =	sshll.u32 s26, $0x1;
	_ =	strace $0x8000004F;
	[dreg:$0x1] =	wrdreg $0xFFFFFFFF  }
0xad: {  	s28 =	simm.s32 $_size_execute0_lowered;
	s4 =	sadd.s32 s4, s6;
	[dreg:$0x0] =	wrdreg $0x0  }
0xae: {  	s6 =	sshll.u32 s28, $0x1;
	[dreg:$0x2] =	wrdreg s4  }
0xaf: {  	[dreg:$0x3] =	wrdreg s6  }
0xb0: {  	[dreg:$0x4] =	wrdreg $0xC0  }
0xb1: {  	_ =	task [dreg:s8], $0x5FFFF  }
0xb2: {  	[dreg:$0x1] =	wrdreg $0xFFFFFFFF  }
0xb3: {  	[dreg:$0x0] =	wrdreg $0x60  }
0xb4: {  	[dreg:$0x2] =	wrdreg s17  }
0xb5: {  	[dreg:$0x3] =	wrdreg s16  }
0xb6: {  	[dreg:$0x4] =	wrdreg s24  }
0xb7: {  	[dreg:$0x5] =	wrdreg $0x50000  }
0xb8: {  	[dreg:$0x6] =	wrdreg $0xF0000  }
0xb9: {  	[dreg:$0x7] =	wrdreg $0x9  }
0xba: {  	_ =	task.clear_ibuf [dreg:s8], $0x8FFFF;
	_ =	strace $0x9000004F  }
0xbb: {  	s29 =	simm.s32 $0x9;
	_ =	strace $0x80000051  }
0xbc: {  	_ =	swait.ge [sflag:s29], $0x1  }
0xbd: {  	[sflag:s29] =	ssyncadd.s32 $0xFFFFFFFF  }
0xbe: {  	_ =	strace $0x90000051  }
0xbf: {  	_ =	sfence  }
0xc0: {  	s30 =	sld [smem:$0x0];
	_ =	sdelay $0x2  }
0xc1: {  	s31 =	sshll.u32 s1, $0xD;
	s1 =	sshrl.u32 s1, $0x2  }
0xc2: {  	s3 =	sand.u32 $0x4000, s31;
	s1 =	sadd.s32 s1, s30  }
0xc3: {  	s0 =	sor.u32 s3, s0;
	s1 =	sshll.u32 s1, $0x11  }
0xc4: {  	s0 =	sor.u32 s1, s0  }
0xc5: {  	s0 =	sadd.s32 $0x8F2B, s0  }
0xc6: {  	[sflag:s0] =	ssyncadd.remote.s32 $0x1  }
0xc7: {  	_ =	sfence.sel $0xFFFF  }
0xc8: {  	[dreg:$0x0] =	wrdreg $0xFFFFFFFF;
	(pc) =	sbr.abs _section_cstart, $3  }
0xc9: {  	[dreg:$0x1] =	wrdreg $0xFFFFFFFF  }
0xca: {  	_ =	task.clear_ibuf [dreg:s8], $0x2FFFF;
	_ =	strace $0x9FFFFFFF  }
0xcb: {  	(tm) =	ssettm $0x7FFFFFFF  }
tec
execute0_lowered:
.L_overlay_start_1:
0x0: {  	(tag) =	ssettag $0x1  }
0x1: {  	s0 =	rddreg [dreg:$0x0]  }
0x2: {  	s1 =	rddreg [dreg:$0x1]  }
0x3: {  	s5 =	rddreg [dreg:$0x2]  }
0x4: {  	s2 =	rddreg [dreg:$0x3]  }
0x5: {  	s3 =	rddreg [dreg:$0x4]  }
0x6: {  	s4 =	srdreg.scid;
	s14 =	stileid.u32  }
0x7: {  	s17 =	simm.s32 $0x1;
	s18 =	simm.s32 $0x2;
	s19 =	simm.s32 $0x3  }
0x8: {  	s20 =	simm.s32 $0x80;
	s21 =	simm.s32 $0x19000;
	s22 =	simm.s32 $0x1B000  }
0x9: {  	s24 =	simm.s32 $0x1D000;
	s25 =	simm.s32 $0x4;
	s29 =	simm.s32 $0x4E00  }
0xa: {  	s30 =	simm.s32 $0x2780;
	s31 =	simm.s32 $0x4E80;
	s6 =	sand.u32 $0x1, s4  }
0xb: {  	s4 =	simm.s32 $0x0;
	s10 =	smul.u32 $0xA000, s14;
	s7 =	sshll.u32 s6, $0x4  }
0xc: {  	[smem:$0x7FF] =	sst s4;
	s8 =	smul.u32 $0xA0000, s6;
	s6 =	ssub.s32 $0x2, s6  }
0xd: {  	s7 =	sor.u32 s14, s7;
	_ =	strace $0x80000050;
	s9 =	sshrl.u32 s10, $0x3  }
0xe: {  	s12 =	sshrl.u32 s6, $0x1;
	s26 =	sadd.s32 s10, s2;
	s28 =	sadd.s32 s10, s3  }
0xf: {  	s7 =	smul.u32 $0x2800, s7;
	s11 =	sadd.s32 s9, s5;
	s8 =	sadd.s32 s10, s8  }
0x10: {  	s12 =	ssub.s32 s6, s12;
	s16 =	sshrl.u32 s28, $0x3;
	s8 =	sshrl.u32 s8, $0x3  }
0x11: {  	s10 =	sadd.s32 $0x55A00, s11;
	s12 =	smax.u32 s12, $0x1;
	s7 =	sshrl.u32 s7, $0x3  }
0x12: {  	s13 =	sadd.s32 s8, s5;
	s8 =	sadd.s32 s0, s9;
	s0 =	simm.s32 $0x4F00  }
0x13: {  	s5 =	sadd.s32 s1, s7;
	s7 =	sshll.u32 s14, $0x6;
	s11 =	sadd.s32 $0x69A00, s13  }
0x14: {  	s14 =	sshrl.u32 s26, $0x3;
	s1 =	simm.s32 $0x4F80;
	s13 =	simm.s32 $0x0  }
0x15: {  	s6 =	sadd.s32 $0xA000, s5;
	s9 =	sor.u32 $0x1C03, s7;
	s15 =	sor.u32 $0x1C01, s7  }
.LBB2_1:
0x16: {  	[tilespmem:s4], [sflag:$0x1] =	stream.linear.gather [hbm4b:s5+s4], $0x2800, $0x38;
	[tilespmem:$0x1F000] =	vst v63  }
0x17: {  	s23 =	simm.s32 $0x2800  }
0x18: {  	[tilespmem:s23], [sflag:$0x2] =	stream.linear.gather [hbm4b:s6+s4], $0x2800, $0x38;
	[tilespmem:$0x1F000] =	vst v63  }
0x19: {  	[spmem:s14], [sflag:s9] =	dma.local [hbm:s8], $0x1400  }
0x1a: {  	[spmem:s16], [sflag:s15] =	dma.local [hbm:s10], $0x1400  }
0x1b: {  	_ =	swait.ge [sflag:s17], $0x2800  }
0x1c: {  	[sflag:s17] =	ssyncset.done $0x0  }
0x1d: {  	[sflag:s17] =	ssyncadd.s32 $0xFFFFD800  }
0x1e: {  	_ =	swait.ge [sflag:s18], $0x2800  }
0x1f: {  	[sflag:s18] =	ssyncset.done $0x0  }
0x20: {  	[sflag:s18] =	ssyncadd.s32 $0xFFFFD800  }
0x21: {  	_ =	swait.ge [sflag:s19], $0x1400  }
0x22: {  	[sflag:s19] =	ssyncset.done $0x0  }
0x23: {  	[sflag:s19] =	ssyncadd.s32 $0xFFFFEC00  }
0x24: {  	_ =	swait.ge [sflag:s17], $0x1400  }
0x25: {  	[sflag:s17] =	ssyncset.done $0x0  }
0x26: {  	[sflag:s17] =	ssyncadd.s32 $0xFFFFEC00  }
0x27: {  	[bflag:$0x0] =	sbarrier.arrive $0xFFFF  }
0x28: {  	[tilespmem:s21], [sflag:$0x1] =	stream.indirect.gather [spmem:s2], $0x40, s4, s20, $0xb8;
	[tilespmem:$0x1F000] =	vst v63  }
0x29: {  	_ = 	snop  }
0x2a: {  	[tilespmem:s22], [sflag:$0x2] =	stream.indirect.gather [spmem:s2], $0x40, s20, s20, $0xb8;
	[tilespmem:$0x1F000] =	vst v63  }
0x2b: {  	s26 =	simm.s32 $0x100  }
0x2c: {  	[tilespmem:s24], [sflag:$0x3] =	stream.indirect.gather [spmem:s2], $0x40, s26, s20, $0xb8;
	[tilespmem:$0x1F000] =	vst v63  }
0x2d: {  	_ =	swait.ge [sflag:s17], $0x2000  }
0x2e: {  	[sflag:s17] =	ssyncset.done $0x0  }
0x2f: {  	s28 =	simm.s32 $0x2800;
	[sflag:s17] =	ssyncadd.s32 $0xFFFFE000  }
0x30: {  	[spmem:s3] =	stream.indirect.scatter.add.f32 [tilespmem:s21], [sflag:$0x4], $0x40, s28, s20, $0xb8;
	[tilespmem:$0x1F000] =	vst v63  }
0x31: {  	_ =	swait.ge [sflag:s25], $0x2000  }
0x32: {  	[sflag:s25] =	ssyncset.done $0x0  }
0x33: {  	s26 =	simm.s32 $0x180;
	[sflag:s25] =	ssyncadd.s32 $0xFFFFE000  }
0x34: {  	[tilespmem:s21], [sflag:$0x1] =	stream.indirect.gather [spmem:s2], $0x40, s26, s20, $0xb8;
	[tilespmem:$0x1F000] =	vst v63  }
0x35: {  	_ =	swait.ge [sflag:s18], $0x2000  }
0x36: {  	[sflag:s18] =	ssyncset.done $0x0  }
0x37: {  	s28 =	simm.s32 $0x2880;
	[sflag:s18] =	ssyncadd.s32 $0xFFFFE000  }
0x38: {  	[spmem:s3] =	stream.indirect.scatter.add.f32 [tilespmem:s22], [sflag:$0x4], $0x40, s28, s20, $0xb8;
	[tilespmem:$0x1F000] =	vst v63  }
0x39: {  	_ =	swait.ge [sflag:s25], $0x2000  }
0x3a: {  	[sflag:s25] =	ssyncset.done $0x0  }
0x3b: {  	s26 =	simm.s32 $0x200;
	[sflag:s25] =	ssyncadd.s32 $0xFFFFE000  }
0x3c: {  	[tilespmem:s22], [sflag:$0x2] =	stream.indirect.gather [spmem:s2], $0x40, s26, s20, $0xb8;
	[tilespmem:$0x1F000] =	vst v63  }
0x3d: {  	_ =	swait.ge [sflag:s19], $0x2000  }
0x3e: {  	[sflag:s19] =	ssyncset.done $0x0  }
0x3f: {  	s28 =	simm.s32 $0x2900;
	[sflag:s19] =	ssyncadd.s32 $0xFFFFE000  }
0x40: {  	[spmem:s3] =	stream.indirect.scatter.add.f32 [tilespmem:s24], [sflag:$0x4], $0x40, s28, s20, $0xb8;
	[tilespmem:$0x1F000] =	vst v63  }
0x41: {  	_ =	swait.ge [sflag:s25], $0x2000  }
0x42: {  	[sflag:s25] =	ssyncset.done $0x0  }
0x43: {  	s23 =	simm.s32 $0x600;
	s26 =	simm.s32 $0x280;
	[sflag:s25] =	ssyncadd.s32 $0xFFFFE000  }
.LBB2_2:
0x44: {  	[tilespmem:s24], [sflag:$0x3] =	stream.indirect.gather [spmem:s2], $0x40, s26, s20, $0xb8;
	[tilespmem:$0x1F000] =	vst v63  }
0x45: {  	s26 =	smov.u32 s23  }
0x46: {  	p0 =	sne.s32 s23, $0x9000;
	s23 =	sadd.s32 $0x600, s23;
	_ =	swait.ge [sflag:s17], $0x2000  }
0x47: {  	s26 =	sshra.s32 s26, $0x2;
	[sflag:s17] =	ssyncset.done $0x0  }
0x48: {  	s28 =	sadd.s32 $0x2800, s26;
	[sflag:s17] =	ssyncadd.s32 $0xFFFFE000  }
0x49: {  	[spmem:s3] =	stream.indirect.scatter.add.f32 [tilespmem:s21], [sflag:$0x4], $0x40, s28, s20, $0xb8;
	[tilespmem:$0x1F000] =	vst v63  }
0x4a: {  	_ =	swait.ge [sflag:s25], $0x2000  }
0x4b: {  	[sflag:s25] =	ssyncset.done $0x0  }
0x4c: {  	s28 =	sadd.s32 $0x180, s26;
	[sflag:s25] =	ssyncadd.s32 $0xFFFFE000  }
0x4d: {  	[tilespmem:s21], [sflag:$0x1] =	stream.indirect.gather [spmem:s2], $0x40, s28, s20, $0xb8;
	[tilespmem:$0x1F000] =	vst v63  }
0x4e: {  	_ =	swait.ge [sflag:s18], $0x2000  }
0x4f: {  	[sflag:s18] =	ssyncset.done $0x0  }
0x50: {  	s28 =	sadd.s32 $0x2880, s26;
	[sflag:s18] =	ssyncadd.s32 $0xFFFFE000  }
0x51: {  	[spmem:s3] =	stream.indirect.scatter.add.f32 [tilespmem:s22], [sflag:$0x4], $0x40, s28, s20, $0xb8;
	[tilespmem:$0x1F000] =	vst v63  }
0x52: {  	_ =	swait.ge [sflag:s25], $0x2000  }
0x53: {  	[sflag:s25] =	ssyncset.done $0x0  }
0x54: {  	s28 =	sadd.s32 $0x200, s26;
	[sflag:s25] =	ssyncadd.s32 $0xFFFFE000  }
0x55: {  	[tilespmem:s22], [sflag:$0x2] =	stream.indirect.gather [spmem:s2], $0x40, s28, s20, $0xb8;
	[tilespmem:$0x1F000] =	vst v63  }
0x56: {  	_ =	swait.ge [sflag:s19], $0x2000  }
0x57: {  	[sflag:s19] =	ssyncset.done $0x0  }
.Ltmp0:
0x58: {  	s28 =	sadd.s32 $0x2900, s26;
	[sflag:s19] =	ssyncadd.s32 $0xFFFFE000;
	(pc) =	sbr.rel @p0 .LBB2_2-.Ltmp0, $4  }
0x59: {  	[spmem:s3] =	stream.indirect.scatter.add.f32 [tilespmem:s24], [sflag:$0x4], $0x40, s28, s20, $0xb8;
	[tilespmem:$0x1F000] =	vst v63  }
0x5a: {  	_ =	swait.ge [sflag:s25], $0x2000  }
0x5b: {  	[sflag:s25] =	ssyncset.done $0x0  }
0x5c: {  	s26 =	sadd.s32 $0x280, s26;
	[sflag:s25] =	ssyncadd.s32 $0xFFFFE000  }
0x5d: {  	[tilespmem:s24], [sflag:$0x3] =	stream.indirect.gather [spmem:s2], $0x40, s26, s20, $0xb8;
	[tilespmem:$0x1F000] =	vst v63  }
0x5e: {  	_ =	swait.ge [sflag:s17], $0x2000  }
0x5f: {  	[sflag:s17] =	ssyncset.done $0x0  }
0x60: {  	s23 =	simm.s32 $0x4D80;
	[sflag:s17] =	ssyncadd.s32 $0xFFFFE000  }
0x61: {  	[spmem:s3] =	stream.indirect.scatter.add.f32 [tilespmem:s21], [sflag:$0x4], $0x40, s23, s20, $0xb8;
	[tilespmem:$0x1F000] =	vst v63  }
0x62: {  	_ =	swait.ge [sflag:s25], $0x2000  }
0x63: {  	[sflag:s25] =	ssyncset.done $0x0  }
0x64: {  	s26 =	simm.s32 $0x2700;
	[sflag:s25] =	ssyncadd.s32 $0xFFFFE000  }
0x65: {  	[tilespmem:s21], [sflag:$0x1] =	stream.indirect.gather [spmem:s2], $0x40, s26, s20, $0xb8;
	[tilespmem:$0x1F000] =	vst v63  }
0x66: {  	_ =	swait.ge [sflag:s18], $0x2000  }
0x67: {  	[sflag:s18] =	ssyncset.done $0x0  }
0x68: {  	[sflag:s18] =	ssyncadd.s32 $0xFFFFE000  }
0x69: {  	[spmem:s3] =	stream.indirect.scatter.add.f32 [tilespmem:s22], [sflag:$0x4], $0x40, s29, s20, $0xb8;
	[tilespmem:$0x1F000] =	vst v63  }
0x6a: {  	_ =	swait.ge [sflag:s25], $0x2000  }
0x6b: {  	[sflag:s25] =	ssyncset.done $0x0  }
0x6c: {  	[sflag:s25] =	ssyncadd.s32 $0xFFFFE000  }
0x6d: {  	[tilespmem:s22], [sflag:$0x2] =	stream.indirect.gather [spmem:s2], $0x40, s30, s20, $0xb8;
	[tilespmem:$0x1F000] =	vst v63  }
0x6e: {  	_ =	swait.ge [sflag:s19], $0x2000  }
0x6f: {  	[sflag:s19] =	ssyncset.done $0x0  }
0x70: {  	[sflag:s19] =	ssyncadd.s32 $0xFFFFE000  }
0x71: {  	[spmem:s3] =	stream.indirect.scatter.add.f32 [tilespmem:s24], [sflag:$0x4], $0x40, s31, s20, $0xb8;
	[tilespmem:$0x1F000] =	vst v63  }
0x72: {  	_ =	swait.ge [sflag:s25], $0x2000  }
0x73: {  	[sflag:s25] =	ssyncset.done $0x0  }
0x74: {  	[sflag:s25] =	ssyncadd.s32 $0xFFFFE000  }
0x75: {  	_ =	swait.ge [sflag:s17], $0x2000  }
0x76: {  	[sflag:s17] =	ssyncset.done $0x0  }
0x77: {  	[sflag:s17] =	ssyncadd.s32 $0xFFFFE000  }
0x78: {  	[spmem:s3] =	stream.indirect.scatter.add.f32 [tilespmem:s21], [sflag:$0x4], $0x40, s0, s20, $0xb8;
	[tilespmem:$0x1F000] =	vst v63  }
0x79: {  	_ =	swait.ge [sflag:s25], $0x2000  }
0x7a: {  	[sflag:s25] =	ssyncset.done $0x0  }
0x7b: {  	[sflag:s25] =	ssyncadd.s32 $0xFFFFE000  }
0x7c: {  	_ =	swait.ge [sflag:s18], $0x2000  }
0x7d: {  	[sflag:s18] =	ssyncset.done $0x0  }
0x7e: {  	[sflag:s18] =	ssyncadd.s32 $0xFFFFE000  }
0x7f: {  	[spmem:s3] =	stream.indirect.scatter.add.f32 [tilespmem:s22], [sflag:$0x4], $0x40, s1, s20, $0xb8;
	[tilespmem:$0x1F000] =	vst v63  }
0x80: {  	_ =	swait.ge [sflag:s25], $0x2000  }
0x81: {  	s13 =	sadd.s32 $0x1, s13;
	[sflag:s25] =	ssyncset.done $0x0  }
0x82: {  	p0 =	sne.s32 s13, s12;
	[sflag:s25] =	ssyncadd.s32 $0xFFFFE000  }
.Ltmp1:
0x83: {  	s28 =	sor.u32 $0x1C04, s7;
	[bflag:$0x0] =	sbarrier.arrive $0xFFFF;
	(pc) =	sbr.rel @p0 .LBB2_1-.Ltmp1, $4  }
0x84: {  	[hbm:s11], [sflag:s28] =	dma.local [spmem:s16], $0x1400  }
0x85: {  	_ =	swait.ge [sflag:s25], $0x1400  }
0x86: {  	[sflag:s25] =	ssyncset.done $0x0  }
0x87: {  	[sflag:s25] =	ssyncadd.s32 $0xFFFFEC00  }
0x88: {  	_ =	sfence.sel $0x180000  }
0x89: {  	[bflag:$0x0] =	sbarrier.arrive $0xFFFF  }
0x8a: {  	_ =	strace $0x90000050  }
0x8b: {  	s0 =	stileid.u32;
	[bflag:$0x2] =	sbarrier.arrive $0xFFFF  }
0x8c: {  	p0 =	sne.s32 s0, $0x0;
	s0 =	rddreg [dreg:$0x5]  }
0x8d: {  	s0 =	sadd.s32 @!p0 $0x100000, s0  }
0x8e: {  	[sflag:s0] =	ssyncadd.tile.s32 @!p0 $0x1;
	_ =	shalt  }
.Lfunc_end2:
_tile_overlayer_lowered:
.L_overlay_start_2:
0x8f: {  	(tag) =	ssettag $0x2  }
0x90: {  	s0 =	rddreg [dreg:$0x0];
	s2 =	stileid.u32  }
0x91: {  	s1 =	rddreg [dreg:$0x1];
	p0 =	sne.s32 s2, $0x0  }
0x92: {  	s3 =	rddreg [dreg:$0x2];
	[bflag:$0x3] =	sbarrier.arrive $0xFFFF;
	s2 =	simm.s32 @!p0 $0x1C04  }
0x93: {  	[timem:s3], [sflag:s2] =	dma.local @!p0 [hbm:s0], s1  }
0x94: {  	s0 =	simm.s32 @!p0 $0x4  }
0x95: {  	_ =	swait.ge @!p0 [sflag:s0], s1  }
0x96: {  	s1 =	ssub.s32 @!p0 $0x0, s1;
	[sflag:s0] =	ssyncset.done @!p0 $0x0  }
0x97: {  	[sflag:s0] =	ssyncadd.s32 @!p0 s1  }
0x98: {  	[bflag:$0x3] =	sbarrier.arrive $0xFFFF  }
0x99: {  	_ =	shalt  }

</sc_bundles>
